<compile_context>
chip_gen: v7x
topology: tpu7x:2x2x1
jax: 0.10.2.dev20260603
libtpu: 0.0.44.dev20260713+nightly
codegen_flags: <defaults>
</compile_context>

<pallas_src>
import functools
import math

import jax
import jax.numpy as jnp
from jax import lax
from jax.experimental import pallas as pl
from jax.experimental.pallas import tpu as pltpu
from jax.experimental.pallas import tpu_sc as plsc

WS = 12
N = WS * WS
HEADS = 3
TOPK = 64
NBITS = 14


def _gelu(x):
    return 0.5 * x * (1.0 + jax.lax.erf(x * (2.0 ** -0.5)))


def _make_sc_gather(v, d, bsz):
    info = plsc.get_sparse_core_info()
    nc, ns = info.num_cores, info.num_subcores
    nw = nc * ns
    b_per_w = bsz // nw
    mesh = plsc.VectorSubcoreMesh(core_axis_name="c", subcore_axis_name="s")

    @functools.partial(
        pl.kernel, mesh=mesh,
        out_type=jax.ShapeDtypeStruct((bsz, d), jnp.float32),
        scratch_types=[
            pltpu.VMEM((b_per_w,), jnp.int32),
            pltpu.VMEM((b_per_w, d), jnp.float32),
            pltpu.SemaphoreType.DMA,
        ],
    )
    def gather_k(table_hbm, idx_hbm, out_hbm, idx_v, rows_v, sem):
        wid = lax.axis_index("s") * nc + lax.axis_index("c")
        base = wid * b_per_w
        pltpu.sync_copy(idx_hbm.at[pl.ds(base, b_per_w)], idx_v)
        pltpu.async_copy(table_hbm.at[idx_v], rows_v, sem).wait()
        pltpu.sync_copy(rows_v, out_hbm.at[pl.ds(base, b_per_w)])

    return gather_k


def _layer_norm(xf, g, b):
    mu = jnp.mean(xf, axis=-1, keepdims=True)
    xc = xf - mu
    var = jnp.mean(xc * xc, axis=-1, keepdims=True)
    return xc * jax.lax.rsqrt(var + 1e-5) * g + b


def _attn_kernel(x_ref, rpb_ref, wqkv_ref, wqkvb_ref, g1_ref, b1_ref,
                 projw_ref, projb_ref, y_ref, *, wblk, dim):
    hd = dim // HEADS
    scale = hd ** -0.5
    nt = WS * wblk * WS
    xb = x_ref[0]
    xf = xb.reshape(nt, dim)
    xn = _layer_norm(xf, g1_ref[...], b1_ref[...])
    qkv = jnp.dot(xn.astype(jnp.bfloat16), wqkv_ref[...],
                  preferred_element_type=jnp.float32)
    qkv = qkv + wqkvb_ref[...]
    qkv = qkv.reshape(WS, wblk, WS, 4 * dim)

    outs = []
    for w in range(wblk):
        win = qkv[:, w].reshape(N, 4 * dim).astype(jnp.bfloat16)
        pts, us, denoms, vs, lepes = [], [], [], [], []
        for h in range(HEADS):
            q = win[:, h * hd:(h + 1) * hd]
            k = win[:, dim + h * hd: dim + (h + 1) * hd]
            vs.append(win[:, 2 * dim + h * hd: 2 * dim + (h + 1) * hd])
            lepes.append(win[:, 3 * dim + h * hd: 3 * dim + (h + 1) * hd])
            sT = jax.lax.dot_general(k, q, (((1,), (1,)), ((), ())),
                                    preferred_element_type=jnp.float32)
            sT = sT * scale + rpb_ref[h]
            m = jnp.max(sT, axis=0, keepdims=True)
            pT = jnp.exp(sT - m)
            pts.append(pT)
            us.append(jax.lax.bitcast_convert_type(pT, jnp.int32))
            denoms.append(jnp.sum(pT, axis=0, keepdims=True))

        def bit_body(t, ths):
            bit = jnp.int32(1) << (jnp.int32(29) - t)
            new = []
            for u_, th_ in zip(us, ths):
                cand = th_ | bit
                cnt = jnp.sum((u_ >= cand).astype(jnp.float32), axis=0,
                              keepdims=True)
                new.append(jnp.where(cnt >= float(TOPK), cand, th_))
            return tuple(new)

        ths = jax.lax.fori_loop(
            0, NBITS, bit_body,
            tuple(jnp.zeros((1, N), jnp.int32) for _ in range(HEADS)))

        hs = []
        for h in range(HEADS):
            rd = 1.0 / denoms[h]
            atf = jnp.where(us[h] >= ths[h], pts[h] * rd, 0.0)
            at = atf.astype(jnp.bfloat16)
            o = jax.lax.dot_general(at, vs[h], (((0,), (0,)), ((), ())),
                                    preferred_element_type=jnp.float32)
            hs.append(o + lepes[h].astype(jnp.float32))
        yw = jnp.concatenate(hs, axis=1)
        outs.append(yw.reshape(WS, 1, WS, dim))

    y = jnp.concatenate(outs, axis=1)
    yf = y.reshape(nt, dim).astype(jnp.bfloat16)
    yp = jnp.dot(yf, projw_ref[...], preferred_element_type=jnp.float32)
    yp = yp + projb_ref[...]
    y_ref[0] = yp.reshape(WS, wblk, WS, dim) + xb


def _mlp_kernel(yp_ref, yc_ref, yn_ref, g2_ref, b2_ref, fc1w_ref, fc1b_ref,
                dww_ref, dwb_ref, fc2w_ref, fc2b_ref, out_ref, *, dim, hid):
    i = pl.program_id(0)
    nrow = pl.num_programs(0)
    wd = yc_ref.shape[2]
    top = yp_ref[0, WS - 2:WS]
    mid = yc_ref[0]
    bot = yn_ref[0, 0:2]
    rows = jnp.concatenate([top, mid, bot], axis=0)
    nt = (WS + 4) * wd
    xn = _layer_norm(rows.reshape(nt, dim), g2_ref[...], b2_ref[...])
    h1 = jnp.dot(xn.astype(jnp.bfloat16), fc1w_ref[...],
                 preferred_element_type=jnp.float32)
    h1 = _gelu(h1 + fc1b_ref[...]).reshape(WS + 4, wd, hid)

    r = jax.lax.broadcasted_iota(jnp.int32, (WS + 4, 1, 1), 0)
    gr = i * WS - 2 + r
    h1 = h1 * ((gr >= 0) & (gr < nrow * WS)).astype(jnp.float32)

    zpad = jnp.zeros((WS + 4, 2, hid), jnp.bfloat16)
    h1b = h1.astype(jnp.bfloat16)
    h1p = jnp.concatenate([zpad, h1b, zpad], axis=1)
    dwwb = dww_ref[...].astype(jnp.bfloat16)
    shifted = [h1p[:, kx:kx + wd, :] for kx in range(5)]
    acc = jnp.zeros((WS, wd, hid), jnp.bfloat16)
    for ky in range(5):
        for kx in range(5):
            acc = acc + shifted[kx][ky:ky + WS] * dwwb[ky, kx]
    dw = _gelu(acc.astype(jnp.float32) + dwb_ref[...])
    hsum = (h1[2:2 + WS] + dw).reshape(WS * wd, hid).astype(jnp.bfloat16)
    out = jnp.dot(hsum, fc2w_ref[...], preferred_element_type=jnp.float32)
    out = out + fc2b_ref[...]
    out_ref[0] = out.reshape(WS, wd, dim) + mid


def kernel(x, rpi, norm1_g, norm1_b, wqkv_w, wqkv_b, rpb_table, proj_w,
           proj_b, norm2_g, norm2_b, fc1_w, fc1_b, dw_w, dw_b, fc2_w, fc2_b):
    b, ntok, dim = x.shape
    h = w = int(round(math.sqrt(ntok)))
    rw, cw = h // WS, w // WS
    hid = fc1_w.shape[1]
    wblk = 8 if cw % 8 == 0 else (4 if cw % 4 == 0 else 1)
    cwb = cw // wblk

    tablep = jnp.pad(rpb_table,
                     ((0, 0), (0, 128 - HEADS)))
    idx = rpi.T.reshape(-1)
    gath = _make_sc_gather(tablep.shape[0], 128, N * N)(tablep, idx)
    rpb = gath[:, :HEADS].T.reshape(HEADS, N, N)

    xr = x.reshape(rw, WS, cw, WS, dim)

    def rep(rank):
        return lambda *idx: (0,) * rank

    y = pl.pallas_call(
        lambda *refs: _attn_kernel(*refs, wblk=wblk, dim=dim),
        grid=(rw, cwb),
        in_specs=[
            pl.BlockSpec((1, WS, wblk, WS, dim), lambda i, j: (i, 0, j, 0, 0)),
            pl.BlockSpec((HEADS, N, N), rep(3)),
            pl.BlockSpec((dim, 4 * dim), rep(2)),
            pl.BlockSpec((1, 4 * dim), rep(2)),
            pl.BlockSpec((1, dim), rep(2)),
            pl.BlockSpec((1, dim), rep(2)),
            pl.BlockSpec((dim, dim), rep(2)),
            pl.BlockSpec((1, dim), rep(2)),
        ],
        out_specs=pl.BlockSpec((1, WS, wblk, WS, dim),
                               lambda i, j: (i, 0, j, 0, 0)),
        out_shape=jax.ShapeDtypeStruct((rw, WS, cw, WS, dim), jnp.float32),
        compiler_params=pltpu.CompilerParams(
            dimension_semantics=("parallel", "parallel")),
    )(xr, rpb, wqkv_w.astype(jnp.bfloat16), wqkv_b.reshape(1, -1),
      norm1_g.reshape(1, -1), norm1_b.reshape(1, -1),
      proj_w.astype(jnp.bfloat16), proj_b.reshape(1, -1))

    yr = y.reshape(rw, WS, w, dim)
    row_spec = lambda f: pl.BlockSpec((1, WS, w, dim),
                                      lambda i: (f(i), 0, 0, 0))
    out = pl.pallas_call(
        lambda *refs: _mlp_kernel(*refs, dim=dim, hid=hid),
        grid=(rw,),
        in_specs=[
            row_spec(lambda i: jnp.maximum(i - 1, 0)),
            row_spec(lambda i: i),
            row_spec(lambda i: jnp.minimum(i + 1, rw - 1)),
            pl.BlockSpec((1, dim), lambda i: (0, 0)),
            pl.BlockSpec((1, dim), lambda i: (0, 0)),
            pl.BlockSpec((dim, hid), lambda i: (0, 0)),
            pl.BlockSpec((1, hid), lambda i: (0, 0)),
            pl.BlockSpec((5, 5, hid), lambda i: (0, 0, 0)),
            pl.BlockSpec((1, hid), lambda i: (0, 0)),
            pl.BlockSpec((hid, dim), lambda i: (0, 0)),
            pl.BlockSpec((1, dim), lambda i: (0, 0)),
        ],
        out_specs=pl.BlockSpec((1, WS, w, dim), lambda i: (i, 0, 0, 0)),
        out_shape=jax.ShapeDtypeStruct((rw, WS, w, dim), jnp.float32),
        compiler_params=pltpu.CompilerParams(
            dimension_semantics=("parallel",)),
    )(yr, yr, yr, norm2_g.reshape(1, -1), norm2_b.reshape(1, -1),
      fc1_w.astype(jnp.bfloat16), fc1_b.reshape(1, -1),
      dw_w.reshape(5, 5, hid), dw_b.reshape(1, -1),
      fc2_w.astype(jnp.bfloat16), fc2_b.reshape(1, -1))

    return out.reshape(b, ntok, dim)

# --- scband reference (transcript-rebuilt; emitter-appended) ---
"""Pipeline reference for scband-gaussian-focused-layer-57561151701642 (READ-ONLY COPY).

The authoritative reference and input builder live on the scoring server;
editing this copy changes nothing except your own understanding.
"""

import jax, jax.numpy as jnp
import numpy as np

B = 1
H = 384
W = 384
DIM = 96
HEADS = 3
WS = 12
TOPK = 64
HID = 192
KS = 5

def compute_rpi(ws):
    coords = np.stack(np.meshgrid(np.arange(ws), np.arange(ws), indexing='ij'), axis=0)
    cf = coords.reshape(2, -1)
    rel = cf[:, :, None] - cf[:, None, :]
    rel = rel.transpose(1, 2, 0).astype(np.int32)
    rel[:, :, 0] += ws - 1
    rel[:, :, 1] += ws - 1
    rel[:, :, 0] *= 2 * ws - 1
    return rel.sum(-1)

def layer_norm(x, g, b):
    mu = jnp.mean(x, -1, keepdims=True)
    var = jnp.var(x, -1, keepdims=True)
    return (x - mu) / jnp.sqrt(var + 1e-5) * g + b

def window_partition(x, ws):
    b, h, w, c = x.shape
    x = x.reshape(b, h // ws, ws, w // ws, ws, c)
    return x.transpose(0, 1, 3, 2, 4, 5).reshape(-1, ws, ws, c)

def window_reverse(win, ws, h, w):
    b = win.shape[0] // (h * w // ws // ws)
    x = win.reshape(b, h // ws, w // ws, ws, ws, -1)
    return x.transpose(0, 1, 3, 2, 4, 5).reshape(b, h, w, -1)

def setup_inputs(seed: int = 0):
    key = jax.random.key(seed)
    ks = jax.random.split(key, 8)
    s = 0.02
    return {
        'x': jax.random.normal(ks[0], (B, H * W, DIM), jnp.float32),
        'rpi': jnp.asarray(compute_rpi(WS), jnp.int32),
        'norm1_g': jnp.ones((DIM,), jnp.float32),
        'norm1_b': jnp.zeros((DIM,), jnp.float32),
        'wqkv_w': jax.random.normal(ks[1], (DIM, 4 * DIM), jnp.float32) * s,
        'wqkv_b': jnp.zeros((4 * DIM,), jnp.float32),
        'rpb_table': jax.random.normal(ks[2], ((2 * WS - 1) ** 2, HEADS), jnp.float32) * s,
        'proj_w': jax.random.normal(ks[3], (DIM, DIM), jnp.float32) * s,
        'proj_b': jnp.zeros((DIM,), jnp.float32),
        'norm2_g': jnp.ones((DIM,), jnp.float32),
        'norm2_b': jnp.zeros((DIM,), jnp.float32),
        'fc1_w': jax.random.normal(ks[4], (DIM, HID), jnp.float32) * s,
        'fc1_b': jnp.zeros((HID,), jnp.float32),
        'dw_w': jax.random.normal(ks[5], (KS, KS, 1, HID), jnp.float32) * s,
        'dw_b': jnp.zeros((HID,), jnp.float32),
        'fc2_w': jax.random.normal(ks[6], (HID, DIM), jnp.float32) * s,
        'fc2_b': jnp.zeros((DIM,), jnp.float32),
    }

def _forward(x, norm1_g, norm1_b, wqkv_w, wqkv_b, rpb_table, proj_w, proj_b, norm2_g, norm2_b, fc1_w, fc1_b, dw_w, dw_b, fc2_w, fc2_b, rpi):
    b, ntok, c = x.shape
    hd = c // HEADS
    scale = hd ** (-0.5)
    n = WS * WS
    shortcut = x
    xn = layer_norm(x, norm1_g, norm1_b)
    qkvp = xn @ wqkv_w + wqkv_b
    qkvp = qkvp.reshape(b, H, W, 4 * c)
    win = window_partition(qkvp, WS).reshape(-1, n, 4 * c)
    b_ = win.shape[0]
    qkvp4 = win.reshape(b_, n, 4, HEADS, hd).transpose(2, 0, 3, 1, 4)
    q, k, v, v_lepe = qkvp4[0], qkvp4[1], qkvp4[2], qkvp4[3]
    q = q * scale
    attn = jnp.einsum('bhnd,bhmd->bhnm', q, k)
    rpb = jnp.take(rpb_table, rpi.reshape(-1), axis=0).reshape(n, n, HEADS)
    rpb = jnp.transpose(rpb, (2, 0, 1))[None]
    attn = attn + rpb
    attn = jax.nn.softmax(attn, axis=-1)
    topk_values, topk_indices = jax.lax.top_k(attn, TOPK)
    attn_f = topk_values.reshape(b_ * HEADS, n, TOPK)
    idx = topk_indices.reshape(b_ * HEADS, n, TOPK)
    v_f = v.reshape(b_ * HEADS, n, hd)
    bh_ar = jnp.arange(b_ * HEADS)[:, None, None]
    row_ar = jnp.arange(n)[None, :, None]
    dense = jnp.zeros((b_ * HEADS, n, n), jnp.float32).at[bh_ar, row_ar, idx].set(attn_f)
    x_sm = dense @ v_f
    x_att = (x_sm.reshape(b_, HEADS, n, hd) + v_lepe).transpose(0, 2, 1, 3).reshape(b_, n, c)
    x_att = x_att @ proj_w + proj_b
    x_att = window_reverse(x_att.reshape(-1, WS, WS, c), WS, H, W).reshape(b, H * W, c)
    x = shortcut + x_att
    xn2 = layer_norm(x, norm2_g, norm2_b)
    h1 = xn2 @ fc1_w + fc1_b
    h1 = jax.nn.gelu(h1, approximate=False)
    img = h1.reshape(b, H, W, HID)
    dw = jax.lax.conv_general_dilated(img, dw_w, (1, 1), 'SAME', dimension_numbers=('NHWC', 'HWIO', 'NHWC'), feature_group_count=HID) + dw_b
    dw = jax.nn.gelu(dw, approximate=False)
    h1 = h1 + dw.reshape(b, H * W, HID)
    out = h1 @ fc2_w + fc2_b
    return x + out

def reference(x, rpi, norm1_g, norm1_b, wqkv_w, wqkv_b, rpb_table, proj_w, proj_b, norm2_g, norm2_b, fc1_w, fc1_b, dw_w, dw_b, fc2_w, fc2_b):
    return _forward(x, norm1_g, norm1_b, wqkv_w, wqkv_b, rpb_table, proj_w, proj_b, norm2_g, norm2_b, fc1_w, fc1_b, dw_w, dw_b, fc2_w, fc2_b, rpi)

if __name__ == "__main__":
    import jax
    _d = setup_inputs()
    print(jax.jit(kernel)(*tuple(_d.values())))

</pallas_src>

<mosaic_0001>
#map = affine_map<(d0, d1) -> (0, 0)>
#map1 = affine_map<(d0, d1) -> (0)>
module attributes {stable_mosaic.version = 14 : i64} {
  func.func @gather_k(%arg0: i32, %arg1: i32, %arg2: memref<529x128xf32, #tpu.memory_space<hbm>>, %arg3: memref<20736xi32, #tpu.memory_space<hbm>>, %arg4: memref<20736x128xf32, #tpu.memory_space<hbm>>, %arg5: memref<648xi32, #tpu.memory_space<vmem>>, %arg6: memref<648x128xf32, #tpu.memory_space<vmem>>, %arg7: memref<!tpu.dma_semaphore, #tpu.memory_space<semaphore_mem>>) attributes {dimension_semantics = [#tpu.dimension_semantics<core_parallel>, #tpu.dimension_semantics<subcore_parallel>], iteration_bounds = array<i64: 2, 16>, scalar_prefetch = 0 : i64, scratch_operands = 3 : i64, tpu.core_type = #tpu.core_type<sc_vector_subcore>, window_params = [{transform_indices = #map}, {transform_indices = #map1}, {transform_indices = #map}]} {
    %mul3A = arith.constant 2 : i32
    %mul3A_0 = arith.muli %arg1, %mul3A : i32
    %add3A = arith.addi %mul3A_0, %arg0 : i32
    %mul3A_1 = arith.constant 648 : i32
    %mul3A_2 = arith.muli %add3A, %mul3A_1 : i32
    "tpu.region"() ({
      %run_scoped3A = tpu.sem_alloc : memref<!tpu.dma_semaphore, #tpu.memory_space<semaphore_mem>>
      %dma_start3A_7 = tpu.memref_slice %arg3[%mul3A_2] : memref<20736xi32, #tpu.memory_space<hbm>> -> memref<648xi32, #tpu.memory_space<hbm>>
      %dma_start3A_8 = tpu.memref_slice %arg3[%mul3A_2] : memref<20736xi32, #tpu.memory_space<hbm>> -> memref<648xi32, #tpu.memory_space<hbm>>
      tpu.enqueue_dma source(%dma_start3A_8 : memref<648xi32, #tpu.memory_space<hbm>>) target(%arg5 : memref<648xi32, #tpu.memory_space<vmem>>) target_semaphore(%run_scoped3A : memref<!tpu.dma_semaphore, #tpu.memory_space<semaphore_mem>>)
      %dma_wait3A_9 = tpu.memref_slice %arg3[%mul3A_2] : memref<20736xi32, #tpu.memory_space<hbm>> -> memref<648xi32, #tpu.memory_space<hbm>>
      %dma_wait3A_10 = tpu.memref_slice %arg3[%mul3A_2] : memref<20736xi32, #tpu.memory_space<hbm>> -> memref<648xi32, #tpu.memory_space<hbm>>
      tpu.wait_dma2 semaphore(%run_scoped3A : memref<!tpu.dma_semaphore, #tpu.memory_space<semaphore_mem>>) src(%dma_wait3A_10 : memref<648xi32, #tpu.memory_space<hbm>>) dst(%arg5 : memref<648xi32, #tpu.memory_space<vmem>>)
      tpu.yield
    }) : () -> ()
    %dma_start3A = arith.constant 0 : i32
    %dma_start3A_3 = arith.constant 0 : i32
    %dma_start3A_4 = tpu.memref_slice %arg2[%dma_start3A, %dma_start3A_3] : memref<529x128xf32, #tpu.memory_space<hbm>> -> memref<529x128xf32, #tpu.memory_space<hbm>>
    tpu.enqueue_indirect_dma source(%dma_start3A_4 : memref<529x128xf32, #tpu.memory_space<hbm>>) target(%arg6 : memref<648x128xf32, #tpu.memory_space<vmem>>) offsets(%arg5 : memref<648xi32, #tpu.memory_space<vmem>>) semaphore(%arg7 : memref<!tpu.dma_semaphore, #tpu.memory_space<semaphore_mem>>)
    %dma_wait3A = arith.constant 0 : i32
    %dma_wait3A_5 = arith.constant 0 : i32
    %dma_wait3A_6 = tpu.memref_slice %arg2[%dma_wait3A, %dma_wait3A_5] : memref<529x128xf32, #tpu.memory_space<hbm>> -> memref<529x128xf32, #tpu.memory_space<hbm>>
    tpu.wait_indirect_dma semaphore(%arg7 : memref<!tpu.dma_semaphore, #tpu.memory_space<semaphore_mem>>) src(%dma_wait3A_6 : memref<529x128xf32, #tpu.memory_space<hbm>>) dst(%arg6 : memref<648x128xf32, #tpu.memory_space<vmem>>)
    "tpu.region"() ({
      %run_scoped3A = tpu.sem_alloc : memref<!tpu.dma_semaphore, #tpu.memory_space<semaphore_mem>>
      %dma_start3A_7 = arith.constant 0 : i32
      %dma_start3A_8 = tpu.memref_slice %arg4[%mul3A_2, %dma_start3A_7] : memref<20736x128xf32, #tpu.memory_space<hbm>> -> memref<648x128xf32, #tpu.memory_space<hbm>>
      %dma_start3A_9 = arith.constant 0 : i32
      %dma_start3A_10 = tpu.memref_slice %arg4[%mul3A_2, %dma_start3A_9] : memref<20736x128xf32, #tpu.memory_space<hbm>> -> memref<648x128xf32, #tpu.memory_space<hbm>>
      tpu.enqueue_dma source(%arg6 : memref<648x128xf32, #tpu.memory_space<vmem>>) target(%dma_start3A_10 : memref<648x128xf32, #tpu.memory_space<hbm>>) target_semaphore(%run_scoped3A : memref<!tpu.dma_semaphore, #tpu.memory_space<semaphore_mem>>)
      %dma_wait3A_11 = arith.constant 0 : i32
      %dma_wait3A_12 = tpu.memref_slice %arg4[%mul3A_2, %dma_wait3A_11] : memref<20736x128xf32, #tpu.memory_space<hbm>> -> memref<648x128xf32, #tpu.memory_space<hbm>>
      %dma_wait3A_13 = arith.constant 0 : i32
      %dma_wait3A_14 = tpu.memref_slice %arg4[%mul3A_2, %dma_wait3A_13] : memref<20736x128xf32, #tpu.memory_space<hbm>> -> memref<648x128xf32, #tpu.memory_space<hbm>>
      tpu.wait_dma2 semaphore(%run_scoped3A : memref<!tpu.dma_semaphore, #tpu.memory_space<semaphore_mem>>) src(%arg6 : memref<648x128xf32, #tpu.memory_space<vmem>>) dst(%dma_wait3A_14 : memref<648x128xf32, #tpu.memory_space<hbm>>)
      tpu.yield
    }) : () -> ()
    return
  }
}

module attributes {stable_mosaic.version = 14 : i64} {
  func.func @_lambda_(%arg0: i32, %arg1: i32, %arg2: memref<1x12x8x12x96xf32, #tpu.memory_space<vmem>>, %arg3: memref<3x144x144xf32, #tpu.memory_space<vmem>>, %arg4: memref<96x384xbf16, #tpu.memory_space<vmem>>, %arg5: memref<1x384xf32, #tpu.memory_space<vmem>>, %arg6: memref<1x96xf32, #tpu.memory_space<vmem>>, %arg7: memref<1x96xf32, #tpu.memory_space<vmem>>, %arg8: memref<96x96xbf16, #tpu.memory_space<vmem>>, %arg9: memref<1x96xf32, #tpu.memory_space<vmem>>, %arg10: memref<1x12x8x12x96xf32, #tpu.memory_space<vmem>>) attributes {dimension_semantics = [#tpu.dimension_semantics<parallel>, #tpu.dimension_semantics<parallel>], iteration_bounds = array<i64: 32, 4>, scalar_prefetch = 0 : i64, scratch_operands = 0 : i64, tpu.core_type = #tpu.core_type<tc>, window_params = [{transform_indices = @transform_0, window_bounds = array<i64: 1, 12, 8, 12, 96>}, {pipeline_mode = #tpu.pipeline_mode<synchronous>, transform_indices = @transform_1, window_bounds = array<i64: 3, 144, 144>}, {pipeline_mode = #tpu.pipeline_mode<synchronous>, transform_indices = @transform_2, window_bounds = array<i64: 96, 384>}, {pipeline_mode = #tpu.pipeline_mode<synchronous>, transform_indices = @transform_3, window_bounds = array<i64: 1, 384>}, {pipeline_mode = #tpu.pipeline_mode<synchronous>, transform_indices = @transform_4, window_bounds = array<i64: 1, 96>}, {pipeline_mode = #tpu.pipeline_mode<synchronous>, transform_indices = @transform_5, window_bounds = array<i64: 1, 96>}, {pipeline_mode = #tpu.pipeline_mode<synchronous>, transform_indices = @transform_6, window_bounds = array<i64: 96, 96>}, {pipeline_mode = #tpu.pipeline_mode<synchronous>, transform_indices = @transform_7, window_bounds = array<i64: 1, 96>}, {transform_indices = @transform_8, window_bounds = array<i64: 1, 12, 8, 12, 96>}]} {
    %get3A = arith.constant 0 : index
    %get3A_0 = arith.constant 0 : index
    %get3A_1 = arith.constant 0 : index
    %get3A_2 = arith.constant 0 : index
    %get3A_3 = arith.constant 0 : index
    %get3A_4 = vector.load %arg2[%get3A, %get3A_0, %get3A_1, %get3A_2, %get3A_3] : memref<1x12x8x12x96xf32, #tpu.memory_space<vmem>>, vector<1x12x8x12x96xf32>
    %get3A_5 = vector.shape_cast %get3A_4 : vector<1x12x8x12x96xf32> to vector<12x8x12x96xf32>
    %reshape3A = vector.shape_cast %get3A_5 : vector<12x8x12x96xf32> to vector<1152x96xf32>
    %get3A_6 = arith.constant 0 : index
    %get3A_7 = arith.constant 0 : index
    %get3A_8 = vector.load %arg6[%get3A_6, %get3A_7] : memref<1x96xf32, #tpu.memory_space<vmem>>, vector<1x96xf32>
    %get3A_9 = arith.constant 0 : index
    %get3A_10 = arith.constant 0 : index
    %get3A_11 = vector.load %arg7[%get3A_9, %get3A_10] : memref<1x96xf32, #tpu.memory_space<vmem>>, vector<1x96xf32>
    %reduce_sum3A = arith.constant dense<0.000000e+00> : vector<1152xf32>
    %reduce_sum3A_12 = vector.multi_reduction <add>, %reshape3A, %reduce_sum3A [1] : vector<1152x96xf32> to vector<1152xf32>
    %broadcast_in_dim3A = vector.shape_cast %reduce_sum3A_12 : vector<1152xf32> to vector<1152x1xf32>
    %div3A = arith.constant 9.600000e+01 : f32
    %div3A_13 = vector.broadcast %div3A : f32 to vector<1152x1xf32>
    %div3A_14 = arith.divf %broadcast_in_dim3A, %div3A_13 : vector<1152x1xf32>
    %sub3A = vector.broadcast %div3A_14 : vector<1152x1xf32> to vector<1152x96xf32>
    %sub3A_15 = arith.subf %reshape3A, %sub3A : vector<1152x96xf32>
    %mul3A = arith.mulf %sub3A_15, %sub3A_15 : vector<1152x96xf32>
    %reduce_sum3A_16 = arith.constant dense<0.000000e+00> : vector<1152xf32>
    %reduce_sum3A_17 = vector.multi_reduction <add>, %mul3A, %reduce_sum3A_16 [1] : vector<1152x96xf32> to vector<1152xf32>
    %broadcast_in_dim3A_18 = vector.shape_cast %reduce_sum3A_17 : vector<1152xf32> to vector<1152x1xf32>
    %div3A_19 = arith.constant 9.600000e+01 : f32
    %div3A_20 = vector.broadcast %div3A_19 : f32 to vector<1152x1xf32>
    %div3A_21 = arith.divf %broadcast_in_dim3A_18, %div3A_20 : vector<1152x1xf32>
    %add3A = arith.constant 9.99999974E-6 : f32
    %add3A_22 = vector.broadcast %add3A : f32 to vector<1152x1xf32>
    %add3A_23 = arith.addf %div3A_21, %add3A_22 : vector<1152x1xf32>
    %rsqrt3A = math.rsqrt %add3A_23 : vector<1152x1xf32>
    %mul3A_24 = vector.broadcast %rsqrt3A : vector<1152x1xf32> to vector<1152x96xf32>
    %mul3A_25 = arith.mulf %sub3A_15, %mul3A_24 : vector<1152x96xf32>
    %mul3A_26 = vector.broadcast %get3A_8 : vector<1x96xf32> to vector<1152x96xf32>
    %mul3A_27 = arith.mulf %mul3A_25, %mul3A_26 : vector<1152x96xf32>
    %add3A_28 = vector.broadcast %get3A_11 : vector<1x96xf32> to vector<1152x96xf32>
    %add3A_29 = arith.addf %mul3A_27, %add3A_28 : vector<1152x96xf32>
    %convert_element_type3A = arith.truncf %add3A_29 : vector<1152x96xf32> to vector<1152x96xbf16>
    %get3A_30 = arith.constant 0 : index
    %get3A_31 = arith.constant 0 : index
    %get3A_32 = vector.load %arg4[%get3A_30, %get3A_31] : memref<96x384xbf16, #tpu.memory_space<vmem>>, vector<96x384xbf16>
    %dot_general3A = arith.constant dense<0.000000e+00> : vector<1152x384xf32>
    %dot_general3A_33 = tpu.matmul %convert_element_type3A, %get3A_32, %dot_general3A {dimension_numbers = #tpu.dot_dimension_numbers<[1], [0], [0], [1], [0, 0, 1, 1], [], []>, transpose_lhs_hint = false} : vector<1152x96xbf16>, vector<96x384xbf16>, vector<1152x384xf32> -> vector<1152x384xf32>
    %get3A_34 = arith.constant 0 : index
    %get3A_35 = arith.constant 0 : index
    %get3A_36 = vector.load %arg5[%get3A_34, %get3A_35] : memref<1x384xf32, #tpu.memory_space<vmem>>, vector<1x384xf32>
    %add3A_37 = vector.broadcast %get3A_36 : vector<1x384xf32> to vector<1152x384xf32>
    %add3A_38 = arith.addf %dot_general3A_33, %add3A_37 : vector<1152x384xf32>
    %reshape3A_39 = vector.shape_cast %add3A_38 : vector<1152x384xf32> to vector<12x8x12x384xf32>
    %slice3A = vector.extract_strided_slice %reshape3A_39 {offsets = [0, 0, 0, 0], sizes = [12, 1, 12, 384], strides = [1, 1, 1, 1]} : vector<12x8x12x384xf32> to vector<12x1x12x384xf32>
    %squeeze3A = vector.shape_cast %slice3A : vector<12x1x12x384xf32> to vector<12x12x384xf32>
    %reshape3A_40 = vector.shape_cast %squeeze3A : vector<12x12x384xf32> to vector<144x384xf32>
    %convert_element_type3A_41 = arith.truncf %reshape3A_40 : vector<144x384xf32> to vector<144x384xbf16>
    %slice3A_42 = vector.extract_strided_slice %convert_element_type3A_41 {offsets = [0, 0], sizes = [144, 32], strides = [1, 1]} : vector<144x384xbf16> to vector<144x32xbf16>
    %slice3A_43 = vector.extract_strided_slice %convert_element_type3A_41 {offsets = [0, 96], sizes = [144, 32], strides = [1, 1]} : vector<144x384xbf16> to vector<144x32xbf16>
    %slice3A_44 = vector.extract_strided_slice %convert_element_type3A_41 {offsets = [0, 192], sizes = [144, 32], strides = [1, 1]} : vector<144x384xbf16> to vector<144x32xbf16>
    %slice3A_45 = vector.extract_strided_slice %convert_element_type3A_41 {offsets = [0, 288], sizes = [144, 32], strides = [1, 1]} : vector<144x384xbf16> to vector<144x32xbf16>
    %dot_general3A_46 = arith.constant dense<0.000000e+00> : vector<144x144xf32>
    %dot_general3A_47 = tpu.matmul %slice3A_43, %slice3A_42, %dot_general3A_46 {dimension_numbers = #tpu.dot_dimension_numbers<[1], [1], [0], [0], [0, 0, 1, 0], [], []>, transpose_lhs_hint = false} : vector<144x32xbf16>, vector<144x32xbf16>, vector<144x144xf32> -> vector<144x144xf32>
    %mul3A_48 = arith.constant 0.176776692 : f32
    %mul3A_49 = vector.broadcast %mul3A_48 : f32 to vector<144x144xf32>
    %mul3A_50 = arith.mulf %dot_general3A_47, %mul3A_49 : vector<144x144xf32>
    %get3A_51 = arith.constant 0 : index
    %get3A_52 = arith.constant 0 : index
    %get3A_53 = arith.constant 0 : index
    %get3A_54 = vector.load %arg3[%get3A_51, %get3A_52, %get3A_53] : memref<3x144x144xf32, #tpu.memory_space<vmem>>, vector<1x144x144xf32>
    %get3A_55 = vector.shape_cast %get3A_54 : vector<1x144x144xf32> to vector<144x144xf32>
    %add3A_56 = arith.addf %mul3A_50, %get3A_55 : vector<144x144xf32>
    %reduce_max3A = arith.constant dense<0xFF800000> : vector<144xf32>
    %reduce_max3A_57 = vector.multi_reduction <maximumf>, %add3A_56, %reduce_max3A [0] : vector<144x144xf32> to vector<144xf32>
    %broadcast_in_dim3A_58 = vector.shape_cast %reduce_max3A_57 : vector<144xf32> to vector<1x144xf32>
    %sub3A_59 = vector.broadcast %broadcast_in_dim3A_58 : vector<1x144xf32> to vector<144x144xf32>
    %sub3A_60 = arith.subf %add3A_56, %sub3A_59 : vector<144x144xf32>
    %exp3A = math.exp %sub3A_60 : vector<144x144xf32>
    %bitcast_convert_type3A = tpu.bitcast %exp3A : vector<144x144xf32> -> vector<144x144xi32>
    %reduce_sum3A_61 = arith.constant dense<0.000000e+00> : vector<144xf32>
    %reduce_sum3A_62 = vector.multi_reduction <add>, %exp3A, %reduce_sum3A_61 [0] : vector<144x144xf32> to vector<144xf32>
    %broadcast_in_dim3A_63 = vector.shape_cast %reduce_sum3A_62 : vector<144xf32> to vector<1x144xf32>
    %slice3A_64 = vector.extract_strided_slice %convert_element_type3A_41 {offsets = [0, 32], sizes = [144, 32], strides = [1, 1]} : vector<144x384xbf16> to vector<144x32xbf16>
    %slice3A_65 = vector.extract_strided_slice %convert_element_type3A_41 {offsets = [0, 128], sizes = [144, 32], strides = [1, 1]} : vector<144x384xbf16> to vector<144x32xbf16>
    %slice3A_66 = vector.extract_strided_slice %convert_element_type3A_41 {offsets = [0, 224], sizes = [144, 32], strides = [1, 1]} : vector<144x384xbf16> to vector<144x32xbf16>
    %slice3A_67 = vector.extract_strided_slice %convert_element_type3A_41 {offsets = [0, 320], sizes = [144, 32], strides = [1, 1]} : vector<144x384xbf16> to vector<144x32xbf16>
    %dot_general3A_68 = arith.constant dense<0.000000e+00> : vector<144x144xf32>
    %dot_general3A_69 = tpu.matmul %slice3A_65, %slice3A_64, %dot_general3A_68 {dimension_numbers = #tpu.dot_dimension_numbers<[1], [1], [0], [0], [0, 0, 1, 0], [], []>, transpose_lhs_hint = false} : vector<144x32xbf16>, vector<144x32xbf16>, vector<144x144xf32> -> vector<144x144xf32>
    %mul3A_70 = arith.constant 0.176776692 : f32
    %mul3A_71 = vector.broadcast %mul3A_70 : f32 to vector<144x144xf32>
    %mul3A_72 = arith.mulf %dot_general3A_69, %mul3A_71 : vector<144x144xf32>
    %get3A_73 = arith.constant 1 : index
    %get3A_74 = arith.constant 0 : index
    %get3A_75 = arith.constant 0 : index
    %get3A_76 = vector.load %arg3[%get3A_73, %get3A_74, %get3A_75] : memref<3x144x144xf32, #tpu.memory_space<vmem>>, vector<1x144x144xf32>
    %get3A_77 = vector.shape_cast %get3A_76 : vector<1x144x144xf32> to vector<144x144xf32>
    %add3A_78 = arith.addf %mul3A_72, %get3A_77 : vector<144x144xf32>
    %reduce_max3A_79 = arith.constant dense<0xFF800000> : vector<144xf32>
    %reduce_max3A_80 = vector.multi_reduction <maximumf>, %add3A_78, %reduce_max3A_79 [0] : vector<144x144xf32> to vector<144xf32>
    %broadcast_in_dim3A_81 = vector.shape_cast %reduce_max3A_80 : vector<144xf32> to vector<1x144xf32>
    %sub3A_82 = vector.broadcast %broadcast_in_dim3A_81 : vector<1x144xf32> to vector<144x144xf32>
    %sub3A_83 = arith.subf %add3A_78, %sub3A_82 : vector<144x144xf32>
    %exp3A_84 = math.exp %sub3A_83 : vector<144x144xf32>
    %bitcast_convert_type3A_85 = tpu.bitcast %exp3A_84 : vector<144x144xf32> -> vector<144x144xi32>
    %reduce_sum3A_86 = arith.constant dense<0.000000e+00> : vector<144xf32>
    %reduce_sum3A_87 = vector.multi_reduction <add>, %exp3A_84, %reduce_sum3A_86 [0] : vector<144x144xf32> to vector<144xf32>
    %broadcast_in_dim3A_88 = vector.shape_cast %reduce_sum3A_87 : vector<144xf32> to vector<1x144xf32>
    %slice3A_89 = vector.extract_strided_slice %convert_element_type3A_41 {offsets = [0, 64], sizes = [144, 32], strides = [1, 1]} : vector<144x384xbf16> to vector<144x32xbf16>
    %slice3A_90 = vector.extract_strided_slice %convert_element_type3A_41 {offsets = [0, 160], sizes = [144, 32], strides = [1, 1]} : vector<144x384xbf16> to vector<144x32xbf16>
    %slice3A_91 = vector.extract_strided_slice %convert_element_type3A_41 {offsets = [0, 256], sizes = [144, 32], strides = [1, 1]} : vector<144x384xbf16> to vector<144x32xbf16>
    %slice3A_92 = vector.extract_strided_slice %convert_element_type3A_41 {offsets = [0, 352], sizes = [144, 32], strides = [1, 1]} : vector<144x384xbf16> to vector<144x32xbf16>
    %dot_general3A_93 = arith.constant dense<0.000000e+00> : vector<144x144xf32>
    %dot_general3A_94 = tpu.matmul %slice3A_90, %slice3A_89, %dot_general3A_93 {dimension_numbers = #tpu.dot_dimension_numbers<[1], [1], [0], [0], [0, 0, 1, 0], [], []>, transpose_lhs_hint = false} : vector<144x32xbf16>, vector<144x32xbf16>, vector<144x144xf32> -> vector<144x144xf32>
    %mul3A_95 = arith.constant 0.176776692 : f32
    %mul3A_96 = vector.broadcast %mul3A_95 : f32 to vector<144x144xf32>
    %mul3A_97 = arith.mulf %dot_general3A_94, %mul3A_96 : vector<144x144xf32>
    %get3A_98 = arith.constant 2 : index
    %get3A_99 = arith.constant 0 : index
    %get3A_100 = arith.constant 0 : index
    %get3A_101 = vector.load %arg3[%get3A_98, %get3A_99, %get3A_100] : memref<3x144x144xf32, #tpu.memory_space<vmem>>, vector<1x144x144xf32>
    %get3A_102 = vector.shape_cast %get3A_101 : vector<1x144x144xf32> to vector<144x144xf32>
    %add3A_103 = arith.addf %mul3A_97, %get3A_102 : vector<144x144xf32>
    %reduce_max3A_104 = arith.constant dense<0xFF800000> : vector<144xf32>
    %reduce_max3A_105 = vector.multi_reduction <maximumf>, %add3A_103, %reduce_max3A_104 [0] : vector<144x144xf32> to vector<144xf32>
    %broadcast_in_dim3A_106 = vector.shape_cast %reduce_max3A_105 : vector<144xf32> to vector<1x144xf32>
    %sub3A_107 = vector.broadcast %broadcast_in_dim3A_106 : vector<1x144xf32> to vector<144x144xf32>
    %sub3A_108 = arith.subf %add3A_103, %sub3A_107 : vector<144x144xf32>
    %exp3A_109 = math.exp %sub3A_108 : vector<144x144xf32>
    %bitcast_convert_type3A_110 = tpu.bitcast %exp3A_109 : vector<144x144xf32> -> vector<144x144xi32>
    %reduce_sum3A_111 = arith.constant dense<0.000000e+00> : vector<144xf32>
    %reduce_sum3A_112 = vector.multi_reduction <add>, %exp3A_109, %reduce_sum3A_111 [0] : vector<144x144xf32> to vector<144xf32>
    %broadcast_in_dim3A_113 = vector.shape_cast %reduce_sum3A_112 : vector<144xf32> to vector<1x144xf32>
    %broadcast_in_dim3A_114 = arith.constant 0 : i32
    %broadcast_in_dim3A_115 = vector.broadcast %broadcast_in_dim3A_114 : i32 to vector<1x144xi32>
    %broadcast_in_dim3A_116 = arith.constant 0 : i32
    %broadcast_in_dim3A_117 = vector.broadcast %broadcast_in_dim3A_116 : i32 to vector<1x144xi32>
    %broadcast_in_dim3A_118 = arith.constant 0 : i32
    %broadcast_in_dim3A_119 = vector.broadcast %broadcast_in_dim3A_118 : i32 to vector<1x144xi32>
    %scan3A = arith.constant 0 : i32
    %scan3A_120 = arith.constant 14 : i32
    %scan3A_121 = arith.addi %scan3A, %scan3A_120 : i32
    %scan3A_122 = arith.constant 1 : i32
    %scan3A_123:3 = scf.for %scan3A_1156 = %scan3A to %scan3A_121 step %scan3A_122 iter_args(%scan3A_1157 = %broadcast_in_dim3A_115, %scan3A_1158 = %broadcast_in_dim3A_117, %scan3A_1159 = %broadcast_in_dim3A_119) -> (vector<1x144xi32>, vector<1x144xi32>, vector<1x144xi32>)  : i32 {
      %sub3A_1160 = arith.constant 29 : i32
      %sub3A_1161 = arith.subi %sub3A_1160, %scan3A_1156 : i32
      %shift_left3A = arith.constant 1 : i32
      %shift_left3A_1162 = arith.shli %shift_left3A, %sub3A_1161 : i32
      %or3A = vector.broadcast %shift_left3A_1162 : i32 to vector<1x144xi32>
      %or3A_1163 = arith.ori %scan3A_1157, %or3A : vector<1x144xi32>
      %ge3A_1164 = vector.broadcast %or3A_1163 : vector<1x144xi32> to vector<144x144xi32>
      %ge3A_1165 = arith.cmpi sge, %bitcast_convert_type3A, %ge3A_1164 : vector<144x144xi32>
      %convert_element_type3A_1166 = arith.extui %ge3A_1165 : vector<144x144xi1> to vector<144x144xi32>
      %convert_element_type3A_1167 = arith.sitofp %convert_element_type3A_1166 : vector<144x144xi32> to vector<144x144xf32>
      %reduce_sum3A_1168 = arith.constant dense<0.000000e+00> : vector<144xf32>
      %reduce_sum3A_1169 = vector.multi_reduction <add>, %convert_element_type3A_1167, %reduce_sum3A_1168 [0] : vector<144x144xf32> to vector<144xf32>
      %broadcast_in_dim3A_1170 = vector.shape_cast %reduce_sum3A_1169 : vector<144xf32> to vector<1x144xf32>
      %ge3A_1171 = arith.constant 6.400000e+01 : f32
      %ge3A_1172 = vector.broadcast %ge3A_1171 : f32 to vector<1x144xf32>
      %ge3A_1173 = arith.cmpf oge, %broadcast_in_dim3A_1170, %ge3A_1172 : vector<1x144xf32>
      %select_n3A_1174 = arith.select %ge3A_1173, %or3A_1163, %scan3A_1157 : vector<1x144xi1>, vector<1x144xi32>
      %or3A_1175 = vector.broadcast %shift_left3A_1162 : i32 to vector<1x144xi32>
      %or3A_1176 = arith.ori %scan3A_1158, %or3A_1175 : vector<1x144xi32>
      %ge3A_1177 = vector.broadcast %or3A_1176 : vector<1x144xi32> to vector<144x144xi32>
      %ge3A_1178 = arith.cmpi sge, %bitcast_convert_type3A_85, %ge3A_1177 : vector<144x144xi32>
      %convert_element_type3A_1179 = arith.extui %ge3A_1178 : vector<144x144xi1> to vector<144x144xi32>
      %convert_element_type3A_1180 = arith.sitofp %convert_element_type3A_1179 : vector<144x144xi32> to vector<144x144xf32>
      %reduce_sum3A_1181 = arith.constant dense<0.000000e+00> : vector<144xf32>
      %reduce_sum3A_1182 = vector.multi_reduction <add>, %convert_element_type3A_1180, %reduce_sum3A_1181 [0] : vector<144x144xf32> to vector<144xf32>
      %broadcast_in_dim3A_1183 = vector.shape_cast %reduce_sum3A_1182 : vector<144xf32> to vector<1x144xf32>
      %ge3A_1184 = arith.constant 6.400000e+01 : f32
      %ge3A_1185 = vector.broadcast %ge3A_1184 : f32 to vector<1x144xf32>
      %ge3A_1186 = arith.cmpf oge, %broadcast_in_dim3A_1183, %ge3A_1185 : vector<1x144xf32>
      %select_n3A_1187 = arith.select %ge3A_1186, %or3A_1176, %scan3A_1158 : vector<1x144xi1>, vector<1x144xi32>
      %or3A_1188 = vector.broadcast %shift_left3A_1162 : i32 to vector<1x144xi32>
      %or3A_1189 = arith.ori %scan3A_1159, %or3A_1188 : vector<1x144xi32>
      %ge3A_1190 = vector.broadcast %or3A_1189 : vector<1x144xi32> to vector<144x144xi32>
      %ge3A_1191 = arith.cmpi sge, %bitcast_convert_type3A_110, %ge3A_1190 : vector<144x144xi32>
      %convert_element_type3A_1192 = arith.extui %ge3A_1191 : vector<144x144xi1> to vector<144x144xi32>
      %convert_element_type3A_1193 = arith.sitofp %convert_element_type3A_1192 : vector<144x144xi32> to vector<144x144xf32>
      %reduce_sum3A_1194 = arith.constant dense<0.000000e+00> : vector<144xf32>
      %reduce_sum3A_1195 = vector.multi_reduction <add>, %convert_element_type3A_1193, %reduce_sum3A_1194 [0] : vector<144x144xf32> to vector<144xf32>
      %broadcast_in_dim3A_1196 = vector.shape_cast %reduce_sum3A_1195 : vector<144xf32> to vector<1x144xf32>
      %ge3A_1197 = arith.constant 6.400000e+01 : f32
      %ge3A_1198 = vector.broadcast %ge3A_1197 : f32 to vector<1x144xf32>
      %ge3A_1199 = arith.cmpf oge, %broadcast_in_dim3A_1196, %ge3A_1198 : vector<1x144xf32>
      %select_n3A_1200 = arith.select %ge3A_1199, %or3A_1189, %scan3A_1159 : vector<1x144xi1>, vector<1x144xi32>
      scf.yield %select_n3A_1174, %select_n3A_1187, %select_n3A_1200 : vector<1x144xi32>, vector<1x144xi32>, vector<1x144xi32>
    }
    %scan3A_124 = arith.constant 14 : i32
    %div3A_125 = arith.constant 1.000000e+00 : f32
    %div3A_126 = vector.broadcast %div3A_125 : f32 to vector<1x144xf32>
    %div3A_127 = arith.divf %div3A_126, %broadcast_in_dim3A_63 : vector<1x144xf32>
    %ge3A = vector.broadcast %scan3A_123#0 : vector<1x144xi32> to vector<144x144xi32>
    %ge3A_128 = arith.cmpi sge, %bitcast_convert_type3A, %ge3A : vector<144x144xi32>
    %mul3A_129 = vector.broadcast %div3A_127 : vector<1x144xf32> to vector<144x144xf32>
    %mul3A_130 = arith.mulf %exp3A, %mul3A_129 : vector<144x144xf32>
    %jit3A = arith.constant 0.000000e+00 : f32
    %broadcast_in_dim3A_131 = vector.broadcast %jit3A : f32 to vector<144x144xf32>
    %select_n3A = arith.select %ge3A_128, %mul3A_130, %broadcast_in_dim3A_131 : vector<144x144xi1>, vector<144x144xf32>
    %convert_element_type3A_132 = arith.truncf %select_n3A : vector<144x144xf32> to vector<144x144xbf16>
    %dot_general3A_133 = arith.constant dense<0.000000e+00> : vector<144x32xf32>
    %dot_general3A_134 = tpu.matmul %convert_element_type3A_132, %slice3A_44, %dot_general3A_133 {dimension_numbers = #tpu.dot_dimension_numbers<[0], [0], [1], [1], [0, 1, 1, 1], [], []>, transpose_lhs_hint = false} : vector<144x144xbf16>, vector<144x32xbf16>, vector<144x32xf32> -> vector<144x32xf32>
    %convert_element_type3A_135 = arith.extf %slice3A_45 : vector<144x32xbf16> to vector<144x32xf32>
    %add3A_136 = arith.addf %dot_general3A_134, %convert_element_type3A_135 : vector<144x32xf32>
    %div3A_137 = arith.constant 1.000000e+00 : f32
    %div3A_138 = vector.broadcast %div3A_137 : f32 to vector<1x144xf32>
    %div3A_139 = arith.divf %div3A_138, %broadcast_in_dim3A_88 : vector<1x144xf32>
    %ge3A_140 = vector.broadcast %scan3A_123#1 : vector<1x144xi32> to vector<144x144xi32>
    %ge3A_141 = arith.cmpi sge, %bitcast_convert_type3A_85, %ge3A_140 : vector<144x144xi32>
    %mul3A_142 = vector.broadcast %div3A_139 : vector<1x144xf32> to vector<144x144xf32>
    %mul3A_143 = arith.mulf %exp3A_84, %mul3A_142 : vector<144x144xf32>
    %jit3A_144 = arith.constant 0.000000e+00 : f32
    %broadcast_in_dim3A_145 = vector.broadcast %jit3A_144 : f32 to vector<144x144xf32>
    %select_n3A_146 = arith.select %ge3A_141, %mul3A_143, %broadcast_in_dim3A_145 : vector<144x144xi1>, vector<144x144xf32>
    %convert_element_type3A_147 = arith.truncf %select_n3A_146 : vector<144x144xf32> to vector<144x144xbf16>
    %dot_general3A_148 = arith.constant dense<0.000000e+00> : vector<144x32xf32>
    %dot_general3A_149 = tpu.matmul %convert_element_type3A_147, %slice3A_66, %dot_general3A_148 {dimension_numbers = #tpu.dot_dimension_numbers<[0], [0], [1], [1], [0, 1, 1, 1], [], []>, transpose_lhs_hint = false} : vector<144x144xbf16>, vector<144x32xbf16>, vector<144x32xf32> -> vector<144x32xf32>
    %convert_element_type3A_150 = arith.extf %slice3A_67 : vector<144x32xbf16> to vector<144x32xf32>
    %add3A_151 = arith.addf %dot_general3A_149, %convert_element_type3A_150 : vector<144x32xf32>
    %div3A_152 = arith.constant 1.000000e+00 : f32
    %div3A_153 = vector.broadcast %div3A_152 : f32 to vector<1x144xf32>
    %div3A_154 = arith.divf %div3A_153, %broadcast_in_dim3A_113 : vector<1x144xf32>
    %ge3A_155 = vector.broadcast %scan3A_123#2 : vector<1x144xi32> to vector<144x144xi32>
    %ge3A_156 = arith.cmpi sge, %bitcast_convert_type3A_110, %ge3A_155 : vector<144x144xi32>
    %mul3A_157 = vector.broadcast %div3A_154 : vector<1x144xf32> to vector<144x144xf32>
    %mul3A_158 = arith.mulf %exp3A_109, %mul3A_157 : vector<144x144xf32>
    %jit3A_159 = arith.constant 0.000000e+00 : f32
    %broadcast_in_dim3A_160 = vector.broadcast %jit3A_159 : f32 to vector<144x144xf32>
    %select_n3A_161 = arith.select %ge3A_156, %mul3A_158, %broadcast_in_dim3A_160 : vector<144x144xi1>, vector<144x144xf32>
    %convert_element_type3A_162 = arith.truncf %select_n3A_161 : vector<144x144xf32> to vector<144x144xbf16>
    %dot_general3A_163 = arith.constant dense<0.000000e+00> : vector<144x32xf32>
    %dot_general3A_164 = tpu.matmul %convert_element_type3A_162, %slice3A_91, %dot_general3A_163 {dimension_numbers = #tpu.dot_dimension_numbers<[0], [0], [1], [1], [0, 1, 1, 1], [], []>, transpose_lhs_hint = false} : vector<144x144xbf16>, vector<144x32xbf16>, vector<144x32xf32> -> vector<144x32xf32>
    %convert_element_type3A_165 = arith.extf %slice3A_92 : vector<144x32xbf16> to vector<144x32xf32>
    %add3A_166 = arith.addf %dot_general3A_164, %convert_element_type3A_165 : vector<144x32xf32>
    %concatenate3A = tpu.concatenate %add3A_136, %add3A_151, %add3A_166 in 1 : vector<144x32xf32>, vector<144x32xf32>, vector<144x32xf32> -> vector<144x96xf32>
    %reshape3A_167 = vector.shape_cast %concatenate3A : vector<144x96xf32> to vector<12x1x12x96xf32>
    %slice3A_168 = vector.extract_strided_slice %reshape3A_39 {offsets = [0, 1, 0, 0], sizes = [12, 1, 12, 384], strides = [1, 1, 1, 1]} : vector<12x8x12x384xf32> to vector<12x1x12x384xf32>
    %squeeze3A_169 = vector.shape_cast %slice3A_168 : vector<12x1x12x384xf32> to vector<12x12x384xf32>
    %reshape3A_170 = vector.shape_cast %squeeze3A_169 : vector<12x12x384xf32> to vector<144x384xf32>
    %convert_element_type3A_171 = arith.truncf %reshape3A_170 : vector<144x384xf32> to vector<144x384xbf16>
    %slice3A_172 = vector.extract_strided_slice %convert_element_type3A_171 {offsets = [0, 0], sizes = [144, 32], strides = [1, 1]} : vector<144x384xbf16> to vector<144x32xbf16>
    %slice3A_173 = vector.extract_strided_slice %convert_element_type3A_171 {offsets = [0, 96], sizes = [144, 32], strides = [1, 1]} : vector<144x384xbf16> to vector<144x32xbf16>
    %slice3A_174 = vector.extract_strided_slice %convert_element_type3A_171 {offsets = [0, 192], sizes = [144, 32], strides = [1, 1]} : vector<144x384xbf16> to vector<144x32xbf16>
    %slice3A_175 = vector.extract_strided_slice %convert_element_type3A_171 {offsets = [0, 288], sizes = [144, 32], strides = [1, 1]} : vector<144x384xbf16> to vector<144x32xbf16>
    %dot_general3A_176 = arith.constant dense<0.000000e+00> : vector<144x144xf32>
    %dot_general3A_177 = tpu.matmul %slice3A_173, %slice3A_172, %dot_general3A_176 {dimension_numbers = #tpu.dot_dimension_numbers<[1], [1], [0], [0], [0, 0, 1, 0], [], []>, transpose_lhs_hint = false} : vector<144x32xbf16>, vector<144x32xbf16>, vector<144x144xf32> -> vector<144x144xf32>
    %mul3A_178 = arith.constant 0.176776692 : f32
    %mul3A_179 = vector.broadcast %mul3A_178 : f32 to vector<144x144xf32>
    %mul3A_180 = arith.mulf %dot_general3A_177, %mul3A_179 : vector<144x144xf32>
    %get3A_181 = arith.constant 0 : index
    %get3A_182 = arith.constant 0 : index
    %get3A_183 = arith.constant 0 : index
    %get3A_184 = vector.load %arg3[%get3A_181, %get3A_182, %get3A_183] : memref<3x144x144xf32, #tpu.memory_space<vmem>>, vector<1x144x144xf32>
    %get3A_185 = vector.shape_cast %get3A_184 : vector<1x144x144xf32> to vector<144x144xf32>
    %add3A_186 = arith.addf %mul3A_180, %get3A_185 : vector<144x144xf32>
    %reduce_max3A_187 = arith.constant dense<0xFF800000> : vector<144xf32>
    %reduce_max3A_188 = vector.multi_reduction <maximumf>, %add3A_186, %reduce_max3A_187 [0] : vector<144x144xf32> to vector<144xf32>
    %broadcast_in_dim3A_189 = vector.shape_cast %reduce_max3A_188 : vector<144xf32> to vector<1x144xf32>
    %sub3A_190 = vector.broadcast %broadcast_in_dim3A_189 : vector<1x144xf32> to vector<144x144xf32>
    %sub3A_191 = arith.subf %add3A_186, %sub3A_190 : vector<144x144xf32>
    %exp3A_192 = math.exp %sub3A_191 : vector<144x144xf32>
    %bitcast_convert_type3A_193 = tpu.bitcast %exp3A_192 : vector<144x144xf32> -> vector<144x144xi32>
    %reduce_sum3A_194 = arith.constant dense<0.000000e+00> : vector<144xf32>
    %reduce_sum3A_195 = vector.multi_reduction <add>, %exp3A_192, %reduce_sum3A_194 [0] : vector<144x144xf32> to vector<144xf32>
    %broadcast_in_dim3A_196 = vector.shape_cast %reduce_sum3A_195 : vector<144xf32> to vector<1x144xf32>
    %slice3A_197 = vector.extract_strided_slice %convert_element_type3A_171 {offsets = [0, 32], sizes = [144, 32], strides = [1, 1]} : vector<144x384xbf16> to vector<144x32xbf16>
    %slice3A_198 = vector.extract_strided_slice %convert_element_type3A_171 {offsets = [0, 128], sizes = [144, 32], strides = [1, 1]} : vector<144x384xbf16> to vector<144x32xbf16>
    %slice3A_199 = vector.extract_strided_slice %convert_element_type3A_171 {offsets = [0, 224], sizes = [144, 32], strides = [1, 1]} : vector<144x384xbf16> to vector<144x32xbf16>
    %slice3A_200 = vector.extract_strided_slice %convert_element_type3A_171 {offsets = [0, 320], sizes = [144, 32], strides = [1, 1]} : vector<144x384xbf16> to vector<144x32xbf16>
    %dot_general3A_201 = arith.constant dense<0.000000e+00> : vector<144x144xf32>
    %dot_general3A_202 = tpu.matmul %slice3A_198, %slice3A_197, %dot_general3A_201 {dimension_numbers = #tpu.dot_dimension_numbers<[1], [1], [0], [0], [0, 0, 1, 0], [], []>, transpose_lhs_hint = false} : vector<144x32xbf16>, vector<144x32xbf16>, vector<144x144xf32> -> vector<144x144xf32>
    %mul3A_203 = arith.constant 0.176776692 : f32
    %mul3A_204 = vector.broadcast %mul3A_203 : f32 to vector<144x144xf32>
    %mul3A_205 = arith.mulf %dot_general3A_202, %mul3A_204 : vector<144x144xf32>
    %get3A_206 = arith.constant 1 : index
    %get3A_207 = arith.constant 0 : index
    %get3A_208 = arith.constant 0 : index
    %get3A_209 = vector.load %arg3[%get3A_206, %get3A_207, %get3A_208] : memref<3x144x144xf32, #tpu.memory_space<vmem>>, vector<1x144x144xf32>
    %get3A_210 = vector.shape_cast %get3A_209 : vector<1x144x144xf32> to vector<144x144xf32>
    %add3A_211 = arith.addf %mul3A_205, %get3A_210 : vector<144x144xf32>
    %reduce_max3A_212 = arith.constant dense<0xFF800000> : vector<144xf32>
    %reduce_max3A_213 = vector.multi_reduction <maximumf>, %add3A_211, %reduce_max3A_212 [0] : vector<144x144xf32> to vector<144xf32>
    %broadcast_in_dim3A_214 = vector.shape_cast %reduce_max3A_213 : vector<144xf32> to vector<1x144xf32>
    %sub3A_215 = vector.broadcast %broadcast_in_dim3A_214 : vector<1x144xf32> to vector<144x144xf32>
    %sub3A_216 = arith.subf %add3A_211, %sub3A_215 : vector<144x144xf32>
    %exp3A_217 = math.exp %sub3A_216 : vector<144x144xf32>
    %bitcast_convert_type3A_218 = tpu.bitcast %exp3A_217 : vector<144x144xf32> -> vector<144x144xi32>
    %reduce_sum3A_219 = arith.constant dense<0.000000e+00> : vector<144xf32>
    %reduce_sum3A_220 = vector.multi_reduction <add>, %exp3A_217, %reduce_sum3A_219 [0] : vector<144x144xf32> to vector<144xf32>
    %broadcast_in_dim3A_221 = vector.shape_cast %reduce_sum3A_220 : vector<144xf32> to vector<1x144xf32>
    %slice3A_222 = vector.extract_strided_slice %convert_element_type3A_171 {offsets = [0, 64], sizes = [144, 32], strides = [1, 1]} : vector<144x384xbf16> to vector<144x32xbf16>
    %slice3A_223 = vector.extract_strided_slice %convert_element_type3A_171 {offsets = [0, 160], sizes = [144, 32], strides = [1, 1]} : vector<144x384xbf16> to vector<144x32xbf16>
    %slice3A_224 = vector.extract_strided_slice %convert_element_type3A_171 {offsets = [0, 256], sizes = [144, 32], strides = [1, 1]} : vector<144x384xbf16> to vector<144x32xbf16>
    %slice3A_225 = vector.extract_strided_slice %convert_element_type3A_171 {offsets = [0, 352], sizes = [144, 32], strides = [1, 1]} : vector<144x384xbf16> to vector<144x32xbf16>
    %dot_general3A_226 = arith.constant dense<0.000000e+00> : vector<144x144xf32>
    %dot_general3A_227 = tpu.matmul %slice3A_223, %slice3A_222, %dot_general3A_226 {dimension_numbers = #tpu.dot_dimension_numbers<[1], [1], [0], [0], [0, 0, 1, 0], [], []>, transpose_lhs_hint = false} : vector<144x32xbf16>, vector<144x32xbf16>, vector<144x144xf32> -> vector<144x144xf32>
    %mul3A_228 = arith.constant 0.176776692 : f32
    %mul3A_229 = vector.broadcast %mul3A_228 : f32 to vector<144x144xf32>
    %mul3A_230 = arith.mulf %dot_general3A_227, %mul3A_229 : vector<144x144xf32>
    %get3A_231 = arith.constant 2 : index
    %get3A_232 = arith.constant 0 : index
    %get3A_233 = arith.constant 0 : index
    %get3A_234 = vector.load %arg3[%get3A_231, %get3A_232, %get3A_233] : memref<3x144x144xf32, #tpu.memory_space<vmem>>, vector<1x144x144xf32>
    %get3A_235 = vector.shape_cast %get3A_234 : vector<1x144x144xf32> to vector<144x144xf32>
    %add3A_236 = arith.addf %mul3A_230, %get3A_235 : vector<144x144xf32>
    %reduce_max3A_237 = arith.constant dense<0xFF800000> : vector<144xf32>
    %reduce_max3A_238 = vector.multi_reduction <maximumf>, %add3A_236, %reduce_max3A_237 [0] : vector<144x144xf32> to vector<144xf32>
    %broadcast_in_dim3A_239 = vector.shape_cast %reduce_max3A_238 : vector<144xf32> to vector<1x144xf32>
    %sub3A_240 = vector.broadcast %broadcast_in_dim3A_239 : vector<1x144xf32> to vector<144x144xf32>
    %sub3A_241 = arith.subf %add3A_236, %sub3A_240 : vector<144x144xf32>
    %exp3A_242 = math.exp %sub3A_241 : vector<144x144xf32>
    %bitcast_convert_type3A_243 = tpu.bitcast %exp3A_242 : vector<144x144xf32> -> vector<144x144xi32>
    %reduce_sum3A_244 = arith.constant dense<0.000000e+00> : vector<144xf32>
    %reduce_sum3A_245 = vector.multi_reduction <add>, %exp3A_242, %reduce_sum3A_244 [0] : vector<144x144xf32> to vector<144xf32>
    %broadcast_in_dim3A_246 = vector.shape_cast %reduce_sum3A_245 : vector<144xf32> to vector<1x144xf32>
    %broadcast_in_dim3A_247 = arith.constant 0 : i32
    %broadcast_in_dim3A_248 = vector.broadcast %broadcast_in_dim3A_247 : i32 to vector<1x144xi32>
    %broadcast_in_dim3A_249 = arith.constant 0 : i32
    %broadcast_in_dim3A_250 = vector.broadcast %broadcast_in_dim3A_249 : i32 to vector<1x144xi32>
    %broadcast_in_dim3A_251 = arith.constant 0 : i32
    %broadcast_in_dim3A_252 = vector.broadcast %broadcast_in_dim3A_251 : i32 to vector<1x144xi32>
    %scan3A_253 = arith.constant 0 : i32
    %scan3A_254 = arith.constant 14 : i32
    %scan3A_255 = arith.addi %scan3A_253, %scan3A_254 : i32
    %scan3A_256 = arith.constant 1 : i32
    %scan3A_257:3 = scf.for %scan3A_1156 = %scan3A_253 to %scan3A_255 step %scan3A_256 iter_args(%scan3A_1157 = %broadcast_in_dim3A_248, %scan3A_1158 = %broadcast_in_dim3A_250, %scan3A_1159 = %broadcast_in_dim3A_252) -> (vector<1x144xi32>, vector<1x144xi32>, vector<1x144xi32>)  : i32 {
      %sub3A_1160 = arith.constant 29 : i32
      %sub3A_1161 = arith.subi %sub3A_1160, %scan3A_1156 : i32
      %shift_left3A = arith.constant 1 : i32
      %shift_left3A_1162 = arith.shli %shift_left3A, %sub3A_1161 : i32
      %or3A = vector.broadcast %shift_left3A_1162 : i32 to vector<1x144xi32>
      %or3A_1163 = arith.ori %scan3A_1157, %or3A : vector<1x144xi32>
      %ge3A_1164 = vector.broadcast %or3A_1163 : vector<1x144xi32> to vector<144x144xi32>
      %ge3A_1165 = arith.cmpi sge, %bitcast_convert_type3A_193, %ge3A_1164 : vector<144x144xi32>
      %convert_element_type3A_1166 = arith.extui %ge3A_1165 : vector<144x144xi1> to vector<144x144xi32>
      %convert_element_type3A_1167 = arith.sitofp %convert_element_type3A_1166 : vector<144x144xi32> to vector<144x144xf32>
      %reduce_sum3A_1168 = arith.constant dense<0.000000e+00> : vector<144xf32>
      %reduce_sum3A_1169 = vector.multi_reduction <add>, %convert_element_type3A_1167, %reduce_sum3A_1168 [0] : vector<144x144xf32> to vector<144xf32>
      %broadcast_in_dim3A_1170 = vector.shape_cast %reduce_sum3A_1169 : vector<144xf32> to vector<1x144xf32>
      %ge3A_1171 = arith.constant 6.400000e+01 : f32
      %ge3A_1172 = vector.broadcast %ge3A_1171 : f32 to vector<1x144xf32>
      %ge3A_1173 = arith.cmpf oge, %broadcast_in_dim3A_1170, %ge3A_1172 : vector<1x144xf32>
      %select_n3A_1174 = arith.select %ge3A_1173, %or3A_1163, %scan3A_1157 : vector<1x144xi1>, vector<1x144xi32>
      %or3A_1175 = vector.broadcast %shift_left3A_1162 : i32 to vector<1x144xi32>
      %or3A_1176 = arith.ori %scan3A_1158, %or3A_1175 : vector<1x144xi32>
      %ge3A_1177 = vector.broadcast %or3A_1176 : vector<1x144xi32> to vector<144x144xi32>
      %ge3A_1178 = arith.cmpi sge, %bitcast_convert_type3A_218, %ge3A_1177 : vector<144x144xi32>
      %convert_element_type3A_1179 = arith.extui %ge3A_1178 : vector<144x144xi1> to vector<144x144xi32>
      %convert_element_type3A_1180 = arith.sitofp %convert_element_type3A_1179 : vector<144x144xi32> to vector<144x144xf32>
      %reduce_sum3A_1181 = arith.constant dense<0.000000e+00> : vector<144xf32>
      %reduce_sum3A_1182 = vector.multi_reduction <add>, %convert_element_type3A_1180, %reduce_sum3A_1181 [0] : vector<144x144xf32> to vector<144xf32>
      %broadcast_in_dim3A_1183 = vector.shape_cast %reduce_sum3A_1182 : vector<144xf32> to vector<1x144xf32>
      %ge3A_1184 = arith.constant 6.400000e+01 : f32
      %ge3A_1185 = vector.broadcast %ge3A_1184 : f32 to vector<1x144xf32>
      %ge3A_1186 = arith.cmpf oge, %broadcast_in_dim3A_1183, %ge3A_1185 : vector<1x144xf32>
      %select_n3A_1187 = arith.select %ge3A_1186, %or3A_1176, %scan3A_1158 : vector<1x144xi1>, vector<1x144xi32>
      %or3A_1188 = vector.broadcast %shift_left3A_1162 : i32 to vector<1x144xi32>
      %or3A_1189 = arith.ori %scan3A_1159, %or3A_1188 : vector<1x144xi32>
      %ge3A_1190 = vector.broadcast %or3A_1189 : vector<1x144xi32> to vector<144x144xi32>
      %ge3A_1191 = arith.cmpi sge, %bitcast_convert_type3A_243, %ge3A_1190 : vector<144x144xi32>
      %convert_element_type3A_1192 = arith.extui %ge3A_1191 : vector<144x144xi1> to vector<144x144xi32>
      %convert_element_type3A_1193 = arith.sitofp %convert_element_type3A_1192 : vector<144x144xi32> to vector<144x144xf32>
      %reduce_sum3A_1194 = arith.constant dense<0.000000e+00> : vector<144xf32>
      %reduce_sum3A_1195 = vector.multi_reduction <add>, %convert_element_type3A_1193, %reduce_sum3A_1194 [0] : vector<144x144xf32> to vector<144xf32>
      %broadcast_in_dim3A_1196 = vector.shape_cast %reduce_sum3A_1195 : vector<144xf32> to vector<1x144xf32>
      %ge3A_1197 = arith.constant 6.400000e+01 : f32
      %ge3A_1198 = vector.broadcast %ge3A_1197 : f32 to vector<1x144xf32>
      %ge3A_1199 = arith.cmpf oge, %broadcast_in_dim3A_1196, %ge3A_1198 : vector<1x144xf32>
      %select_n3A_1200 = arith.select %ge3A_1199, %or3A_1189, %scan3A_1159 : vector<1x144xi1>, vector<1x144xi32>
      scf.yield %select_n3A_1174, %select_n3A_1187, %select_n3A_1200 : vector<1x144xi32>, vector<1x144xi32>, vector<1x144xi32>
    }
    %scan3A_258 = arith.constant 14 : i32
    %div3A_259 = arith.constant 1.000000e+00 : f32
    %div3A_260 = vector.broadcast %div3A_259 : f32 to vector<1x144xf32>
    %div3A_261 = arith.divf %div3A_260, %broadcast_in_dim3A_196 : vector<1x144xf32>
    %ge3A_262 = vector.broadcast %scan3A_257#0 : vector<1x144xi32> to vector<144x144xi32>
    %ge3A_263 = arith.cmpi sge, %bitcast_convert_type3A_193, %ge3A_262 : vector<144x144xi32>
    %mul3A_264 = vector.broadcast %div3A_261 : vector<1x144xf32> to vector<144x144xf32>
    %mul3A_265 = arith.mulf %exp3A_192, %mul3A_264 : vector<144x144xf32>
    %jit3A_266 = arith.constant 0.000000e+00 : f32
    %broadcast_in_dim3A_267 = vector.broadcast %jit3A_266 : f32 to vector<144x144xf32>
    %select_n3A_268 = arith.select %ge3A_263, %mul3A_265, %broadcast_in_dim3A_267 : vector<144x144xi1>, vector<144x144xf32>
    %convert_element_type3A_269 = arith.truncf %select_n3A_268 : vector<144x144xf32> to vector<144x144xbf16>
    %dot_general3A_270 = arith.constant dense<0.000000e+00> : vector<144x32xf32>
    %dot_general3A_271 = tpu.matmul %convert_element_type3A_269, %slice3A_174, %dot_general3A_270 {dimension_numbers = #tpu.dot_dimension_numbers<[0], [0], [1], [1], [0, 1, 1, 1], [], []>, transpose_lhs_hint = false} : vector<144x144xbf16>, vector<144x32xbf16>, vector<144x32xf32> -> vector<144x32xf32>
    %convert_element_type3A_272 = arith.extf %slice3A_175 : vector<144x32xbf16> to vector<144x32xf32>
    %add3A_273 = arith.addf %dot_general3A_271, %convert_element_type3A_272 : vector<144x32xf32>
    %div3A_274 = arith.constant 1.000000e+00 : f32
    %div3A_275 = vector.broadcast %div3A_274 : f32 to vector<1x144xf32>
    %div3A_276 = arith.divf %div3A_275, %broadcast_in_dim3A_221 : vector<1x144xf32>
    %ge3A_277 = vector.broadcast %scan3A_257#1 : vector<1x144xi32> to vector<144x144xi32>
    %ge3A_278 = arith.cmpi sge, %bitcast_convert_type3A_218, %ge3A_277 : vector<144x144xi32>
    %mul3A_279 = vector.broadcast %div3A_276 : vector<1x144xf32> to vector<144x144xf32>
    %mul3A_280 = arith.mulf %exp3A_217, %mul3A_279 : vector<144x144xf32>
    %jit3A_281 = arith.constant 0.000000e+00 : f32
    %broadcast_in_dim3A_282 = vector.broadcast %jit3A_281 : f32 to vector<144x144xf32>
    %select_n3A_283 = arith.select %ge3A_278, %mul3A_280, %broadcast_in_dim3A_282 : vector<144x144xi1>, vector<144x144xf32>
    %convert_element_type3A_284 = arith.truncf %select_n3A_283 : vector<144x144xf32> to vector<144x144xbf16>
    %dot_general3A_285 = arith.constant dense<0.000000e+00> : vector<144x32xf32>
    %dot_general3A_286 = tpu.matmul %convert_element_type3A_284, %slice3A_199, %dot_general3A_285 {dimension_numbers = #tpu.dot_dimension_numbers<[0], [0], [1], [1], [0, 1, 1, 1], [], []>, transpose_lhs_hint = false} : vector<144x144xbf16>, vector<144x32xbf16>, vector<144x32xf32> -> vector<144x32xf32>
    %convert_element_type3A_287 = arith.extf %slice3A_200 : vector<144x32xbf16> to vector<144x32xf32>
    %add3A_288 = arith.addf %dot_general3A_286, %convert_element_type3A_287 : vector<144x32xf32>
    %div3A_289 = arith.constant 1.000000e+00 : f32
    %div3A_290 = vector.broadcast %div3A_289 : f32 to vector<1x144xf32>
    %div3A_291 = arith.divf %div3A_290, %broadcast_in_dim3A_246 : vector<1x144xf32>
    %ge3A_292 = vector.broadcast %scan3A_257#2 : vector<1x144xi32> to vector<144x144xi32>
    %ge3A_293 = arith.cmpi sge, %bitcast_convert_type3A_243, %ge3A_292 : vector<144x144xi32>
    %mul3A_294 = vector.broadcast %div3A_291 : vector<1x144xf32> to vector<144x144xf32>
    %mul3A_295 = arith.mulf %exp3A_242, %mul3A_294 : vector<144x144xf32>
    %jit3A_296 = arith.constant 0.000000e+00 : f32
    %broadcast_in_dim3A_297 = vector.broadcast %jit3A_296 : f32 to vector<144x144xf32>
    %select_n3A_298 = arith.select %ge3A_293, %mul3A_295, %broadcast_in_dim3A_297 : vector<144x144xi1>, vector<144x144xf32>
    %convert_element_type3A_299 = arith.truncf %select_n3A_298 : vector<144x144xf32> to vector<144x144xbf16>
    %dot_general3A_300 = arith.constant dense<0.000000e+00> : vector<144x32xf32>
    %dot_general3A_301 = tpu.matmul %convert_element_type3A_299, %slice3A_224, %dot_general3A_300 {dimension_numbers = #tpu.dot_dimension_numbers<[0], [0], [1], [1], [0, 1, 1, 1], [], []>, transpose_lhs_hint = false} : vector<144x144xbf16>, vector<144x32xbf16>, vector<144x32xf32> -> vector<144x32xf32>
    %convert_element_type3A_302 = arith.extf %slice3A_225 : vector<144x32xbf16> to vector<144x32xf32>
    %add3A_303 = arith.addf %dot_general3A_301, %convert_element_type3A_302 : vector<144x32xf32>
    %concatenate3A_304 = tpu.concatenate %add3A_273, %add3A_288, %add3A_303 in 1 : vector<144x32xf32>, vector<144x32xf32>, vector<144x32xf32> -> vector<144x96xf32>
    %reshape3A_305 = vector.shape_cast %concatenate3A_304 : vector<144x96xf32> to vector<12x1x12x96xf32>
    %slice3A_306 = vector.extract_strided_slice %reshape3A_39 {offsets = [0, 2, 0, 0], sizes = [12, 1, 12, 384], strides = [1, 1, 1, 1]} : vector<12x8x12x384xf32> to vector<12x1x12x384xf32>
    %squeeze3A_307 = vector.shape_cast %slice3A_306 : vector<12x1x12x384xf32> to vector<12x12x384xf32>
    %reshape3A_308 = vector.shape_cast %squeeze3A_307 : vector<12x12x384xf32> to vector<144x384xf32>
    %convert_element_type3A_309 = arith.truncf %reshape3A_308 : vector<144x384xf32> to vector<144x384xbf16>
    %slice3A_310 = vector.extract_strided_slice %convert_element_type3A_309 {offsets = [0, 0], sizes = [144, 32], strides = [1, 1]} : vector<144x384xbf16> to vector<144x32xbf16>
    %slice3A_311 = vector.extract_strided_slice %convert_element_type3A_309 {offsets = [0, 96], sizes = [144, 32], strides = [1, 1]} : vector<144x384xbf16> to vector<144x32xbf16>
    %slice3A_312 = vector.extract_strided_slice %convert_element_type3A_309 {offsets = [0, 192], sizes = [144, 32], strides = [1, 1]} : vector<144x384xbf16> to vector<144x32xbf16>
    %slice3A_313 = vector.extract_strided_slice %convert_element_type3A_309 {offsets = [0, 288], sizes = [144, 32], strides = [1, 1]} : vector<144x384xbf16> to vector<144x32xbf16>
    %dot_general3A_314 = arith.constant dense<0.000000e+00> : vector<144x144xf32>
    %dot_general3A_315 = tpu.matmul %slice3A_311, %slice3A_310, %dot_general3A_314 {dimension_numbers = #tpu.dot_dimension_numbers<[1], [1], [0], [0], [0, 0, 1, 0], [], []>, transpose_lhs_hint = false} : vector<144x32xbf16>, vector<144x32xbf16>, vector<144x144xf32> -> vector<144x144xf32>
    %mul3A_316 = arith.constant 0.176776692 : f32
    %mul3A_317 = vector.broadcast %mul3A_316 : f32 to vector<144x144xf32>
    %mul3A_318 = arith.mulf %dot_general3A_315, %mul3A_317 : vector<144x144xf32>
    %get3A_319 = arith.constant 0 : index
    %get3A_320 = arith.constant 0 : index
    %get3A_321 = arith.constant 0 : index
    %get3A_322 = vector.load %arg3[%get3A_319, %get3A_320, %get3A_321] : memref<3x144x144xf32, #tpu.memory_space<vmem>>, vector<1x144x144xf32>
    %get3A_323 = vector.shape_cast %get3A_322 : vector<1x144x144xf32> to vector<144x144xf32>
    %add3A_324 = arith.addf %mul3A_318, %get3A_323 : vector<144x144xf32>
    %reduce_max3A_325 = arith.constant dense<0xFF800000> : vector<144xf32>
    %reduce_max3A_326 = vector.multi_reduction <maximumf>, %add3A_324, %reduce_max3A_325 [0] : vector<144x144xf32> to vector<144xf32>
    %broadcast_in_dim3A_327 = vector.shape_cast %reduce_max3A_326 : vector<144xf32> to vector<1x144xf32>
    %sub3A_328 = vector.broadcast %broadcast_in_dim3A_327 : vector<1x144xf32> to vector<144x144xf32>
    %sub3A_329 = arith.subf %add3A_324, %sub3A_328 : vector<144x144xf32>
    %exp3A_330 = math.exp %sub3A_329 : vector<144x144xf32>
    %bitcast_convert_type3A_331 = tpu.bitcast %exp3A_330 : vector<144x144xf32> -> vector<144x144xi32>
    %reduce_sum3A_332 = arith.constant dense<0.000000e+00> : vector<144xf32>
    %reduce_sum3A_333 = vector.multi_reduction <add>, %exp3A_330, %reduce_sum3A_332 [0] : vector<144x144xf32> to vector<144xf32>
    %broadcast_in_dim3A_334 = vector.shape_cast %reduce_sum3A_333 : vector<144xf32> to vector<1x144xf32>
    %slice3A_335 = vector.extract_strided_slice %convert_element_type3A_309 {offsets = [0, 32], sizes = [144, 32], strides = [1, 1]} : vector<144x384xbf16> to vector<144x32xbf16>
    %slice3A_336 = vector.extract_strided_slice %convert_element_type3A_309 {offsets = [0, 128], sizes = [144, 32], strides = [1, 1]} : vector<144x384xbf16> to vector<144x32xbf16>
    %slice3A_337 = vector.extract_strided_slice %convert_element_type3A_309 {offsets = [0, 224], sizes = [144, 32], strides = [1, 1]} : vector<144x384xbf16> to vector<144x32xbf16>
    %slice3A_338 = vector.extract_strided_slice %convert_element_type3A_309 {offsets = [0, 320], sizes = [144, 32], strides = [1, 1]} : vector<144x384xbf16> to vector<144x32xbf16>
    %dot_general3A_339 = arith.constant dense<0.000000e+00> : vector<144x144xf32>
    %dot_general3A_340 = tpu.matmul %slice3A_336, %slice3A_335, %dot_general3A_339 {dimension_numbers = #tpu.dot_dimension_numbers<[1], [1], [0], [0], [0, 0, 1, 0], [], []>, transpose_lhs_hint = false} : vector<144x32xbf16>, vector<144x32xbf16>, vector<144x144xf32> -> vector<144x144xf32>
    %mul3A_341 = arith.constant 0.176776692 : f32
    %mul3A_342 = vector.broadcast %mul3A_341 : f32 to vector<144x144xf32>
    %mul3A_343 = arith.mulf %dot_general3A_340, %mul3A_342 : vector<144x144xf32>
    %get3A_344 = arith.constant 1 : index
    %get3A_345 = arith.constant 0 : index
    %get3A_346 = arith.constant 0 : index
    %get3A_347 = vector.load %arg3[%get3A_344, %get3A_345, %get3A_346] : memref<3x144x144xf32, #tpu.memory_space<vmem>>, vector<1x144x144xf32>
    %get3A_348 = vector.shape_cast %get3A_347 : vector<1x144x144xf32> to vector<144x144xf32>
    %add3A_349 = arith.addf %mul3A_343, %get3A_348 : vector<144x144xf32>
    %reduce_max3A_350 = arith.constant dense<0xFF800000> : vector<144xf32>
    %reduce_max3A_351 = vector.multi_reduction <maximumf>, %add3A_349, %reduce_max3A_350 [0] : vector<144x144xf32> to vector<144xf32>
    %broadcast_in_dim3A_352 = vector.shape_cast %reduce_max3A_351 : vector<144xf32> to vector<1x144xf32>
    %sub3A_353 = vector.broadcast %broadcast_in_dim3A_352 : vector<1x144xf32> to vector<144x144xf32>
    %sub3A_354 = arith.subf %add3A_349, %sub3A_353 : vector<144x144xf32>
    %exp3A_355 = math.exp %sub3A_354 : vector<144x144xf32>
    %bitcast_convert_type3A_356 = tpu.bitcast %exp3A_355 : vector<144x144xf32> -> vector<144x144xi32>
    %reduce_sum3A_357 = arith.constant dense<0.000000e+00> : vector<144xf32>
    %reduce_sum3A_358 = vector.multi_reduction <add>, %exp3A_355, %reduce_sum3A_357 [0] : vector<144x144xf32> to vector<144xf32>
    %broadcast_in_dim3A_359 = vector.shape_cast %reduce_sum3A_358 : vector<144xf32> to vector<1x144xf32>
    %slice3A_360 = vector.extract_strided_slice %convert_element_type3A_309 {offsets = [0, 64], sizes = [144, 32], strides = [1, 1]} : vector<144x384xbf16> to vector<144x32xbf16>
    %slice3A_361 = vector.extract_strided_slice %convert_element_type3A_309 {offsets = [0, 160], sizes = [144, 32], strides = [1, 1]} : vector<144x384xbf16> to vector<144x32xbf16>
    %slice3A_362 = vector.extract_strided_slice %convert_element_type3A_309 {offsets = [0, 256], sizes = [144, 32], strides = [1, 1]} : vector<144x384xbf16> to vector<144x32xbf16>
    %slice3A_363 = vector.extract_strided_slice %convert_element_type3A_309 {offsets = [0, 352], sizes = [144, 32], strides = [1, 1]} : vector<144x384xbf16> to vector<144x32xbf16>
    %dot_general3A_364 = arith.constant dense<0.000000e+00> : vector<144x144xf32>
    %dot_general3A_365 = tpu.matmul %slice3A_361, %slice3A_360, %dot_general3A_364 {dimension_numbers = #tpu.dot_dimension_numbers<[1], [1], [0], [0], [0, 0, 1, 0], [], []>, transpose_lhs_hint = false} : vector<144x32xbf16>, vector<144x32xbf16>, vector<144x144xf32> -> vector<144x144xf32>
    %mul3A_366 = arith.constant 0.176776692 : f32
    %mul3A_367 = vector.broadcast %mul3A_366 : f32 to vector<144x144xf32>
    %mul3A_368 = arith.mulf %dot_general3A_365, %mul3A_367 : vector<144x144xf32>
    %get3A_369 = arith.constant 2 : index
    %get3A_370 = arith.constant 0 : index
    %get3A_371 = arith.constant 0 : index
    %get3A_372 = vector.load %arg3[%get3A_369, %get3A_370, %get3A_371] : memref<3x144x144xf32, #tpu.memory_space<vmem>>, vector<1x144x144xf32>
    %get3A_373 = vector.shape_cast %get3A_372 : vector<1x144x144xf32> to vector<144x144xf32>
    %add3A_374 = arith.addf %mul3A_368, %get3A_373 : vector<144x144xf32>
    %reduce_max3A_375 = arith.constant dense<0xFF800000> : vector<144xf32>
    %reduce_max3A_376 = vector.multi_reduction <maximumf>, %add3A_374, %reduce_max3A_375 [0] : vector<144x144xf32> to vector<144xf32>
    %broadcast_in_dim3A_377 = vector.shape_cast %reduce_max3A_376 : vector<144xf32> to vector<1x144xf32>
    %sub3A_378 = vector.broadcast %broadcast_in_dim3A_377 : vector<1x144xf32> to vector<144x144xf32>
    %sub3A_379 = arith.subf %add3A_374, %sub3A_378 : vector<144x144xf32>
    %exp3A_380 = math.exp %sub3A_379 : vector<144x144xf32>
    %bitcast_convert_type3A_381 = tpu.bitcast %exp3A_380 : vector<144x144xf32> -> vector<144x144xi32>
    %reduce_sum3A_382 = arith.constant dense<0.000000e+00> : vector<144xf32>
    %reduce_sum3A_383 = vector.multi_reduction <add>, %exp3A_380, %reduce_sum3A_382 [0] : vector<144x144xf32> to vector<144xf32>
    %broadcast_in_dim3A_384 = vector.shape_cast %reduce_sum3A_383 : vector<144xf32> to vector<1x144xf32>
    %broadcast_in_dim3A_385 = arith.constant 0 : i32
    %broadcast_in_dim3A_386 = vector.broadcast %broadcast_in_dim3A_385 : i32 to vector<1x144xi32>
    %broadcast_in_dim3A_387 = arith.constant 0 : i32
    %broadcast_in_dim3A_388 = vector.broadcast %broadcast_in_dim3A_387 : i32 to vector<1x144xi32>
    %broadcast_in_dim3A_389 = arith.constant 0 : i32
    %broadcast_in_dim3A_390 = vector.broadcast %broadcast_in_dim3A_389 : i32 to vector<1x144xi32>
    %scan3A_391 = arith.constant 0 : i32
    %scan3A_392 = arith.constant 14 : i32
    %scan3A_393 = arith.addi %scan3A_391, %scan3A_392 : i32
    %scan3A_394 = arith.constant 1 : i32
    %scan3A_395:3 = scf.for %scan3A_1156 = %scan3A_391 to %scan3A_393 step %scan3A_394 iter_args(%scan3A_1157 = %broadcast_in_dim3A_386, %scan3A_1158 = %broadcast_in_dim3A_388, %scan3A_1159 = %broadcast_in_dim3A_390) -> (vector<1x144xi32>, vector<1x144xi32>, vector<1x144xi32>)  : i32 {
      %sub3A_1160 = arith.constant 29 : i32
      %sub3A_1161 = arith.subi %sub3A_1160, %scan3A_1156 : i32
      %shift_left3A = arith.constant 1 : i32
      %shift_left3A_1162 = arith.shli %shift_left3A, %sub3A_1161 : i32
      %or3A = vector.broadcast %shift_left3A_1162 : i32 to vector<1x144xi32>
      %or3A_1163 = arith.ori %scan3A_1157, %or3A : vector<1x144xi32>
      %ge3A_1164 = vector.broadcast %or3A_1163 : vector<1x144xi32> to vector<144x144xi32>
      %ge3A_1165 = arith.cmpi sge, %bitcast_convert_type3A_331, %ge3A_1164 : vector<144x144xi32>
      %convert_element_type3A_1166 = arith.extui %ge3A_1165 : vector<144x144xi1> to vector<144x144xi32>
      %convert_element_type3A_1167 = arith.sitofp %convert_element_type3A_1166 : vector<144x144xi32> to vector<144x144xf32>
      %reduce_sum3A_1168 = arith.constant dense<0.000000e+00> : vector<144xf32>
      %reduce_sum3A_1169 = vector.multi_reduction <add>, %convert_element_type3A_1167, %reduce_sum3A_1168 [0] : vector<144x144xf32> to vector<144xf32>
      %broadcast_in_dim3A_1170 = vector.shape_cast %reduce_sum3A_1169 : vector<144xf32> to vector<1x144xf32>
      %ge3A_1171 = arith.constant 6.400000e+01 : f32
      %ge3A_1172 = vector.broadcast %ge3A_1171 : f32 to vector<1x144xf32>
      %ge3A_1173 = arith.cmpf oge, %broadcast_in_dim3A_1170, %ge3A_1172 : vector<1x144xf32>
      %select_n3A_1174 = arith.select %ge3A_1173, %or3A_1163, %scan3A_1157 : vector<1x144xi1>, vector<1x144xi32>
      %or3A_1175 = vector.broadcast %shift_left3A_1162 : i32 to vector<1x144xi32>
      %or3A_1176 = arith.ori %scan3A_1158, %or3A_1175 : vector<1x144xi32>
      %ge3A_1177 = vector.broadcast %or3A_1176 : vector<1x144xi32> to vector<144x144xi32>
      %ge3A_1178 = arith.cmpi sge, %bitcast_convert_type3A_356, %ge3A_1177 : vector<144x144xi32>
      %convert_element_type3A_1179 = arith.extui %ge3A_1178 : vector<144x144xi1> to vector<144x144xi32>
      %convert_element_type3A_1180 = arith.sitofp %convert_element_type3A_1179 : vector<144x144xi32> to vector<144x144xf32>
      %reduce_sum3A_1181 = arith.constant dense<0.000000e+00> : vector<144xf32>
      %reduce_sum3A_1182 = vector.multi_reduction <add>, %convert_element_type3A_1180, %reduce_sum3A_1181 [0] : vector<144x144xf32> to vector<144xf32>
      %broadcast_in_dim3A_1183 = vector.shape_cast %reduce_sum3A_1182 : vector<144xf32> to vector<1x144xf32>
      %ge3A_1184 = arith.constant 6.400000e+01 : f32
      %ge3A_1185 = vector.broadcast %ge3A_1184 : f32 to vector<1x144xf32>
      %ge3A_1186 = arith.cmpf oge, %broadcast_in_dim3A_1183, %ge3A_1185 : vector<1x144xf32>
      %select_n3A_1187 = arith.select %ge3A_1186, %or3A_1176, %scan3A_1158 : vector<1x144xi1>, vector<1x144xi32>
      %or3A_1188 = vector.broadcast %shift_left3A_1162 : i32 to vector<1x144xi32>
      %or3A_1189 = arith.ori %scan3A_1159, %or3A_1188 : vector<1x144xi32>
      %ge3A_1190 = vector.broadcast %or3A_1189 : vector<1x144xi32> to vector<144x144xi32>
      %ge3A_1191 = arith.cmpi sge, %bitcast_convert_type3A_381, %ge3A_1190 : vector<144x144xi32>
      %convert_element_type3A_1192 = arith.extui %ge3A_1191 : vector<144x144xi1> to vector<144x144xi32>
      %convert_element_type3A_1193 = arith.sitofp %convert_element_type3A_1192 : vector<144x144xi32> to vector<144x144xf32>
      %reduce_sum3A_1194 = arith.constant dense<0.000000e+00> : vector<144xf32>
      %reduce_sum3A_1195 = vector.multi_reduction <add>, %convert_element_type3A_1193, %reduce_sum3A_1194 [0] : vector<144x144xf32> to vector<144xf32>
      %broadcast_in_dim3A_1196 = vector.shape_cast %reduce_sum3A_1195 : vector<144xf32> to vector<1x144xf32>
      %ge3A_1197 = arith.constant 6.400000e+01 : f32
      %ge3A_1198 = vector.broadcast %ge3A_1197 : f32 to vector<1x144xf32>
      %ge3A_1199 = arith.cmpf oge, %broadcast_in_dim3A_1196, %ge3A_1198 : vector<1x144xf32>
      %select_n3A_1200 = arith.select %ge3A_1199, %or3A_1189, %scan3A_1159 : vector<1x144xi1>, vector<1x144xi32>
      scf.yield %select_n3A_1174, %select_n3A_1187, %select_n3A_1200 : vector<1x144xi32>, vector<1x144xi32>, vector<1x144xi32>
    }
    %scan3A_396 = arith.constant 14 : i32
    %div3A_397 = arith.constant 1.000000e+00 : f32
    %div3A_398 = vector.broadcast %div3A_397 : f32 to vector<1x144xf32>
    %div3A_399 = arith.divf %div3A_398, %broadcast_in_dim3A_334 : vector<1x144xf32>
    %ge3A_400 = vector.broadcast %scan3A_395#0 : vector<1x144xi32> to vector<144x144xi32>
    %ge3A_401 = arith.cmpi sge, %bitcast_convert_type3A_331, %ge3A_400 : vector<144x144xi32>
    %mul3A_402 = vector.broadcast %div3A_399 : vector<1x144xf32> to vector<144x144xf32>
    %mul3A_403 = arith.mulf %exp3A_330, %mul3A_402 : vector<144x144xf32>
    %jit3A_404 = arith.constant 0.000000e+00 : f32
    %broadcast_in_dim3A_405 = vector.broadcast %jit3A_404 : f32 to vector<144x144xf32>
    %select_n3A_406 = arith.select %ge3A_401, %mul3A_403, %broadcast_in_dim3A_405 : vector<144x144xi1>, vector<144x144xf32>
    %convert_element_type3A_407 = arith.truncf %select_n3A_406 : vector<144x144xf32> to vector<144x144xbf16>
    %dot_general3A_408 = arith.constant dense<0.000000e+00> : vector<144x32xf32>
    %dot_general3A_409 = tpu.matmul %convert_element_type3A_407, %slice3A_312, %dot_general3A_408 {dimension_numbers = #tpu.dot_dimension_numbers<[0], [0], [1], [1], [0, 1, 1, 1], [], []>, transpose_lhs_hint = false} : vector<144x144xbf16>, vector<144x32xbf16>, vector<144x32xf32> -> vector<144x32xf32>
    %convert_element_type3A_410 = arith.extf %slice3A_313 : vector<144x32xbf16> to vector<144x32xf32>
    %add3A_411 = arith.addf %dot_general3A_409, %convert_element_type3A_410 : vector<144x32xf32>
    %div3A_412 = arith.constant 1.000000e+00 : f32
    %div3A_413 = vector.broadcast %div3A_412 : f32 to vector<1x144xf32>
    %div3A_414 = arith.divf %div3A_413, %broadcast_in_dim3A_359 : vector<1x144xf32>
    %ge3A_415 = vector.broadcast %scan3A_395#1 : vector<1x144xi32> to vector<144x144xi32>
    %ge3A_416 = arith.cmpi sge, %bitcast_convert_type3A_356, %ge3A_415 : vector<144x144xi32>
    %mul3A_417 = vector.broadcast %div3A_414 : vector<1x144xf32> to vector<144x144xf32>
    %mul3A_418 = arith.mulf %exp3A_355, %mul3A_417 : vector<144x144xf32>
    %jit3A_419 = arith.constant 0.000000e+00 : f32
    %broadcast_in_dim3A_420 = vector.broadcast %jit3A_419 : f32 to vector<144x144xf32>
    %select_n3A_421 = arith.select %ge3A_416, %mul3A_418, %broadcast_in_dim3A_420 : vector<144x144xi1>, vector<144x144xf32>
    %convert_element_type3A_422 = arith.truncf %select_n3A_421 : vector<144x144xf32> to vector<144x144xbf16>
    %dot_general3A_423 = arith.constant dense<0.000000e+00> : vector<144x32xf32>
    %dot_general3A_424 = tpu.matmul %convert_element_type3A_422, %slice3A_337, %dot_general3A_423 {dimension_numbers = #tpu.dot_dimension_numbers<[0], [0], [1], [1], [0, 1, 1, 1], [], []>, transpose_lhs_hint = false} : vector<144x144xbf16>, vector<144x32xbf16>, vector<144x32xf32> -> vector<144x32xf32>
    %convert_element_type3A_425 = arith.extf %slice3A_338 : vector<144x32xbf16> to vector<144x32xf32>
    %add3A_426 = arith.addf %dot_general3A_424, %convert_element_type3A_425 : vector<144x32xf32>
    %div3A_427 = arith.constant 1.000000e+00 : f32
    %div3A_428 = vector.broadcast %div3A_427 : f32 to vector<1x144xf32>
    %div3A_429 = arith.divf %div3A_428, %broadcast_in_dim3A_384 : vector<1x144xf32>
    %ge3A_430 = vector.broadcast %scan3A_395#2 : vector<1x144xi32> to vector<144x144xi32>
    %ge3A_431 = arith.cmpi sge, %bitcast_convert_type3A_381, %ge3A_430 : vector<144x144xi32>
    %mul3A_432 = vector.broadcast %div3A_429 : vector<1x144xf32> to vector<144x144xf32>
    %mul3A_433 = arith.mulf %exp3A_380, %mul3A_432 : vector<144x144xf32>
    %jit3A_434 = arith.constant 0.000000e+00 : f32
    %broadcast_in_dim3A_435 = vector.broadcast %jit3A_434 : f32 to vector<144x144xf32>
    %select_n3A_436 = arith.select %ge3A_431, %mul3A_433, %broadcast_in_dim3A_435 : vector<144x144xi1>, vector<144x144xf32>
    %convert_element_type3A_437 = arith.truncf %select_n3A_436 : vector<144x144xf32> to vector<144x144xbf16>
    %dot_general3A_438 = arith.constant dense<0.000000e+00> : vector<144x32xf32>
    %dot_general3A_439 = tpu.matmul %convert_element_type3A_437, %slice3A_362, %dot_general3A_438 {dimension_numbers = #tpu.dot_dimension_numbers<[0], [0], [1], [1], [0, 1, 1, 1], [], []>, transpose_lhs_hint = false} : vector<144x144xbf16>, vector<144x32xbf16>, vector<144x32xf32> -> vector<144x32xf32>
    %convert_element_type3A_440 = arith.extf %slice3A_363 : vector<144x32xbf16> to vector<144x32xf32>
    %add3A_441 = arith.addf %dot_general3A_439, %convert_element_type3A_440 : vector<144x32xf32>
    %concatenate3A_442 = tpu.concatenate %add3A_411, %add3A_426, %add3A_441 in 1 : vector<144x32xf32>, vector<144x32xf32>, vector<144x32xf32> -> vector<144x96xf32>
    %reshape3A_443 = vector.shape_cast %concatenate3A_442 : vector<144x96xf32> to vector<12x1x12x96xf32>
    %slice3A_444 = vector.extract_strided_slice %reshape3A_39 {offsets = [0, 3, 0, 0], sizes = [12, 1, 12, 384], strides = [1, 1, 1, 1]} : vector<12x8x12x384xf32> to vector<12x1x12x384xf32>
    %squeeze3A_445 = vector.shape_cast %slice3A_444 : vector<12x1x12x384xf32> to vector<12x12x384xf32>
    %reshape3A_446 = vector.shape_cast %squeeze3A_445 : vector<12x12x384xf32> to vector<144x384xf32>
    %convert_element_type3A_447 = arith.truncf %reshape3A_446 : vector<144x384xf32> to vector<144x384xbf16>
    %slice3A_448 = vector.extract_strided_slice %convert_element_type3A_447 {offsets = [0, 0], sizes = [144, 32], strides = [1, 1]} : vector<144x384xbf16> to vector<144x32xbf16>
    %slice3A_449 = vector.extract_strided_slice %convert_element_type3A_447 {offsets = [0, 96], sizes = [144, 32], strides = [1, 1]} : vector<144x384xbf16> to vector<144x32xbf16>
    %slice3A_450 = vector.extract_strided_slice %convert_element_type3A_447 {offsets = [0, 192], sizes = [144, 32], strides = [1, 1]} : vector<144x384xbf16> to vector<144x32xbf16>
    %slice3A_451 = vector.extract_strided_slice %convert_element_type3A_447 {offsets = [0, 288], sizes = [144, 32], strides = [1, 1]} : vector<144x384xbf16> to vector<144x32xbf16>
    %dot_general3A_452 = arith.constant dense<0.000000e+00> : vector<144x144xf32>
    %dot_general3A_453 = tpu.matmul %slice3A_449, %slice3A_448, %dot_general3A_452 {dimension_numbers = #tpu.dot_dimension_numbers<[1], [1], [0], [0], [0, 0, 1, 0], [], []>, transpose_lhs_hint = false} : vector<144x32xbf16>, vector<144x32xbf16>, vector<144x144xf32> -> vector<144x144xf32>
    %mul3A_454 = arith.constant 0.176776692 : f32
    %mul3A_455 = vector.broadcast %mul3A_454 : f32 to vector<144x144xf32>
    %mul3A_456 = arith.mulf %dot_general3A_453, %mul3A_455 : vector<144x144xf32>
    %get3A_457 = arith.constant 0 : index
    %get3A_458 = arith.constant 0 : index
    %get3A_459 = arith.constant 0 : index
    %get3A_460 = vector.load %arg3[%get3A_457, %get3A_458, %get3A_459] : memref<3x144x144xf32, #tpu.memory_space<vmem>>, vector<1x144x144xf32>
    %get3A_461 = vector.shape_cast %get3A_460 : vector<1x144x144xf32> to vector<144x144xf32>
    %add3A_462 = arith.addf %mul3A_456, %get3A_461 : vector<144x144xf32>
    %reduce_max3A_463 = arith.constant dense<0xFF800000> : vector<144xf32>
    %reduce_max3A_464 = vector.multi_reduction <maximumf>, %add3A_462, %reduce_max3A_463 [0] : vector<144x144xf32> to vector<144xf32>
    %broadcast_in_dim3A_465 = vector.shape_cast %reduce_max3A_464 : vector<144xf32> to vector<1x144xf32>
    %sub3A_466 = vector.broadcast %broadcast_in_dim3A_465 : vector<1x144xf32> to vector<144x144xf32>
    %sub3A_467 = arith.subf %add3A_462, %sub3A_466 : vector<144x144xf32>
    %exp3A_468 = math.exp %sub3A_467 : vector<144x144xf32>
    %bitcast_convert_type3A_469 = tpu.bitcast %exp3A_468 : vector<144x144xf32> -> vector<144x144xi32>
    %reduce_sum3A_470 = arith.constant dense<0.000000e+00> : vector<144xf32>
    %reduce_sum3A_471 = vector.multi_reduction <add>, %exp3A_468, %reduce_sum3A_470 [0] : vector<144x144xf32> to vector<144xf32>
    %broadcast_in_dim3A_472 = vector.shape_cast %reduce_sum3A_471 : vector<144xf32> to vector<1x144xf32>
    %slice3A_473 = vector.extract_strided_slice %convert_element_type3A_447 {offsets = [0, 32], sizes = [144, 32], strides = [1, 1]} : vector<144x384xbf16> to vector<144x32xbf16>
    %slice3A_474 = vector.extract_strided_slice %convert_element_type3A_447 {offsets = [0, 128], sizes = [144, 32], strides = [1, 1]} : vector<144x384xbf16> to vector<144x32xbf16>
    %slice3A_475 = vector.extract_strided_slice %convert_element_type3A_447 {offsets = [0, 224], sizes = [144, 32], strides = [1, 1]} : vector<144x384xbf16> to vector<144x32xbf16>
    %slice3A_476 = vector.extract_strided_slice %convert_element_type3A_447 {offsets = [0, 320], sizes = [144, 32], strides = [1, 1]} : vector<144x384xbf16> to vector<144x32xbf16>
    %dot_general3A_477 = arith.constant dense<0.000000e+00> : vector<144x144xf32>
    %dot_general3A_478 = tpu.matmul %slice3A_474, %slice3A_473, %dot_general3A_477 {dimension_numbers = #tpu.dot_dimension_numbers<[1], [1], [0], [0], [0, 0, 1, 0], [], []>, transpose_lhs_hint = false} : vector<144x32xbf16>, vector<144x32xbf16>, vector<144x144xf32> -> vector<144x144xf32>
    %mul3A_479 = arith.constant 0.176776692 : f32
    %mul3A_480 = vector.broadcast %mul3A_479 : f32 to vector<144x144xf32>
    %mul3A_481 = arith.mulf %dot_general3A_478, %mul3A_480 : vector<144x144xf32>
    %get3A_482 = arith.constant 1 : index
    %get3A_483 = arith.constant 0 : index
    %get3A_484 = arith.constant 0 : index
    %get3A_485 = vector.load %arg3[%get3A_482, %get3A_483, %get3A_484] : memref<3x144x144xf32, #tpu.memory_space<vmem>>, vector<1x144x144xf32>
    %get3A_486 = vector.shape_cast %get3A_485 : vector<1x144x144xf32> to vector<144x144xf32>
    %add3A_487 = arith.addf %mul3A_481, %get3A_486 : vector<144x144xf32>
    %reduce_max3A_488 = arith.constant dense<0xFF800000> : vector<144xf32>
    %reduce_max3A_489 = vector.multi_reduction <maximumf>, %add3A_487, %reduce_max3A_488 [0] : vector<144x144xf32> to vector<144xf32>
    %broadcast_in_dim3A_490 = vector.shape_cast %reduce_max3A_489 : vector<144xf32> to vector<1x144xf32>
    %sub3A_491 = vector.broadcast %broadcast_in_dim3A_490 : vector<1x144xf32> to vector<144x144xf32>
    %sub3A_492 = arith.subf %add3A_487, %sub3A_491 : vector<144x144xf32>
    %exp3A_493 = math.exp %sub3A_492 : vector<144x144xf32>
    %bitcast_convert_type3A_494 = tpu.bitcast %exp3A_493 : vector<144x144xf32> -> vector<144x144xi32>
    %reduce_sum3A_495 = arith.constant dense<0.000000e+00> : vector<144xf32>
    %reduce_sum3A_496 = vector.multi_reduction <add>, %exp3A_493, %reduce_sum3A_495 [0] : vector<144x144xf32> to vector<144xf32>
    %broadcast_in_dim3A_497 = vector.shape_cast %reduce_sum3A_496 : vector<144xf32> to vector<1x144xf32>
    %slice3A_498 = vector.extract_strided_slice %convert_element_type3A_447 {offsets = [0, 64], sizes = [144, 32], strides = [1, 1]} : vector<144x384xbf16> to vector<144x32xbf16>
    %slice3A_499 = vector.extract_strided_slice %convert_element_type3A_447 {offsets = [0, 160], sizes = [144, 32], strides = [1, 1]} : vector<144x384xbf16> to vector<144x32xbf16>
    %slice3A_500 = vector.extract_strided_slice %convert_element_type3A_447 {offsets = [0, 256], sizes = [144, 32], strides = [1, 1]} : vector<144x384xbf16> to vector<144x32xbf16>
    %slice3A_501 = vector.extract_strided_slice %convert_element_type3A_447 {offsets = [0, 352], sizes = [144, 32], strides = [1, 1]} : vector<144x384xbf16> to vector<144x32xbf16>
    %dot_general3A_502 = arith.constant dense<0.000000e+00> : vector<144x144xf32>
    %dot_general3A_503 = tpu.matmul %slice3A_499, %slice3A_498, %dot_general3A_502 {dimension_numbers = #tpu.dot_dimension_numbers<[1], [1], [0], [0], [0, 0, 1, 0], [], []>, transpose_lhs_hint = false} : vector<144x32xbf16>, vector<144x32xbf16>, vector<144x144xf32> -> vector<144x144xf32>
    %mul3A_504 = arith.constant 0.176776692 : f32
    %mul3A_505 = vector.broadcast %mul3A_504 : f32 to vector<144x144xf32>
    %mul3A_506 = arith.mulf %dot_general3A_503, %mul3A_505 : vector<144x144xf32>
    %get3A_507 = arith.constant 2 : index
    %get3A_508 = arith.constant 0 : index
    %get3A_509 = arith.constant 0 : index
    %get3A_510 = vector.load %arg3[%get3A_507, %get3A_508, %get3A_509] : memref<3x144x144xf32, #tpu.memory_space<vmem>>, vector<1x144x144xf32>
    %get3A_511 = vector.shape_cast %get3A_510 : vector<1x144x144xf32> to vector<144x144xf32>
    %add3A_512 = arith.addf %mul3A_506, %get3A_511 : vector<144x144xf32>
    %reduce_max3A_513 = arith.constant dense<0xFF800000> : vector<144xf32>
    %reduce_max3A_514 = vector.multi_reduction <maximumf>, %add3A_512, %reduce_max3A_513 [0] : vector<144x144xf32> to vector<144xf32>
    %broadcast_in_dim3A_515 = vector.shape_cast %reduce_max3A_514 : vector<144xf32> to vector<1x144xf32>
    %sub3A_516 = vector.broadcast %broadcast_in_dim3A_515 : vector<1x144xf32> to vector<144x144xf32>
    %sub3A_517 = arith.subf %add3A_512, %sub3A_516 : vector<144x144xf32>
    %exp3A_518 = math.exp %sub3A_517 : vector<144x144xf32>
    %bitcast_convert_type3A_519 = tpu.bitcast %exp3A_518 : vector<144x144xf32> -> vector<144x144xi32>
    %reduce_sum3A_520 = arith.constant dense<0.000000e+00> : vector<144xf32>
    %reduce_sum3A_521 = vector.multi_reduction <add>, %exp3A_518, %reduce_sum3A_520 [0] : vector<144x144xf32> to vector<144xf32>
    %broadcast_in_dim3A_522 = vector.shape_cast %reduce_sum3A_521 : vector<144xf32> to vector<1x144xf32>
    %broadcast_in_dim3A_523 = arith.constant 0 : i32
    %broadcast_in_dim3A_524 = vector.broadcast %broadcast_in_dim3A_523 : i32 to vector<1x144xi32>
    %broadcast_in_dim3A_525 = arith.constant 0 : i32
    %broadcast_in_dim3A_526 = vector.broadcast %broadcast_in_dim3A_525 : i32 to vector<1x144xi32>
    %broadcast_in_dim3A_527 = arith.constant 0 : i32
    %broadcast_in_dim3A_528 = vector.broadcast %broadcast_in_dim3A_527 : i32 to vector<1x144xi32>
    %scan3A_529 = arith.constant 0 : i32
    %scan3A_530 = arith.constant 14 : i32
    %scan3A_531 = arith.addi %scan3A_529, %scan3A_530 : i32
    %scan3A_532 = arith.constant 1 : i32
    %scan3A_533:3 = scf.for %scan3A_1156 = %scan3A_529 to %scan3A_531 step %scan3A_532 iter_args(%scan3A_1157 = %broadcast_in_dim3A_524, %scan3A_1158 = %broadcast_in_dim3A_526, %scan3A_1159 = %broadcast_in_dim3A_528) -> (vector<1x144xi32>, vector<1x144xi32>, vector<1x144xi32>)  : i32 {
      %sub3A_1160 = arith.constant 29 : i32
      %sub3A_1161 = arith.subi %sub3A_1160, %scan3A_1156 : i32
      %shift_left3A = arith.constant 1 : i32
      %shift_left3A_1162 = arith.shli %shift_left3A, %sub3A_1161 : i32
      %or3A = vector.broadcast %shift_left3A_1162 : i32 to vector<1x144xi32>
      %or3A_1163 = arith.ori %scan3A_1157, %or3A : vector<1x144xi32>
      %ge3A_1164 = vector.broadcast %or3A_1163 : vector<1x144xi32> to vector<144x144xi32>
      %ge3A_1165 = arith.cmpi sge, %bitcast_convert_type3A_469, %ge3A_1164 : vector<144x144xi32>
      %convert_element_type3A_1166 = arith.extui %ge3A_1165 : vector<144x144xi1> to vector<144x144xi32>
      %convert_element_type3A_1167 = arith.sitofp %convert_element_type3A_1166 : vector<144x144xi32> to vector<144x144xf32>
      %reduce_sum3A_1168 = arith.constant dense<0.000000e+00> : vector<144xf32>
      %reduce_sum3A_1169 = vector.multi_reduction <add>, %convert_element_type3A_1167, %reduce_sum3A_1168 [0] : vector<144x144xf32> to vector<144xf32>
      %broadcast_in_dim3A_1170 = vector.shape_cast %reduce_sum3A_1169 : vector<144xf32> to vector<1x144xf32>
      %ge3A_1171 = arith.constant 6.400000e+01 : f32
      %ge3A_1172 = vector.broadcast %ge3A_1171 : f32 to vector<1x144xf32>
      %ge3A_1173 = arith.cmpf oge, %broadcast_in_dim3A_1170, %ge3A_1172 : vector<1x144xf32>
      %select_n3A_1174 = arith.select %ge3A_1173, %or3A_1163, %scan3A_1157 : vector<1x144xi1>, vector<1x144xi32>
      %or3A_1175 = vector.broadcast %shift_left3A_1162 : i32 to vector<1x144xi32>
      %or3A_1176 = arith.ori %scan3A_1158, %or3A_1175 : vector<1x144xi32>
      %ge3A_1177 = vector.broadcast %or3A_1176 : vector<1x144xi32> to vector<144x144xi32>
      %ge3A_1178 = arith.cmpi sge, %bitcast_convert_type3A_494, %ge3A_1177 : vector<144x144xi32>
      %convert_element_type3A_1179 = arith.extui %ge3A_1178 : vector<144x144xi1> to vector<144x144xi32>
      %convert_element_type3A_1180 = arith.sitofp %convert_element_type3A_1179 : vector<144x144xi32> to vector<144x144xf32>
      %reduce_sum3A_1181 = arith.constant dense<0.000000e+00> : vector<144xf32>
      %reduce_sum3A_1182 = vector.multi_reduction <add>, %convert_element_type3A_1180, %reduce_sum3A_1181 [0] : vector<144x144xf32> to vector<144xf32>
      %broadcast_in_dim3A_1183 = vector.shape_cast %reduce_sum3A_1182 : vector<144xf32> to vector<1x144xf32>
      %ge3A_1184 = arith.constant 6.400000e+01 : f32
      %ge3A_1185 = vector.broadcast %ge3A_1184 : f32 to vector<1x144xf32>
      %ge3A_1186 = arith.cmpf oge, %broadcast_in_dim3A_1183, %ge3A_1185 : vector<1x144xf32>
      %select_n3A_1187 = arith.select %ge3A_1186, %or3A_1176, %scan3A_1158 : vector<1x144xi1>, vector<1x144xi32>
      %or3A_1188 = vector.broadcast %shift_left3A_1162 : i32 to vector<1x144xi32>
      %or3A_1189 = arith.ori %scan3A_1159, %or3A_1188 : vector<1x144xi32>
      %ge3A_1190 = vector.broadcast %or3A_1189 : vector<1x144xi32> to vector<144x144xi32>
      %ge3A_1191 = arith.cmpi sge, %bitcast_convert_type3A_519, %ge3A_1190 : vector<144x144xi32>
      %convert_element_type3A_1192 = arith.extui %ge3A_1191 : vector<144x144xi1> to vector<144x144xi32>
      %convert_element_type3A_1193 = arith.sitofp %convert_element_type3A_1192 : vector<144x144xi32> to vector<144x144xf32>
      %reduce_sum3A_1194 = arith.constant dense<0.000000e+00> : vector<144xf32>
      %reduce_sum3A_1195 = vector.multi_reduction <add>, %convert_element_type3A_1193, %reduce_sum3A_1194 [0] : vector<144x144xf32> to vector<144xf32>
      %broadcast_in_dim3A_1196 = vector.shape_cast %reduce_sum3A_1195 : vector<144xf32> to vector<1x144xf32>
      %ge3A_1197 = arith.constant 6.400000e+01 : f32
      %ge3A_1198 = vector.broadcast %ge3A_1197 : f32 to vector<1x144xf32>
      %ge3A_1199 = arith.cmpf oge, %broadcast_in_dim3A_1196, %ge3A_1198 : vector<1x144xf32>
      %select_n3A_1200 = arith.select %ge3A_1199, %or3A_1189, %scan3A_1159 : vector<1x144xi1>, vector<1x144xi32>
      scf.yield %select_n3A_1174, %select_n3A_1187, %select_n3A_1200 : vector<1x144xi32>, vector<1x144xi32>, vector<1x144xi32>
    }
    %scan3A_534 = arith.constant 14 : i32
    %div3A_535 = arith.constant 1.000000e+00 : f32
    %div3A_536 = vector.broadcast %div3A_535 : f32 to vector<1x144xf32>
    %div3A_537 = arith.divf %div3A_536, %broadcast_in_dim3A_472 : vector<1x144xf32>
    %ge3A_538 = vector.broadcast %scan3A_533#0 : vector<1x144xi32> to vector<144x144xi32>
    %ge3A_539 = arith.cmpi sge, %bitcast_convert_type3A_469, %ge3A_538 : vector<144x144xi32>
    %mul3A_540 = vector.broadcast %div3A_537 : vector<1x144xf32> to vector<144x144xf32>
    %mul3A_541 = arith.mulf %exp3A_468, %mul3A_540 : vector<144x144xf32>
    %jit3A_542 = arith.constant 0.000000e+00 : f32
    %broadcast_in_dim3A_543 = vector.broadcast %jit3A_542 : f32 to vector<144x144xf32>
    %select_n3A_544 = arith.select %ge3A_539, %mul3A_541, %broadcast_in_dim3A_543 : vector<144x144xi1>, vector<144x144xf32>
    %convert_element_type3A_545 = arith.truncf %select_n3A_544 : vector<144x144xf32> to vector<144x144xbf16>
    %dot_general3A_546 = arith.constant dense<0.000000e+00> : vector<144x32xf32>
    %dot_general3A_547 = tpu.matmul %convert_element_type3A_545, %slice3A_450, %dot_general3A_546 {dimension_numbers = #tpu.dot_dimension_numbers<[0], [0], [1], [1], [0, 1, 1, 1], [], []>, transpose_lhs_hint = false} : vector<144x144xbf16>, vector<144x32xbf16>, vector<144x32xf32> -> vector<144x32xf32>
    %convert_element_type3A_548 = arith.extf %slice3A_451 : vector<144x32xbf16> to vector<144x32xf32>
    %add3A_549 = arith.addf %dot_general3A_547, %convert_element_type3A_548 : vector<144x32xf32>
    %div3A_550 = arith.constant 1.000000e+00 : f32
    %div3A_551 = vector.broadcast %div3A_550 : f32 to vector<1x144xf32>
    %div3A_552 = arith.divf %div3A_551, %broadcast_in_dim3A_497 : vector<1x144xf32>
    %ge3A_553 = vector.broadcast %scan3A_533#1 : vector<1x144xi32> to vector<144x144xi32>
    %ge3A_554 = arith.cmpi sge, %bitcast_convert_type3A_494, %ge3A_553 : vector<144x144xi32>
    %mul3A_555 = vector.broadcast %div3A_552 : vector<1x144xf32> to vector<144x144xf32>
    %mul3A_556 = arith.mulf %exp3A_493, %mul3A_555 : vector<144x144xf32>
    %jit3A_557 = arith.constant 0.000000e+00 : f32
    %broadcast_in_dim3A_558 = vector.broadcast %jit3A_557 : f32 to vector<144x144xf32>
    %select_n3A_559 = arith.select %ge3A_554, %mul3A_556, %broadcast_in_dim3A_558 : vector<144x144xi1>, vector<144x144xf32>
    %convert_element_type3A_560 = arith.truncf %select_n3A_559 : vector<144x144xf32> to vector<144x144xbf16>
    %dot_general3A_561 = arith.constant dense<0.000000e+00> : vector<144x32xf32>
    %dot_general3A_562 = tpu.matmul %convert_element_type3A_560, %slice3A_475, %dot_general3A_561 {dimension_numbers = #tpu.dot_dimension_numbers<[0], [0], [1], [1], [0, 1, 1, 1], [], []>, transpose_lhs_hint = false} : vector<144x144xbf16>, vector<144x32xbf16>, vector<144x32xf32> -> vector<144x32xf32>
    %convert_element_type3A_563 = arith.extf %slice3A_476 : vector<144x32xbf16> to vector<144x32xf32>
    %add3A_564 = arith.addf %dot_general3A_562, %convert_element_type3A_563 : vector<144x32xf32>
    %div3A_565 = arith.constant 1.000000e+00 : f32
    %div3A_566 = vector.broadcast %div3A_565 : f32 to vector<1x144xf32>
    %div3A_567 = arith.divf %div3A_566, %broadcast_in_dim3A_522 : vector<1x144xf32>
    %ge3A_568 = vector.broadcast %scan3A_533#2 : vector<1x144xi32> to vector<144x144xi32>
    %ge3A_569 = arith.cmpi sge, %bitcast_convert_type3A_519, %ge3A_568 : vector<144x144xi32>
    %mul3A_570 = vector.broadcast %div3A_567 : vector<1x144xf32> to vector<144x144xf32>
    %mul3A_571 = arith.mulf %exp3A_518, %mul3A_570 : vector<144x144xf32>
    %jit3A_572 = arith.constant 0.000000e+00 : f32
    %broadcast_in_dim3A_573 = vector.broadcast %jit3A_572 : f32 to vector<144x144xf32>
    %select_n3A_574 = arith.select %ge3A_569, %mul3A_571, %broadcast_in_dim3A_573 : vector<144x144xi1>, vector<144x144xf32>
    %convert_element_type3A_575 = arith.truncf %select_n3A_574 : vector<144x144xf32> to vector<144x144xbf16>
    %dot_general3A_576 = arith.constant dense<0.000000e+00> : vector<144x32xf32>
    %dot_general3A_577 = tpu.matmul %convert_element_type3A_575, %slice3A_500, %dot_general3A_576 {dimension_numbers = #tpu.dot_dimension_numbers<[0], [0], [1], [1], [0, 1, 1, 1], [], []>, transpose_lhs_hint = false} : vector<144x144xbf16>, vector<144x32xbf16>, vector<144x32xf32> -> vector<144x32xf32>
    %convert_element_type3A_578 = arith.extf %slice3A_501 : vector<144x32xbf16> to vector<144x32xf32>
    %add3A_579 = arith.addf %dot_general3A_577, %convert_element_type3A_578 : vector<144x32xf32>
    %concatenate3A_580 = tpu.concatenate %add3A_549, %add3A_564, %add3A_579 in 1 : vector<144x32xf32>, vector<144x32xf32>, vector<144x32xf32> -> vector<144x96xf32>
    %reshape3A_581 = vector.shape_cast %concatenate3A_580 : vector<144x96xf32> to vector<12x1x12x96xf32>
    %slice3A_582 = vector.extract_strided_slice %reshape3A_39 {offsets = [0, 4, 0, 0], sizes = [12, 1, 12, 384], strides = [1, 1, 1, 1]} : vector<12x8x12x384xf32> to vector<12x1x12x384xf32>
    %squeeze3A_583 = vector.shape_cast %slice3A_582 : vector<12x1x12x384xf32> to vector<12x12x384xf32>
    %reshape3A_584 = vector.shape_cast %squeeze3A_583 : vector<12x12x384xf32> to vector<144x384xf32>
    %convert_element_type3A_585 = arith.truncf %reshape3A_584 : vector<144x384xf32> to vector<144x384xbf16>
    %slice3A_586 = vector.extract_strided_slice %convert_element_type3A_585 {offsets = [0, 0], sizes = [144, 32], strides = [1, 1]} : vector<144x384xbf16> to vector<144x32xbf16>
    %slice3A_587 = vector.extract_strided_slice %convert_element_type3A_585 {offsets = [0, 96], sizes = [144, 32], strides = [1, 1]} : vector<144x384xbf16> to vector<144x32xbf16>
    %slice3A_588 = vector.extract_strided_slice %convert_element_type3A_585 {offsets = [0, 192], sizes = [144, 32], strides = [1, 1]} : vector<144x384xbf16> to vector<144x32xbf16>
    %slice3A_589 = vector.extract_strided_slice %convert_element_type3A_585 {offsets = [0, 288], sizes = [144, 32], strides = [1, 1]} : vector<144x384xbf16> to vector<144x32xbf16>
    %dot_general3A_590 = arith.constant dense<0.000000e+00> : vector<144x144xf32>
    %dot_general3A_591 = tpu.matmul %slice3A_587, %slice3A_586, %dot_general3A_590 {dimension_numbers = #tpu.dot_dimension_numbers<[1], [1], [0], [0], [0, 0, 1, 0], [], []>, transpose_lhs_hint = false} : vector<144x32xbf16>, vector<144x32xbf16>, vector<144x144xf32> -> vector<144x144xf32>
    %mul3A_592 = arith.constant 0.176776692 : f32
    %mul3A_593 = vector.broadcast %mul3A_592 : f32 to vector<144x144xf32>
    %mul3A_594 = arith.mulf %dot_general3A_591, %mul3A_593 : vector<144x144xf32>
    %get3A_595 = arith.constant 0 : index
    %get3A_596 = arith.constant 0 : index
    %get3A_597 = arith.constant 0 : index
    %get3A_598 = vector.load %arg3[%get3A_595, %get3A_596, %get3A_597] : memref<3x144x144xf32, #tpu.memory_space<vmem>>, vector<1x144x144xf32>
    %get3A_599 = vector.shape_cast %get3A_598 : vector<1x144x144xf32> to vector<144x144xf32>
    %add3A_600 = arith.addf %mul3A_594, %get3A_599 : vector<144x144xf32>
    %reduce_max3A_601 = arith.constant dense<0xFF800000> : vector<144xf32>
    %reduce_max3A_602 = vector.multi_reduction <maximumf>, %add3A_600, %reduce_max3A_601 [0] : vector<144x144xf32> to vector<144xf32>
    %broadcast_in_dim3A_603 = vector.shape_cast %reduce_max3A_602 : vector<144xf32> to vector<1x144xf32>
    %sub3A_604 = vector.broadcast %broadcast_in_dim3A_603 : vector<1x144xf32> to vector<144x144xf32>
    %sub3A_605 = arith.subf %add3A_600, %sub3A_604 : vector<144x144xf32>
    %exp3A_606 = math.exp %sub3A_605 : vector<144x144xf32>
    %bitcast_convert_type3A_607 = tpu.bitcast %exp3A_606 : vector<144x144xf32> -> vector<144x144xi32>
    %reduce_sum3A_608 = arith.constant dense<0.000000e+00> : vector<144xf32>
    %reduce_sum3A_609 = vector.multi_reduction <add>, %exp3A_606, %reduce_sum3A_608 [0] : vector<144x144xf32> to vector<144xf32>
    %broadcast_in_dim3A_610 = vector.shape_cast %reduce_sum3A_609 : vector<144xf32> to vector<1x144xf32>
    %slice3A_611 = vector.extract_strided_slice %convert_element_type3A_585 {offsets = [0, 32], sizes = [144, 32], strides = [1, 1]} : vector<144x384xbf16> to vector<144x32xbf16>
    %slice3A_612 = vector.extract_strided_slice %convert_element_type3A_585 {offsets = [0, 128], sizes = [144, 32], strides = [1, 1]} : vector<144x384xbf16> to vector<144x32xbf16>
    %slice3A_613 = vector.extract_strided_slice %convert_element_type3A_585 {offsets = [0, 224], sizes = [144, 32], strides = [1, 1]} : vector<144x384xbf16> to vector<144x32xbf16>
    %slice3A_614 = vector.extract_strided_slice %convert_element_type3A_585 {offsets = [0, 320], sizes = [144, 32], strides = [1, 1]} : vector<144x384xbf16> to vector<144x32xbf16>
    %dot_general3A_615 = arith.constant dense<0.000000e+00> : vector<144x144xf32>
    %dot_general3A_616 = tpu.matmul %slice3A_612, %slice3A_611, %dot_general3A_615 {dimension_numbers = #tpu.dot_dimension_numbers<[1], [1], [0], [0], [0, 0, 1, 0], [], []>, transpose_lhs_hint = false} : vector<144x32xbf16>, vector<144x32xbf16>, vector<144x144xf32> -> vector<144x144xf32>
    %mul3A_617 = arith.constant 0.176776692 : f32
    %mul3A_618 = vector.broadcast %mul3A_617 : f32 to vector<144x144xf32>
    %mul3A_619 = arith.mulf %dot_general3A_616, %mul3A_618 : vector<144x144xf32>
    %get3A_620 = arith.constant 1 : index
    %get3A_621 = arith.constant 0 : index
    %get3A_622 = arith.constant 0 : index
    %get3A_623 = vector.load %arg3[%get3A_620, %get3A_621, %get3A_622] : memref<3x144x144xf32, #tpu.memory_space<vmem>>, vector<1x144x144xf32>
    %get3A_624 = vector.shape_cast %get3A_623 : vector<1x144x144xf32> to vector<144x144xf32>
    %add3A_625 = arith.addf %mul3A_619, %get3A_624 : vector<144x144xf32>
    %reduce_max3A_626 = arith.constant dense<0xFF800000> : vector<144xf32>
    %reduce_max3A_627 = vector.multi_reduction <maximumf>, %add3A_625, %reduce_max3A_626 [0] : vector<144x144xf32> to vector<144xf32>
    %broadcast_in_dim3A_628 = vector.shape_cast %reduce_max3A_627 : vector<144xf32> to vector<1x144xf32>
    %sub3A_629 = vector.broadcast %broadcast_in_dim3A_628 : vector<1x144xf32> to vector<144x144xf32>
    %sub3A_630 = arith.subf %add3A_625, %sub3A_629 : vector<144x144xf32>
    %exp3A_631 = math.exp %sub3A_630 : vector<144x144xf32>
    %bitcast_convert_type3A_632 = tpu.bitcast %exp3A_631 : vector<144x144xf32> -> vector<144x144xi32>
    %reduce_sum3A_633 = arith.constant dense<0.000000e+00> : vector<144xf32>
    %reduce_sum3A_634 = vector.multi_reduction <add>, %exp3A_631, %reduce_sum3A_633 [0] : vector<144x144xf32> to vector<144xf32>
    %broadcast_in_dim3A_635 = vector.shape_cast %reduce_sum3A_634 : vector<144xf32> to vector<1x144xf32>
    %slice3A_636 = vector.extract_strided_slice %convert_element_type3A_585 {offsets = [0, 64], sizes = [144, 32], strides = [1, 1]} : vector<144x384xbf16> to vector<144x32xbf16>
    %slice3A_637 = vector.extract_strided_slice %convert_element_type3A_585 {offsets = [0, 160], sizes = [144, 32], strides = [1, 1]} : vector<144x384xbf16> to vector<144x32xbf16>
    %slice3A_638 = vector.extract_strided_slice %convert_element_type3A_585 {offsets = [0, 256], sizes = [144, 32], strides = [1, 1]} : vector<144x384xbf16> to vector<144x32xbf16>
    %slice3A_639 = vector.extract_strided_slice %convert_element_type3A_585 {offsets = [0, 352], sizes = [144, 32], strides = [1, 1]} : vector<144x384xbf16> to vector<144x32xbf16>
    %dot_general3A_640 = arith.constant dense<0.000000e+00> : vector<144x144xf32>
    %dot_general3A_641 = tpu.matmul %slice3A_637, %slice3A_636, %dot_general3A_640 {dimension_numbers = #tpu.dot_dimension_numbers<[1], [1], [0], [0], [0, 0, 1, 0], [], []>, transpose_lhs_hint = false} : vector<144x32xbf16>, vector<144x32xbf16>, vector<144x144xf32> -> vector<144x144xf32>
    %mul3A_642 = arith.constant 0.176776692 : f32
    %mul3A_643 = vector.broadcast %mul3A_642 : f32 to vector<144x144xf32>
    %mul3A_644 = arith.mulf %dot_general3A_641, %mul3A_643 : vector<144x144xf32>
    %get3A_645 = arith.constant 2 : index
    %get3A_646 = arith.constant 0 : index
    %get3A_647 = arith.constant 0 : index
    %get3A_648 = vector.load %arg3[%get3A_645, %get3A_646, %get3A_647] : memref<3x144x144xf32, #tpu.memory_space<vmem>>, vector<1x144x144xf32>
    %get3A_649 = vector.shape_cast %get3A_648 : vector<1x144x144xf32> to vector<144x144xf32>
    %add3A_650 = arith.addf %mul3A_644, %get3A_649 : vector<144x144xf32>
    %reduce_max3A_651 = arith.constant dense<0xFF800000> : vector<144xf32>
    %reduce_max3A_652 = vector.multi_reduction <maximumf>, %add3A_650, %reduce_max3A_651 [0] : vector<144x144xf32> to vector<144xf32>
    %broadcast_in_dim3A_653 = vector.shape_cast %reduce_max3A_652 : vector<144xf32> to vector<1x144xf32>
    %sub3A_654 = vector.broadcast %broadcast_in_dim3A_653 : vector<1x144xf32> to vector<144x144xf32>
    %sub3A_655 = arith.subf %add3A_650, %sub3A_654 : vector<144x144xf32>
    %exp3A_656 = math.exp %sub3A_655 : vector<144x144xf32>
    %bitcast_convert_type3A_657 = tpu.bitcast %exp3A_656 : vector<144x144xf32> -> vector<144x144xi32>
    %reduce_sum3A_658 = arith.constant dense<0.000000e+00> : vector<144xf32>
    %reduce_sum3A_659 = vector.multi_reduction <add>, %exp3A_656, %reduce_sum3A_658 [0] : vector<144x144xf32> to vector<144xf32>
    %broadcast_in_dim3A_660 = vector.shape_cast %reduce_sum3A_659 : vector<144xf32> to vector<1x144xf32>
    %broadcast_in_dim3A_661 = arith.constant 0 : i32
    %broadcast_in_dim3A_662 = vector.broadcast %broadcast_in_dim3A_661 : i32 to vector<1x144xi32>
    %broadcast_in_dim3A_663 = arith.constant 0 : i32
    %broadcast_in_dim3A_664 = vector.broadcast %broadcast_in_dim3A_663 : i32 to vector<1x144xi32>
    %broadcast_in_dim3A_665 = arith.constant 0 : i32
    %broadcast_in_dim3A_666 = vector.broadcast %broadcast_in_dim3A_665 : i32 to vector<1x144xi32>
    %scan3A_667 = arith.constant 0 : i32
    %scan3A_668 = arith.constant 14 : i32
    %scan3A_669 = arith.addi %scan3A_667, %scan3A_668 : i32
    %scan3A_670 = arith.constant 1 : i32
    %scan3A_671:3 = scf.for %scan3A_1156 = %scan3A_667 to %scan3A_669 step %scan3A_670 iter_args(%scan3A_1157 = %broadcast_in_dim3A_662, %scan3A_1158 = %broadcast_in_dim3A_664, %scan3A_1159 = %broadcast_in_dim3A_666) -> (vector<1x144xi32>, vector<1x144xi32>, vector<1x144xi32>)  : i32 {
      %sub3A_1160 = arith.constant 29 : i32
      %sub3A_1161 = arith.subi %sub3A_1160, %scan3A_1156 : i32
      %shift_left3A = arith.constant 1 : i32
      %shift_left3A_1162 = arith.shli %shift_left3A, %sub3A_1161 : i32
      %or3A = vector.broadcast %shift_left3A_1162 : i32 to vector<1x144xi32>
      %or3A_1163 = arith.ori %scan3A_1157, %or3A : vector<1x144xi32>
      %ge3A_1164 = vector.broadcast %or3A_1163 : vector<1x144xi32> to vector<144x144xi32>
      %ge3A_1165 = arith.cmpi sge, %bitcast_convert_type3A_607, %ge3A_1164 : vector<144x144xi32>
      %convert_element_type3A_1166 = arith.extui %ge3A_1165 : vector<144x144xi1> to vector<144x144xi32>
      %convert_element_type3A_1167 = arith.sitofp %convert_element_type3A_1166 : vector<144x144xi32> to vector<144x144xf32>
      %reduce_sum3A_1168 = arith.constant dense<0.000000e+00> : vector<144xf32>
      %reduce_sum3A_1169 = vector.multi_reduction <add>, %convert_element_type3A_1167, %reduce_sum3A_1168 [0] : vector<144x144xf32> to vector<144xf32>
      %broadcast_in_dim3A_1170 = vector.shape_cast %reduce_sum3A_1169 : vector<144xf32> to vector<1x144xf32>
      %ge3A_1171 = arith.constant 6.400000e+01 : f32
      %ge3A_1172 = vector.broadcast %ge3A_1171 : f32 to vector<1x144xf32>
      %ge3A_1173 = arith.cmpf oge, %broadcast_in_dim3A_1170, %ge3A_1172 : vector<1x144xf32>
      %select_n3A_1174 = arith.select %ge3A_1173, %or3A_1163, %scan3A_1157 : vector<1x144xi1>, vector<1x144xi32>
      %or3A_1175 = vector.broadcast %shift_left3A_1162 : i32 to vector<1x144xi32>
      %or3A_1176 = arith.ori %scan3A_1158, %or3A_1175 : vector<1x144xi32>
      %ge3A_1177 = vector.broadcast %or3A_1176 : vector<1x144xi32> to vector<144x144xi32>
      %ge3A_1178 = arith.cmpi sge, %bitcast_convert_type3A_632, %ge3A_1177 : vector<144x144xi32>
      %convert_element_type3A_1179 = arith.extui %ge3A_1178 : vector<144x144xi1> to vector<144x144xi32>
      %convert_element_type3A_1180 = arith.sitofp %convert_element_type3A_1179 : vector<144x144xi32> to vector<144x144xf32>
      %reduce_sum3A_1181 = arith.constant dense<0.000000e+00> : vector<144xf32>
      %reduce_sum3A_1182 = vector.multi_reduction <add>, %convert_element_type3A_1180, %reduce_sum3A_1181 [0] : vector<144x144xf32> to vector<144xf32>
      %broadcast_in_dim3A_1183 = vector.shape_cast %reduce_sum3A_1182 : vector<144xf32> to vector<1x144xf32>
      %ge3A_1184 = arith.constant 6.400000e+01 : f32
      %ge3A_1185 = vector.broadcast %ge3A_1184 : f32 to vector<1x144xf32>
      %ge3A_1186 = arith.cmpf oge, %broadcast_in_dim3A_1183, %ge3A_1185 : vector<1x144xf32>
      %select_n3A_1187 = arith.select %ge3A_1186, %or3A_1176, %scan3A_1158 : vector<1x144xi1>, vector<1x144xi32>
      %or3A_1188 = vector.broadcast %shift_left3A_1162 : i32 to vector<1x144xi32>
      %or3A_1189 = arith.ori %scan3A_1159, %or3A_1188 : vector<1x144xi32>
      %ge3A_1190 = vector.broadcast %or3A_1189 : vector<1x144xi32> to vector<144x144xi32>
      %ge3A_1191 = arith.cmpi sge, %bitcast_convert_type3A_657, %ge3A_1190 : vector<144x144xi32>
      %convert_element_type3A_1192 = arith.extui %ge3A_1191 : vector<144x144xi1> to vector<144x144xi32>
      %convert_element_type3A_1193 = arith.sitofp %convert_element_type3A_1192 : vector<144x144xi32> to vector<144x144xf32>
      %reduce_sum3A_1194 = arith.constant dense<0.000000e+00> : vector<144xf32>
      %reduce_sum3A_1195 = vector.multi_reduction <add>, %convert_element_type3A_1193, %reduce_sum3A_1194 [0] : vector<144x144xf32> to vector<144xf32>
      %broadcast_in_dim3A_1196 = vector.shape_cast %reduce_sum3A_1195 : vector<144xf32> to vector<1x144xf32>
      %ge3A_1197 = arith.constant 6.400000e+01 : f32
      %ge3A_1198 = vector.broadcast %ge3A_1197 : f32 to vector<1x144xf32>
      %ge3A_1199 = arith.cmpf oge, %broadcast_in_dim3A_1196, %ge3A_1198 : vector<1x144xf32>
      %select_n3A_1200 = arith.select %ge3A_1199, %or3A_1189, %scan3A_1159 : vector<1x144xi1>, vector<1x144xi32>
      scf.yield %select_n3A_1174, %select_n3A_1187, %select_n3A_1200 : vector<1x144xi32>, vector<1x144xi32>, vector<1x144xi32>
    }
    %scan3A_672 = arith.constant 14 : i32
    %div3A_673 = arith.constant 1.000000e+00 : f32
    %div3A_674 = vector.broadcast %div3A_673 : f32 to vector<1x144xf32>
    %div3A_675 = arith.divf %div3A_674, %broadcast_in_dim3A_610 : vector<1x144xf32>
    %ge3A_676 = vector.broadcast %scan3A_671#0 : vector<1x144xi32> to vector<144x144xi32>
    %ge3A_677 = arith.cmpi sge, %bitcast_convert_type3A_607, %ge3A_676 : vector<144x144xi32>
    %mul3A_678 = vector.broadcast %div3A_675 : vector<1x144xf32> to vector<144x144xf32>
    %mul3A_679 = arith.mulf %exp3A_606, %mul3A_678 : vector<144x144xf32>
    %jit3A_680 = arith.constant 0.000000e+00 : f32
    %broadcast_in_dim3A_681 = vector.broadcast %jit3A_680 : f32 to vector<144x144xf32>
    %select_n3A_682 = arith.select %ge3A_677, %mul3A_679, %broadcast_in_dim3A_681 : vector<144x144xi1>, vector<144x144xf32>
    %convert_element_type3A_683 = arith.truncf %select_n3A_682 : vector<144x144xf32> to vector<144x144xbf16>
    %dot_general3A_684 = arith.constant dense<0.000000e+00> : vector<144x32xf32>
    %dot_general3A_685 = tpu.matmul %convert_element_type3A_683, %slice3A_588, %dot_general3A_684 {dimension_numbers = #tpu.dot_dimension_numbers<[0], [0], [1], [1], [0, 1, 1, 1], [], []>, transpose_lhs_hint = false} : vector<144x144xbf16>, vector<144x32xbf16>, vector<144x32xf32> -> vector<144x32xf32>
    %convert_element_type3A_686 = arith.extf %slice3A_589 : vector<144x32xbf16> to vector<144x32xf32>
    %add3A_687 = arith.addf %dot_general3A_685, %convert_element_type3A_686 : vector<144x32xf32>
    %div3A_688 = arith.constant 1.000000e+00 : f32
    %div3A_689 = vector.broadcast %div3A_688 : f32 to vector<1x144xf32>
    %div3A_690 = arith.divf %div3A_689, %broadcast_in_dim3A_635 : vector<1x144xf32>
    %ge3A_691 = vector.broadcast %scan3A_671#1 : vector<1x144xi32> to vector<144x144xi32>
    %ge3A_692 = arith.cmpi sge, %bitcast_convert_type3A_632, %ge3A_691 : vector<144x144xi32>
    %mul3A_693 = vector.broadcast %div3A_690 : vector<1x144xf32> to vector<144x144xf32>
    %mul3A_694 = arith.mulf %exp3A_631, %mul3A_693 : vector<144x144xf32>
    %jit3A_695 = arith.constant 0.000000e+00 : f32
    %broadcast_in_dim3A_696 = vector.broadcast %jit3A_695 : f32 to vector<144x144xf32>
    %select_n3A_697 = arith.select %ge3A_692, %mul3A_694, %broadcast_in_dim3A_696 : vector<144x144xi1>, vector<144x144xf32>
    %convert_element_type3A_698 = arith.truncf %select_n3A_697 : vector<144x144xf32> to vector<144x144xbf16>
    %dot_general3A_699 = arith.constant dense<0.000000e+00> : vector<144x32xf32>
    %dot_general3A_700 = tpu.matmul %convert_element_type3A_698, %slice3A_613, %dot_general3A_699 {dimension_numbers = #tpu.dot_dimension_numbers<[0], [0], [1], [1], [0, 1, 1, 1], [], []>, transpose_lhs_hint = false} : vector<144x144xbf16>, vector<144x32xbf16>, vector<144x32xf32> -> vector<144x32xf32>
    %convert_element_type3A_701 = arith.extf %slice3A_614 : vector<144x32xbf16> to vector<144x32xf32>
    %add3A_702 = arith.addf %dot_general3A_700, %convert_element_type3A_701 : vector<144x32xf32>
    %div3A_703 = arith.constant 1.000000e+00 : f32
    %div3A_704 = vector.broadcast %div3A_703 : f32 to vector<1x144xf32>
    %div3A_705 = arith.divf %div3A_704, %broadcast_in_dim3A_660 : vector<1x144xf32>
    %ge3A_706 = vector.broadcast %scan3A_671#2 : vector<1x144xi32> to vector<144x144xi32>
    %ge3A_707 = arith.cmpi sge, %bitcast_convert_type3A_657, %ge3A_706 : vector<144x144xi32>
    %mul3A_708 = vector.broadcast %div3A_705 : vector<1x144xf32> to vector<144x144xf32>
    %mul3A_709 = arith.mulf %exp3A_656, %mul3A_708 : vector<144x144xf32>
    %jit3A_710 = arith.constant 0.000000e+00 : f32
    %broadcast_in_dim3A_711 = vector.broadcast %jit3A_710 : f32 to vector<144x144xf32>
    %select_n3A_712 = arith.select %ge3A_707, %mul3A_709, %broadcast_in_dim3A_711 : vector<144x144xi1>, vector<144x144xf32>
    %convert_element_type3A_713 = arith.truncf %select_n3A_712 : vector<144x144xf32> to vector<144x144xbf16>
    %dot_general3A_714 = arith.constant dense<0.000000e+00> : vector<144x32xf32>
    %dot_general3A_715 = tpu.matmul %convert_element_type3A_713, %slice3A_638, %dot_general3A_714 {dimension_numbers = #tpu.dot_dimension_numbers<[0], [0], [1], [1], [0, 1, 1, 1], [], []>, transpose_lhs_hint = false} : vector<144x144xbf16>, vector<144x32xbf16>, vector<144x32xf32> -> vector<144x32xf32>
    %convert_element_type3A_716 = arith.extf %slice3A_639 : vector<144x32xbf16> to vector<144x32xf32>
    %add3A_717 = arith.addf %dot_general3A_715, %convert_element_type3A_716 : vector<144x32xf32>
    %concatenate3A_718 = tpu.concatenate %add3A_687, %add3A_702, %add3A_717 in 1 : vector<144x32xf32>, vector<144x32xf32>, vector<144x32xf32> -> vector<144x96xf32>
    %reshape3A_719 = vector.shape_cast %concatenate3A_718 : vector<144x96xf32> to vector<12x1x12x96xf32>
    %slice3A_720 = vector.extract_strided_slice %reshape3A_39 {offsets = [0, 5, 0, 0], sizes = [12, 1, 12, 384], strides = [1, 1, 1, 1]} : vector<12x8x12x384xf32> to vector<12x1x12x384xf32>
    %squeeze3A_721 = vector.shape_cast %slice3A_720 : vector<12x1x12x384xf32> to vector<12x12x384xf32>
    %reshape3A_722 = vector.shape_cast %squeeze3A_721 : vector<12x12x384xf32> to vector<144x384xf32>
    %convert_element_type3A_723 = arith.truncf %reshape3A_722 : vector<144x384xf32> to vector<144x384xbf16>
    %slice3A_724 = vector.extract_strided_slice %convert_element_type3A_723 {offsets = [0, 0], sizes = [144, 32], strides = [1, 1]} : vector<144x384xbf16> to vector<144x32xbf16>
    %slice3A_725 = vector.extract_strided_slice %convert_element_type3A_723 {offsets = [0, 96], sizes = [144, 32], strides = [1, 1]} : vector<144x384xbf16> to vector<144x32xbf16>
    %slice3A_726 = vector.extract_strided_slice %convert_element_type3A_723 {offsets = [0, 192], sizes = [144, 32], strides = [1, 1]} : vector<144x384xbf16> to vector<144x32xbf16>
    %slice3A_727 = vector.extract_strided_slice %convert_element_type3A_723 {offsets = [0, 288], sizes = [144, 32], strides = [1, 1]} : vector<144x384xbf16> to vector<144x32xbf16>
    %dot_general3A_728 = arith.constant dense<0.000000e+00> : vector<144x144xf32>
    %dot_general3A_729 = tpu.matmul %slice3A_725, %slice3A_724, %dot_general3A_728 {dimension_numbers = #tpu.dot_dimension_numbers<[1], [1], [0], [0], [0, 0, 1, 0], [], []>, transpose_lhs_hint = false} : vector<144x32xbf16>, vector<144x32xbf16>, vector<144x144xf32> -> vector<144x144xf32>
    %mul3A_730 = arith.constant 0.176776692 : f32
    %mul3A_731 = vector.broadcast %mul3A_730 : f32 to vector<144x144xf32>
    %mul3A_732 = arith.mulf %dot_general3A_729, %mul3A_731 : vector<144x144xf32>
    %get3A_733 = arith.constant 0 : index
    %get3A_734 = arith.constant 0 : index
    %get3A_735 = arith.constant 0 : index
    %get3A_736 = vector.load %arg3[%get3A_733, %get3A_734, %get3A_735] : memref<3x144x144xf32, #tpu.memory_space<vmem>>, vector<1x144x144xf32>
    %get3A_737 = vector.shape_cast %get3A_736 : vector<1x144x144xf32> to vector<144x144xf32>
    %add3A_738 = arith.addf %mul3A_732, %get3A_737 : vector<144x144xf32>
    %reduce_max3A_739 = arith.constant dense<0xFF800000> : vector<144xf32>
    %reduce_max3A_740 = vector.multi_reduction <maximumf>, %add3A_738, %reduce_max3A_739 [0] : vector<144x144xf32> to vector<144xf32>
    %broadcast_in_dim3A_741 = vector.shape_cast %reduce_max3A_740 : vector<144xf32> to vector<1x144xf32>
    %sub3A_742 = vector.broadcast %broadcast_in_dim3A_741 : vector<1x144xf32> to vector<144x144xf32>
    %sub3A_743 = arith.subf %add3A_738, %sub3A_742 : vector<144x144xf32>
    %exp3A_744 = math.exp %sub3A_743 : vector<144x144xf32>
    %bitcast_convert_type3A_745 = tpu.bitcast %exp3A_744 : vector<144x144xf32> -> vector<144x144xi32>
    %reduce_sum3A_746 = arith.constant dense<0.000000e+00> : vector<144xf32>
    %reduce_sum3A_747 = vector.multi_reduction <add>, %exp3A_744, %reduce_sum3A_746 [0] : vector<144x144xf32> to vector<144xf32>
    %broadcast_in_dim3A_748 = vector.shape_cast %reduce_sum3A_747 : vector<144xf32> to vector<1x144xf32>
    %slice3A_749 = vector.extract_strided_slice %convert_element_type3A_723 {offsets = [0, 32], sizes = [144, 32], strides = [1, 1]} : vector<144x384xbf16> to vector<144x32xbf16>
    %slice3A_750 = vector.extract_strided_slice %convert_element_type3A_723 {offsets = [0, 128], sizes = [144, 32], strides = [1, 1]} : vector<144x384xbf16> to vector<144x32xbf16>
    %slice3A_751 = vector.extract_strided_slice %convert_element_type3A_723 {offsets = [0, 224], sizes = [144, 32], strides = [1, 1]} : vector<144x384xbf16> to vector<144x32xbf16>
    %slice3A_752 = vector.extract_strided_slice %convert_element_type3A_723 {offsets = [0, 320], sizes = [144, 32], strides = [1, 1]} : vector<144x384xbf16> to vector<144x32xbf16>
    %dot_general3A_753 = arith.constant dense<0.000000e+00> : vector<144x144xf32>
    %dot_general3A_754 = tpu.matmul %slice3A_750, %slice3A_749, %dot_general3A_753 {dimension_numbers = #tpu.dot_dimension_numbers<[1], [1], [0], [0], [0, 0, 1, 0], [], []>, transpose_lhs_hint = false} : vector<144x32xbf16>, vector<144x32xbf16>, vector<144x144xf32> -> vector<144x144xf32>
    %mul3A_755 = arith.constant 0.176776692 : f32
    %mul3A_756 = vector.broadcast %mul3A_755 : f32 to vector<144x144xf32>
    %mul3A_757 = arith.mulf %dot_general3A_754, %mul3A_756 : vector<144x144xf32>
    %get3A_758 = arith.constant 1 : index
    %get3A_759 = arith.constant 0 : index
    %get3A_760 = arith.constant 0 : index
    %get3A_761 = vector.load %arg3[%get3A_758, %get3A_759, %get3A_760] : memref<3x144x144xf32, #tpu.memory_space<vmem>>, vector<1x144x144xf32>
    %get3A_762 = vector.shape_cast %get3A_761 : vector<1x144x144xf32> to vector<144x144xf32>
    %add3A_763 = arith.addf %mul3A_757, %get3A_762 : vector<144x144xf32>
    %reduce_max3A_764 = arith.constant dense<0xFF800000> : vector<144xf32>
    %reduce_max3A_765 = vector.multi_reduction <maximumf>, %add3A_763, %reduce_max3A_764 [0] : vector<144x144xf32> to vector<144xf32>
    %broadcast_in_dim3A_766 = vector.shape_cast %reduce_max3A_765 : vector<144xf32> to vector<1x144xf32>
    %sub3A_767 = vector.broadcast %broadcast_in_dim3A_766 : vector<1x144xf32> to vector<144x144xf32>
    %sub3A_768 = arith.subf %add3A_763, %sub3A_767 : vector<144x144xf32>
    %exp3A_769 = math.exp %sub3A_768 : vector<144x144xf32>
    %bitcast_convert_type3A_770 = tpu.bitcast %exp3A_769 : vector<144x144xf32> -> vector<144x144xi32>
    %reduce_sum3A_771 = arith.constant dense<0.000000e+00> : vector<144xf32>
    %reduce_sum3A_772 = vector.multi_reduction <add>, %exp3A_769, %reduce_sum3A_771 [0] : vector<144x144xf32> to vector<144xf32>
    %broadcast_in_dim3A_773 = vector.shape_cast %reduce_sum3A_772 : vector<144xf32> to vector<1x144xf32>
    %slice3A_774 = vector.extract_strided_slice %convert_element_type3A_723 {offsets = [0, 64], sizes = [144, 32], strides = [1, 1]} : vector<144x384xbf16> to vector<144x32xbf16>
    %slice3A_775 = vector.extract_strided_slice %convert_element_type3A_723 {offsets = [0, 160], sizes = [144, 32], strides = [1, 1]} : vector<144x384xbf16> to vector<144x32xbf16>
    %slice3A_776 = vector.extract_strided_slice %convert_element_type3A_723 {offsets = [0, 256], sizes = [144, 32], strides = [1, 1]} : vector<144x384xbf16> to vector<144x32xbf16>
    %slice3A_777 = vector.extract_strided_slice %convert_element_type3A_723 {offsets = [0, 352], sizes = [144, 32], strides = [1, 1]} : vector<144x384xbf16> to vector<144x32xbf16>
    %dot_general3A_778 = arith.constant dense<0.000000e+00> : vector<144x144xf32>
    %dot_general3A_779 = tpu.matmul %slice3A_775, %slice3A_774, %dot_general3A_778 {dimension_numbers = #tpu.dot_dimension_numbers<[1], [1], [0], [0], [0, 0, 1, 0], [], []>, transpose_lhs_hint = false} : vector<144x32xbf16>, vector<144x32xbf16>, vector<144x144xf32> -> vector<144x144xf32>
    %mul3A_780 = arith.constant 0.176776692 : f32
    %mul3A_781 = vector.broadcast %mul3A_780 : f32 to vector<144x144xf32>
    %mul3A_782 = arith.mulf %dot_general3A_779, %mul3A_781 : vector<144x144xf32>
    %get3A_783 = arith.constant 2 : index
    %get3A_784 = arith.constant 0 : index
    %get3A_785 = arith.constant 0 : index
    %get3A_786 = vector.load %arg3[%get3A_783, %get3A_784, %get3A_785] : memref<3x144x144xf32, #tpu.memory_space<vmem>>, vector<1x144x144xf32>
    %get3A_787 = vector.shape_cast %get3A_786 : vector<1x144x144xf32> to vector<144x144xf32>
    %add3A_788 = arith.addf %mul3A_782, %get3A_787 : vector<144x144xf32>
    %reduce_max3A_789 = arith.constant dense<0xFF800000> : vector<144xf32>
    %reduce_max3A_790 = vector.multi_reduction <maximumf>, %add3A_788, %reduce_max3A_789 [0] : vector<144x144xf32> to vector<144xf32>
    %broadcast_in_dim3A_791 = vector.shape_cast %reduce_max3A_790 : vector<144xf32> to vector<1x144xf32>
    %sub3A_792 = vector.broadcast %broadcast_in_dim3A_791 : vector<1x144xf32> to vector<144x144xf32>
    %sub3A_793 = arith.subf %add3A_788, %sub3A_792 : vector<144x144xf32>
    %exp3A_794 = math.exp %sub3A_793 : vector<144x144xf32>
    %bitcast_convert_type3A_795 = tpu.bitcast %exp3A_794 : vector<144x144xf32> -> vector<144x144xi32>
    %reduce_sum3A_796 = arith.constant dense<0.000000e+00> : vector<144xf32>
    %reduce_sum3A_797 = vector.multi_reduction <add>, %exp3A_794, %reduce_sum3A_796 [0] : vector<144x144xf32> to vector<144xf32>
    %broadcast_in_dim3A_798 = vector.shape_cast %reduce_sum3A_797 : vector<144xf32> to vector<1x144xf32>
    %broadcast_in_dim3A_799 = arith.constant 0 : i32
    %broadcast_in_dim3A_800 = vector.broadcast %broadcast_in_dim3A_799 : i32 to vector<1x144xi32>
    %broadcast_in_dim3A_801 = arith.constant 0 : i32
    %broadcast_in_dim3A_802 = vector.broadcast %broadcast_in_dim3A_801 : i32 to vector<1x144xi32>
    %broadcast_in_dim3A_803 = arith.constant 0 : i32
    %broadcast_in_dim3A_804 = vector.broadcast %broadcast_in_dim3A_803 : i32 to vector<1x144xi32>
    %scan3A_805 = arith.constant 0 : i32
    %scan3A_806 = arith.constant 14 : i32
    %scan3A_807 = arith.addi %scan3A_805, %scan3A_806 : i32
    %scan3A_808 = arith.constant 1 : i32
    %scan3A_809:3 = scf.for %scan3A_1156 = %scan3A_805 to %scan3A_807 step %scan3A_808 iter_args(%scan3A_1157 = %broadcast_in_dim3A_800, %scan3A_1158 = %broadcast_in_dim3A_802, %scan3A_1159 = %broadcast_in_dim3A_804) -> (vector<1x144xi32>, vector<1x144xi32>, vector<1x144xi32>)  : i32 {
      %sub3A_1160 = arith.constant 29 : i32
      %sub3A_1161 = arith.subi %sub3A_1160, %scan3A_1156 : i32
      %shift_left3A = arith.constant 1 : i32
      %shift_left3A_1162 = arith.shli %shift_left3A, %sub3A_1161 : i32
      %or3A = vector.broadcast %shift_left3A_1162 : i32 to vector<1x144xi32>
      %or3A_1163 = arith.ori %scan3A_1157, %or3A : vector<1x144xi32>
      %ge3A_1164 = vector.broadcast %or3A_1163 : vector<1x144xi32> to vector<144x144xi32>
      %ge3A_1165 = arith.cmpi sge, %bitcast_convert_type3A_745, %ge3A_1164 : vector<144x144xi32>
      %convert_element_type3A_1166 = arith.extui %ge3A_1165 : vector<144x144xi1> to vector<144x144xi32>
      %convert_element_type3A_1167 = arith.sitofp %convert_element_type3A_1166 : vector<144x144xi32> to vector<144x144xf32>
      %reduce_sum3A_1168 = arith.constant dense<0.000000e+00> : vector<144xf32>
      %reduce_sum3A_1169 = vector.multi_reduction <add>, %convert_element_type3A_1167, %reduce_sum3A_1168 [0] : vector<144x144xf32> to vector<144xf32>
      %broadcast_in_dim3A_1170 = vector.shape_cast %reduce_sum3A_1169 : vector<144xf32> to vector<1x144xf32>
      %ge3A_1171 = arith.constant 6.400000e+01 : f32
      %ge3A_1172 = vector.broadcast %ge3A_1171 : f32 to vector<1x144xf32>
      %ge3A_1173 = arith.cmpf oge, %broadcast_in_dim3A_1170, %ge3A_1172 : vector<1x144xf32>
      %select_n3A_1174 = arith.select %ge3A_1173, %or3A_1163, %scan3A_1157 : vector<1x144xi1>, vector<1x144xi32>
      %or3A_1175 = vector.broadcast %shift_left3A_1162 : i32 to vector<1x144xi32>
      %or3A_1176 = arith.ori %scan3A_1158, %or3A_1175 : vector<1x144xi32>
      %ge3A_1177 = vector.broadcast %or3A_1176 : vector<1x144xi32> to vector<144x144xi32>
      %ge3A_1178 = arith.cmpi sge, %bitcast_convert_type3A_770, %ge3A_1177 : vector<144x144xi32>
      %convert_element_type3A_1179 = arith.extui %ge3A_1178 : vector<144x144xi1> to vector<144x144xi32>
      %convert_element_type3A_1180 = arith.sitofp %convert_element_type3A_1179 : vector<144x144xi32> to vector<144x144xf32>
      %reduce_sum3A_1181 = arith.constant dense<0.000000e+00> : vector<144xf32>
      %reduce_sum3A_1182 = vector.multi_reduction <add>, %convert_element_type3A_1180, %reduce_sum3A_1181 [0] : vector<144x144xf32> to vector<144xf32>
      %broadcast_in_dim3A_1183 = vector.shape_cast %reduce_sum3A_1182 : vector<144xf32> to vector<1x144xf32>
      %ge3A_1184 = arith.constant 6.400000e+01 : f32
      %ge3A_1185 = vector.broadcast %ge3A_1184 : f32 to vector<1x144xf32>
      %ge3A_1186 = arith.cmpf oge, %broadcast_in_dim3A_1183, %ge3A_1185 : vector<1x144xf32>
      %select_n3A_1187 = arith.select %ge3A_1186, %or3A_1176, %scan3A_1158 : vector<1x144xi1>, vector<1x144xi32>
      %or3A_1188 = vector.broadcast %shift_left3A_1162 : i32 to vector<1x144xi32>
      %or3A_1189 = arith.ori %scan3A_1159, %or3A_1188 : vector<1x144xi32>
      %ge3A_1190 = vector.broadcast %or3A_1189 : vector<1x144xi32> to vector<144x144xi32>
      %ge3A_1191 = arith.cmpi sge, %bitcast_convert_type3A_795, %ge3A_1190 : vector<144x144xi32>
      %convert_element_type3A_1192 = arith.extui %ge3A_1191 : vector<144x144xi1> to vector<144x144xi32>
      %convert_element_type3A_1193 = arith.sitofp %convert_element_type3A_1192 : vector<144x144xi32> to vector<144x144xf32>
      %reduce_sum3A_1194 = arith.constant dense<0.000000e+00> : vector<144xf32>
      %reduce_sum3A_1195 = vector.multi_reduction <add>, %convert_element_type3A_1193, %reduce_sum3A_1194 [0] : vector<144x144xf32> to vector<144xf32>
      %broadcast_in_dim3A_1196 = vector.shape_cast %reduce_sum3A_1195 : vector<144xf32> to vector<1x144xf32>
      %ge3A_1197 = arith.constant 6.400000e+01 : f32
      %ge3A_1198 = vector.broadcast %ge3A_1197 : f32 to vector<1x144xf32>
      %ge3A_1199 = arith.cmpf oge, %broadcast_in_dim3A_1196, %ge3A_1198 : vector<1x144xf32>
      %select_n3A_1200 = arith.select %ge3A_1199, %or3A_1189, %scan3A_1159 : vector<1x144xi1>, vector<1x144xi32>
      scf.yield %select_n3A_1174, %select_n3A_1187, %select_n3A_1200 : vector<1x144xi32>, vector<1x144xi32>, vector<1x144xi32>
    }
    %scan3A_810 = arith.constant 14 : i32
    %div3A_811 = arith.constant 1.000000e+00 : f32
    %div3A_812 = vector.broadcast %div3A_811 : f32 to vector<1x144xf32>
    %div3A_813 = arith.divf %div3A_812, %broadcast_in_dim3A_748 : vector<1x144xf32>
    %ge3A_814 = vector.broadcast %scan3A_809#0 : vector<1x144xi32> to vector<144x144xi32>
    %ge3A_815 = arith.cmpi sge, %bitcast_convert_type3A_745, %ge3A_814 : vector<144x144xi32>
    %mul3A_816 = vector.broadcast %div3A_813 : vector<1x144xf32> to vector<144x144xf32>
    %mul3A_817 = arith.mulf %exp3A_744, %mul3A_816 : vector<144x144xf32>
    %jit3A_818 = arith.constant 0.000000e+00 : f32
    %broadcast_in_dim3A_819 = vector.broadcast %jit3A_818 : f32 to vector<144x144xf32>
    %select_n3A_820 = arith.select %ge3A_815, %mul3A_817, %broadcast_in_dim3A_819 : vector<144x144xi1>, vector<144x144xf32>
    %convert_element_type3A_821 = arith.truncf %select_n3A_820 : vector<144x144xf32> to vector<144x144xbf16>
    %dot_general3A_822 = arith.constant dense<0.000000e+00> : vector<144x32xf32>
    %dot_general3A_823 = tpu.matmul %convert_element_type3A_821, %slice3A_726, %dot_general3A_822 {dimension_numbers = #tpu.dot_dimension_numbers<[0], [0], [1], [1], [0, 1, 1, 1], [], []>, transpose_lhs_hint = false} : vector<144x144xbf16>, vector<144x32xbf16>, vector<144x32xf32> -> vector<144x32xf32>
    %convert_element_type3A_824 = arith.extf %slice3A_727 : vector<144x32xbf16> to vector<144x32xf32>
    %add3A_825 = arith.addf %dot_general3A_823, %convert_element_type3A_824 : vector<144x32xf32>
    %div3A_826 = arith.constant 1.000000e+00 : f32
    %div3A_827 = vector.broadcast %div3A_826 : f32 to vector<1x144xf32>
    %div3A_828 = arith.divf %div3A_827, %broadcast_in_dim3A_773 : vector<1x144xf32>
    %ge3A_829 = vector.broadcast %scan3A_809#1 : vector<1x144xi32> to vector<144x144xi32>
    %ge3A_830 = arith.cmpi sge, %bitcast_convert_type3A_770, %ge3A_829 : vector<144x144xi32>
    %mul3A_831 = vector.broadcast %div3A_828 : vector<1x144xf32> to vector<144x144xf32>
    %mul3A_832 = arith.mulf %exp3A_769, %mul3A_831 : vector<144x144xf32>
    %jit3A_833 = arith.constant 0.000000e+00 : f32
    %broadcast_in_dim3A_834 = vector.broadcast %jit3A_833 : f32 to vector<144x144xf32>
    %select_n3A_835 = arith.select %ge3A_830, %mul3A_832, %broadcast_in_dim3A_834 : vector<144x144xi1>, vector<144x144xf32>
    %convert_element_type3A_836 = arith.truncf %select_n3A_835 : vector<144x144xf32> to vector<144x144xbf16>
    %dot_general3A_837 = arith.constant dense<0.000000e+00> : vector<144x32xf32>
    %dot_general3A_838 = tpu.matmul %convert_element_type3A_836, %slice3A_751, %dot_general3A_837 {dimension_numbers = #tpu.dot_dimension_numbers<[0], [0], [1], [1], [0, 1, 1, 1], [], []>, transpose_lhs_hint = false} : vector<144x144xbf16>, vector<144x32xbf16>, vector<144x32xf32> -> vector<144x32xf32>
    %convert_element_type3A_839 = arith.extf %slice3A_752 : vector<144x32xbf16> to vector<144x32xf32>
    %add3A_840 = arith.addf %dot_general3A_838, %convert_element_type3A_839 : vector<144x32xf32>
    %div3A_841 = arith.constant 1.000000e+00 : f32
    %div3A_842 = vector.broadcast %div3A_841 : f32 to vector<1x144xf32>
    %div3A_843 = arith.divf %div3A_842, %broadcast_in_dim3A_798 : vector<1x144xf32>
    %ge3A_844 = vector.broadcast %scan3A_809#2 : vector<1x144xi32> to vector<144x144xi32>
    %ge3A_845 = arith.cmpi sge, %bitcast_convert_type3A_795, %ge3A_844 : vector<144x144xi32>
    %mul3A_846 = vector.broadcast %div3A_843 : vector<1x144xf32> to vector<144x144xf32>
    %mul3A_847 = arith.mulf %exp3A_794, %mul3A_846 : vector<144x144xf32>
    %jit3A_848 = arith.constant 0.000000e+00 : f32
    %broadcast_in_dim3A_849 = vector.broadcast %jit3A_848 : f32 to vector<144x144xf32>
    %select_n3A_850 = arith.select %ge3A_845, %mul3A_847, %broadcast_in_dim3A_849 : vector<144x144xi1>, vector<144x144xf32>
    %convert_element_type3A_851 = arith.truncf %select_n3A_850 : vector<144x144xf32> to vector<144x144xbf16>
    %dot_general3A_852 = arith.constant dense<0.000000e+00> : vector<144x32xf32>
    %dot_general3A_853 = tpu.matmul %convert_element_type3A_851, %slice3A_776, %dot_general3A_852 {dimension_numbers = #tpu.dot_dimension_numbers<[0], [0], [1], [1], [0, 1, 1, 1], [], []>, transpose_lhs_hint = false} : vector<144x144xbf16>, vector<144x32xbf16>, vector<144x32xf32> -> vector<144x32xf32>
    %convert_element_type3A_854 = arith.extf %slice3A_777 : vector<144x32xbf16> to vector<144x32xf32>
    %add3A_855 = arith.addf %dot_general3A_853, %convert_element_type3A_854 : vector<144x32xf32>
    %concatenate3A_856 = tpu.concatenate %add3A_825, %add3A_840, %add3A_855 in 1 : vector<144x32xf32>, vector<144x32xf32>, vector<144x32xf32> -> vector<144x96xf32>
    %reshape3A_857 = vector.shape_cast %concatenate3A_856 : vector<144x96xf32> to vector<12x1x12x96xf32>
    %slice3A_858 = vector.extract_strided_slice %reshape3A_39 {offsets = [0, 6, 0, 0], sizes = [12, 1, 12, 384], strides = [1, 1, 1, 1]} : vector<12x8x12x384xf32> to vector<12x1x12x384xf32>
    %squeeze3A_859 = vector.shape_cast %slice3A_858 : vector<12x1x12x384xf32> to vector<12x12x384xf32>
    %reshape3A_860 = vector.shape_cast %squeeze3A_859 : vector<12x12x384xf32> to vector<144x384xf32>
    %convert_element_type3A_861 = arith.truncf %reshape3A_860 : vector<144x384xf32> to vector<144x384xbf16>
    %slice3A_862 = vector.extract_strided_slice %convert_element_type3A_861 {offsets = [0, 0], sizes = [144, 32], strides = [1, 1]} : vector<144x384xbf16> to vector<144x32xbf16>
    %slice3A_863 = vector.extract_strided_slice %convert_element_type3A_861 {offsets = [0, 96], sizes = [144, 32], strides = [1, 1]} : vector<144x384xbf16> to vector<144x32xbf16>
    %slice3A_864 = vector.extract_strided_slice %convert_element_type3A_861 {offsets = [0, 192], sizes = [144, 32], strides = [1, 1]} : vector<144x384xbf16> to vector<144x32xbf16>
    %slice3A_865 = vector.extract_strided_slice %convert_element_type3A_861 {offsets = [0, 288], sizes = [144, 32], strides = [1, 1]} : vector<144x384xbf16> to vector<144x32xbf16>
    %dot_general3A_866 = arith.constant dense<0.000000e+00> : vector<144x144xf32>
    %dot_general3A_867 = tpu.matmul %slice3A_863, %slice3A_862, %dot_general3A_866 {dimension_numbers = #tpu.dot_dimension_numbers<[1], [1], [0], [0], [0, 0, 1, 0], [], []>, transpose_lhs_hint = false} : vector<144x32xbf16>, vector<144x32xbf16>, vector<144x144xf32> -> vector<144x144xf32>
    %mul3A_868 = arith.constant 0.176776692 : f32
    %mul3A_869 = vector.broadcast %mul3A_868 : f32 to vector<144x144xf32>
    %mul3A_870 = arith.mulf %dot_general3A_867, %mul3A_869 : vector<144x144xf32>
    %get3A_871 = arith.constant 0 : index
    %get3A_872 = arith.constant 0 : index
    %get3A_873 = arith.constant 0 : index
    %get3A_874 = vector.load %arg3[%get3A_871, %get3A_872, %get3A_873] : memref<3x144x144xf32, #tpu.memory_space<vmem>>, vector<1x144x144xf32>
    %get3A_875 = vector.shape_cast %get3A_874 : vector<1x144x144xf32> to vector<144x144xf32>
    %add3A_876 = arith.addf %mul3A_870, %get3A_875 : vector<144x144xf32>
    %reduce_max3A_877 = arith.constant dense<0xFF800000> : vector<144xf32>
    %reduce_max3A_878 = vector.multi_reduction <maximumf>, %add3A_876, %reduce_max3A_877 [0] : vector<144x144xf32> to vector<144xf32>
    %broadcast_in_dim3A_879 = vector.shape_cast %reduce_max3A_878 : vector<144xf32> to vector<1x144xf32>
    %sub3A_880 = vector.broadcast %broadcast_in_dim3A_879 : vector<1x144xf32> to vector<144x144xf32>
    %sub3A_881 = arith.subf %add3A_876, %sub3A_880 : vector<144x144xf32>
    %exp3A_882 = math.exp %sub3A_881 : vector<144x144xf32>
    %bitcast_convert_type3A_883 = tpu.bitcast %exp3A_882 : vector<144x144xf32> -> vector<144x144xi32>
    %reduce_sum3A_884 = arith.constant dense<0.000000e+00> : vector<144xf32>
    %reduce_sum3A_885 = vector.multi_reduction <add>, %exp3A_882, %reduce_sum3A_884 [0] : vector<144x144xf32> to vector<144xf32>
    %broadcast_in_dim3A_886 = vector.shape_cast %reduce_sum3A_885 : vector<144xf32> to vector<1x144xf32>
    %slice3A_887 = vector.extract_strided_slice %convert_element_type3A_861 {offsets = [0, 32], sizes = [144, 32], strides = [1, 1]} : vector<144x384xbf16> to vector<144x32xbf16>
    %slice3A_888 = vector.extract_strided_slice %convert_element_type3A_861 {offsets = [0, 128], sizes = [144, 32], strides = [1, 1]} : vector<144x384xbf16> to vector<144x32xbf16>
    %slice3A_889 = vector.extract_strided_slice %convert_element_type3A_861 {offsets = [0, 224], sizes = [144, 32], strides = [1, 1]} : vector<144x384xbf16> to vector<144x32xbf16>
    %slice3A_890 = vector.extract_strided_slice %convert_element_type3A_861 {offsets = [0, 320], sizes = [144, 32], strides = [1, 1]} : vector<144x384xbf16> to vector<144x32xbf16>
    %dot_general3A_891 = arith.constant dense<0.000000e+00> : vector<144x144xf32>
    %dot_general3A_892 = tpu.matmul %slice3A_888, %slice3A_887, %dot_general3A_891 {dimension_numbers = #tpu.dot_dimension_numbers<[1], [1], [0], [0], [0, 0, 1, 0], [], []>, transpose_lhs_hint = false} : vector<144x32xbf16>, vector<144x32xbf16>, vector<144x144xf32> -> vector<144x144xf32>
    %mul3A_893 = arith.constant 0.176776692 : f32
    %mul3A_894 = vector.broadcast %mul3A_893 : f32 to vector<144x144xf32>
    %mul3A_895 = arith.mulf %dot_general3A_892, %mul3A_894 : vector<144x144xf32>
    %get3A_896 = arith.constant 1 : index
    %get3A_897 = arith.constant 0 : index
    %get3A_898 = arith.constant 0 : index
    %get3A_899 = vector.load %arg3[%get3A_896, %get3A_897, %get3A_898] : memref<3x144x144xf32, #tpu.memory_space<vmem>>, vector<1x144x144xf32>
    %get3A_900 = vector.shape_cast %get3A_899 : vector<1x144x144xf32> to vector<144x144xf32>
    %add3A_901 = arith.addf %mul3A_895, %get3A_900 : vector<144x144xf32>
    %reduce_max3A_902 = arith.constant dense<0xFF800000> : vector<144xf32>
    %reduce_max3A_903 = vector.multi_reduction <maximumf>, %add3A_901, %reduce_max3A_902 [0] : vector<144x144xf32> to vector<144xf32>
    %broadcast_in_dim3A_904 = vector.shape_cast %reduce_max3A_903 : vector<144xf32> to vector<1x144xf32>
    %sub3A_905 = vector.broadcast %broadcast_in_dim3A_904 : vector<1x144xf32> to vector<144x144xf32>
    %sub3A_906 = arith.subf %add3A_901, %sub3A_905 : vector<144x144xf32>
    %exp3A_907 = math.exp %sub3A_906 : vector<144x144xf32>
    %bitcast_convert_type3A_908 = tpu.bitcast %exp3A_907 : vector<144x144xf32> -> vector<144x144xi32>
    %reduce_sum3A_909 = arith.constant dense<0.000000e+00> : vector<144xf32>
    %reduce_sum3A_910 = vector.multi_reduction <add>, %exp3A_907, %reduce_sum3A_909 [0] : vector<144x144xf32> to vector<144xf32>
    %broadcast_in_dim3A_911 = vector.shape_cast %reduce_sum3A_910 : vector<144xf32> to vector<1x144xf32>
    %slice3A_912 = vector.extract_strided_slice %convert_element_type3A_861 {offsets = [0, 64], sizes = [144, 32], strides = [1, 1]} : vector<144x384xbf16> to vector<144x32xbf16>
    %slice3A_913 = vector.extract_strided_slice %convert_element_type3A_861 {offsets = [0, 160], sizes = [144, 32], strides = [1, 1]} : vector<144x384xbf16> to vector<144x32xbf16>
    %slice3A_914 = vector.extract_strided_slice %convert_element_type3A_861 {offsets = [0, 256], sizes = [144, 32], strides = [1, 1]} : vector<144x384xbf16> to vector<144x32xbf16>
    %slice3A_915 = vector.extract_strided_slice %convert_element_type3A_861 {offsets = [0, 352], sizes = [144, 32], strides = [1, 1]} : vector<144x384xbf16> to vector<144x32xbf16>
    %dot_general3A_916 = arith.constant dense<0.000000e+00> : vector<144x144xf32>
    %dot_general3A_917 = tpu.matmul %slice3A_913, %slice3A_912, %dot_general3A_916 {dimension_numbers = #tpu.dot_dimension_numbers<[1], [1], [0], [0], [0, 0, 1, 0], [], []>, transpose_lhs_hint = false} : vector<144x32xbf16>, vector<144x32xbf16>, vector<144x144xf32> -> vector<144x144xf32>
    %mul3A_918 = arith.constant 0.176776692 : f32
    %mul3A_919 = vector.broadcast %mul3A_918 : f32 to vector<144x144xf32>
    %mul3A_920 = arith.mulf %dot_general3A_917, %mul3A_919 : vector<144x144xf32>
    %get3A_921 = arith.constant 2 : index
    %get3A_922 = arith.constant 0 : index
    %get3A_923 = arith.constant 0 : index
    %get3A_924 = vector.load %arg3[%get3A_921, %get3A_922, %get3A_923] : memref<3x144x144xf32, #tpu.memory_space<vmem>>, vector<1x144x144xf32>
    %get3A_925 = vector.shape_cast %get3A_924 : vector<1x144x144xf32> to vector<144x144xf32>
    %add3A_926 = arith.addf %mul3A_920, %get3A_925 : vector<144x144xf32>
    %reduce_max3A_927 = arith.constant dense<0xFF800000> : vector<144xf32>
    %reduce_max3A_928 = vector.multi_reduction <maximumf>, %add3A_926, %reduce_max3A_927 [0] : vector<144x144xf32> to vector<144xf32>
    %broadcast_in_dim3A_929 = vector.shape_cast %reduce_max3A_928 : vector<144xf32> to vector<1x144xf32>
    %sub3A_930 = vector.broadcast %broadcast_in_dim3A_929 : vector<1x144xf32> to vector<144x144xf32>
    %sub3A_931 = arith.subf %add3A_926, %sub3A_930 : vector<144x144xf32>
    %exp3A_932 = math.exp %sub3A_931 : vector<144x144xf32>
    %bitcast_convert_type3A_933 = tpu.bitcast %exp3A_932 : vector<144x144xf32> -> vector<144x144xi32>
    %reduce_sum3A_934 = arith.constant dense<0.000000e+00> : vector<144xf32>
    %reduce_sum3A_935 = vector.multi_reduction <add>, %exp3A_932, %reduce_sum3A_934 [0] : vector<144x144xf32> to vector<144xf32>
    %broadcast_in_dim3A_936 = vector.shape_cast %reduce_sum3A_935 : vector<144xf32> to vector<1x144xf32>
    %broadcast_in_dim3A_937 = arith.constant 0 : i32
    %broadcast_in_dim3A_938 = vector.broadcast %broadcast_in_dim3A_937 : i32 to vector<1x144xi32>
    %broadcast_in_dim3A_939 = arith.constant 0 : i32
    %broadcast_in_dim3A_940 = vector.broadcast %broadcast_in_dim3A_939 : i32 to vector<1x144xi32>
    %broadcast_in_dim3A_941 = arith.constant 0 : i32
    %broadcast_in_dim3A_942 = vector.broadcast %broadcast_in_dim3A_941 : i32 to vector<1x144xi32>
    %scan3A_943 = arith.constant 0 : i32
    %scan3A_944 = arith.constant 14 : i32
    %scan3A_945 = arith.addi %scan3A_943, %scan3A_944 : i32
    %scan3A_946 = arith.constant 1 : i32
    %scan3A_947:3 = scf.for %scan3A_1156 = %scan3A_943 to %scan3A_945 step %scan3A_946 iter_args(%scan3A_1157 = %broadcast_in_dim3A_938, %scan3A_1158 = %broadcast_in_dim3A_940, %scan3A_1159 = %broadcast_in_dim3A_942) -> (vector<1x144xi32>, vector<1x144xi32>, vector<1x144xi32>)  : i32 {
      %sub3A_1160 = arith.constant 29 : i32
      %sub3A_1161 = arith.subi %sub3A_1160, %scan3A_1156 : i32
      %shift_left3A = arith.constant 1 : i32
      %shift_left3A_1162 = arith.shli %shift_left3A, %sub3A_1161 : i32
      %or3A = vector.broadcast %shift_left3A_1162 : i32 to vector<1x144xi32>
      %or3A_1163 = arith.ori %scan3A_1157, %or3A : vector<1x144xi32>
      %ge3A_1164 = vector.broadcast %or3A_1163 : vector<1x144xi32> to vector<144x144xi32>
      %ge3A_1165 = arith.cmpi sge, %bitcast_convert_type3A_883, %ge3A_1164 : vector<144x144xi32>
      %convert_element_type3A_1166 = arith.extui %ge3A_1165 : vector<144x144xi1> to vector<144x144xi32>
      %convert_element_type3A_1167 = arith.sitofp %convert_element_type3A_1166 : vector<144x144xi32> to vector<144x144xf32>
      %reduce_sum3A_1168 = arith.constant dense<0.000000e+00> : vector<144xf32>
      %reduce_sum3A_1169 = vector.multi_reduction <add>, %convert_element_type3A_1167, %reduce_sum3A_1168 [0] : vector<144x144xf32> to vector<144xf32>
      %broadcast_in_dim3A_1170 = vector.shape_cast %reduce_sum3A_1169 : vector<144xf32> to vector<1x144xf32>
      %ge3A_1171 = arith.constant 6.400000e+01 : f32
      %ge3A_1172 = vector.broadcast %ge3A_1171 : f32 to vector<1x144xf32>
      %ge3A_1173 = arith.cmpf oge, %broadcast_in_dim3A_1170, %ge3A_1172 : vector<1x144xf32>
      %select_n3A_1174 = arith.select %ge3A_1173, %or3A_1163, %scan3A_1157 : vector<1x144xi1>, vector<1x144xi32>
      %or3A_1175 = vector.broadcast %shift_left3A_1162 : i32 to vector<1x144xi32>
      %or3A_1176 = arith.ori %scan3A_1158, %or3A_1175 : vector<1x144xi32>
      %ge3A_1177 = vector.broadcast %or3A_1176 : vector<1x144xi32> to vector<144x144xi32>
      %ge3A_1178 = arith.cmpi sge, %bitcast_convert_type3A_908, %ge3A_1177 : vector<144x144xi32>
      %convert_element_type3A_1179 = arith.extui %ge3A_1178 : vector<144x144xi1> to vector<144x144xi32>
      %convert_element_type3A_1180 = arith.sitofp %convert_element_type3A_1179 : vector<144x144xi32> to vector<144x144xf32>
      %reduce_sum3A_1181 = arith.constant dense<0.000000e+00> : vector<144xf32>
      %reduce_sum3A_1182 = vector.multi_reduction <add>, %convert_element_type3A_1180, %reduce_sum3A_1181 [0] : vector<144x144xf32> to vector<144xf32>
      %broadcast_in_dim3A_1183 = vector.shape_cast %reduce_sum3A_1182 : vector<144xf32> to vector<1x144xf32>
      %ge3A_1184 = arith.constant 6.400000e+01 : f32
      %ge3A_1185 = vector.broadcast %ge3A_1184 : f32 to vector<1x144xf32>
      %ge3A_1186 = arith.cmpf oge, %broadcast_in_dim3A_1183, %ge3A_1185 : vector<1x144xf32>
      %select_n3A_1187 = arith.select %ge3A_1186, %or3A_1176, %scan3A_1158 : vector<1x144xi1>, vector<1x144xi32>
      %or3A_1188 = vector.broadcast %shift_left3A_1162 : i32 to vector<1x144xi32>
      %or3A_1189 = arith.ori %scan3A_1159, %or3A_1188 : vector<1x144xi32>
      %ge3A_1190 = vector.broadcast %or3A_1189 : vector<1x144xi32> to vector<144x144xi32>
      %ge3A_1191 = arith.cmpi sge, %bitcast_convert_type3A_933, %ge3A_1190 : vector<144x144xi32>
      %convert_element_type3A_1192 = arith.extui %ge3A_1191 : vector<144x144xi1> to vector<144x144xi32>
      %convert_element_type3A_1193 = arith.sitofp %convert_element_type3A_1192 : vector<144x144xi32> to vector<144x144xf32>
      %reduce_sum3A_1194 = arith.constant dense<0.000000e+00> : vector<144xf32>
      %reduce_sum3A_1195 = vector.multi_reduction <add>, %convert_element_type3A_1193, %reduce_sum3A_1194 [0] : vector<144x144xf32> to vector<144xf32>
      %broadcast_in_dim3A_1196 = vector.shape_cast %reduce_sum3A_1195 : vector<144xf32> to vector<1x144xf32>
      %ge3A_1197 = arith.constant 6.400000e+01 : f32
      %ge3A_1198 = vector.broadcast %ge3A_1197 : f32 to vector<1x144xf32>
      %ge3A_1199 = arith.cmpf oge, %broadcast_in_dim3A_1196, %ge3A_1198 : vector<1x144xf32>
      %select_n3A_1200 = arith.select %ge3A_1199, %or3A_1189, %scan3A_1159 : vector<1x144xi1>, vector<1x144xi32>
      scf.yield %select_n3A_1174, %select_n3A_1187, %select_n3A_1200 : vector<1x144xi32>, vector<1x144xi32>, vector<1x144xi32>
    }
    %scan3A_948 = arith.constant 14 : i32
    %div3A_949 = arith.constant 1.000000e+00 : f32
    %div3A_950 = vector.broadcast %div3A_949 : f32 to vector<1x144xf32>
    %div3A_951 = arith.divf %div3A_950, %broadcast_in_dim3A_886 : vector<1x144xf32>
    %ge3A_952 = vector.broadcast %scan3A_947#0 : vector<1x144xi32> to vector<144x144xi32>
    %ge3A_953 = arith.cmpi sge, %bitcast_convert_type3A_883, %ge3A_952 : vector<144x144xi32>
    %mul3A_954 = vector.broadcast %div3A_951 : vector<1x144xf32> to vector<144x144xf32>
    %mul3A_955 = arith.mulf %exp3A_882, %mul3A_954 : vector<144x144xf32>
    %jit3A_956 = arith.constant 0.000000e+00 : f32
    %broadcast_in_dim3A_957 = vector.broadcast %jit3A_956 : f32 to vector<144x144xf32>
    %select_n3A_958 = arith.select %ge3A_953, %mul3A_955, %broadcast_in_dim3A_957 : vector<144x144xi1>, vector<144x144xf32>
    %convert_element_type3A_959 = arith.truncf %select_n3A_958 : vector<144x144xf32> to vector<144x144xbf16>
    %dot_general3A_960 = arith.constant dense<0.000000e+00> : vector<144x32xf32>
    %dot_general3A_961 = tpu.matmul %convert_element_type3A_959, %slice3A_864, %dot_general3A_960 {dimension_numbers = #tpu.dot_dimension_numbers<[0], [0], [1], [1], [0, 1, 1, 1], [], []>, transpose_lhs_hint = false} : vector<144x144xbf16>, vector<144x32xbf16>, vector<144x32xf32> -> vector<144x32xf32>
    %convert_element_type3A_962 = arith.extf %slice3A_865 : vector<144x32xbf16> to vector<144x32xf32>
    %add3A_963 = arith.addf %dot_general3A_961, %convert_element_type3A_962 : vector<144x32xf32>
    %div3A_964 = arith.constant 1.000000e+00 : f32
    %div3A_965 = vector.broadcast %div3A_964 : f32 to vector<1x144xf32>
    %div3A_966 = arith.divf %div3A_965, %broadcast_in_dim3A_911 : vector<1x144xf32>
    %ge3A_967 = vector.broadcast %scan3A_947#1 : vector<1x144xi32> to vector<144x144xi32>
    %ge3A_968 = arith.cmpi sge, %bitcast_convert_type3A_908, %ge3A_967 : vector<144x144xi32>
    %mul3A_969 = vector.broadcast %div3A_966 : vector<1x144xf32> to vector<144x144xf32>
    %mul3A_970 = arith.mulf %exp3A_907, %mul3A_969 : vector<144x144xf32>
    %jit3A_971 = arith.constant 0.000000e+00 : f32
    %broadcast_in_dim3A_972 = vector.broadcast %jit3A_971 : f32 to vector<144x144xf32>
    %select_n3A_973 = arith.select %ge3A_968, %mul3A_970, %broadcast_in_dim3A_972 : vector<144x144xi1>, vector<144x144xf32>
    %convert_element_type3A_974 = arith.truncf %select_n3A_973 : vector<144x144xf32> to vector<144x144xbf16>
    %dot_general3A_975 = arith.constant dense<0.000000e+00> : vector<144x32xf32>
    %dot_general3A_976 = tpu.matmul %convert_element_type3A_974, %slice3A_889, %dot_general3A_975 {dimension_numbers = #tpu.dot_dimension_numbers<[0], [0], [1], [1], [0, 1, 1, 1], [], []>, transpose_lhs_hint = false} : vector<144x144xbf16>, vector<144x32xbf16>, vector<144x32xf32> -> vector<144x32xf32>
    %convert_element_type3A_977 = arith.extf %slice3A_890 : vector<144x32xbf16> to vector<144x32xf32>
    %add3A_978 = arith.addf %dot_general3A_976, %convert_element_type3A_977 : vector<144x32xf32>
    %div3A_979 = arith.constant 1.000000e+00 : f32
    %div3A_980 = vector.broadcast %div3A_979 : f32 to vector<1x144xf32>
    %div3A_981 = arith.divf %div3A_980, %broadcast_in_dim3A_936 : vector<1x144xf32>
    %ge3A_982 = vector.broadcast %scan3A_947#2 : vector<1x144xi32> to vector<144x144xi32>
    %ge3A_983 = arith.cmpi sge, %bitcast_convert_type3A_933, %ge3A_982 : vector<144x144xi32>
    %mul3A_984 = vector.broadcast %div3A_981 : vector<1x144xf32> to vector<144x144xf32>
    %mul3A_985 = arith.mulf %exp3A_932, %mul3A_984 : vector<144x144xf32>
    %jit3A_986 = arith.constant 0.000000e+00 : f32
    %broadcast_in_dim3A_987 = vector.broadcast %jit3A_986 : f32 to vector<144x144xf32>
    %select_n3A_988 = arith.select %ge3A_983, %mul3A_985, %broadcast_in_dim3A_987 : vector<144x144xi1>, vector<144x144xf32>
    %convert_element_type3A_989 = arith.truncf %select_n3A_988 : vector<144x144xf32> to vector<144x144xbf16>
    %dot_general3A_990 = arith.constant dense<0.000000e+00> : vector<144x32xf32>
    %dot_general3A_991 = tpu.matmul %convert_element_type3A_989, %slice3A_914, %dot_general3A_990 {dimension_numbers = #tpu.dot_dimension_numbers<[0], [0], [1], [1], [0, 1, 1, 1], [], []>, transpose_lhs_hint = false} : vector<144x144xbf16>, vector<144x32xbf16>, vector<144x32xf32> -> vector<144x32xf32>
    %convert_element_type3A_992 = arith.extf %slice3A_915 : vector<144x32xbf16> to vector<144x32xf32>
    %add3A_993 = arith.addf %dot_general3A_991, %convert_element_type3A_992 : vector<144x32xf32>
    %concatenate3A_994 = tpu.concatenate %add3A_963, %add3A_978, %add3A_993 in 1 : vector<144x32xf32>, vector<144x32xf32>, vector<144x32xf32> -> vector<144x96xf32>
    %reshape3A_995 = vector.shape_cast %concatenate3A_994 : vector<144x96xf32> to vector<12x1x12x96xf32>
    %slice3A_996 = vector.extract_strided_slice %reshape3A_39 {offsets = [0, 7, 0, 0], sizes = [12, 1, 12, 384], strides = [1, 1, 1, 1]} : vector<12x8x12x384xf32> to vector<12x1x12x384xf32>
    %squeeze3A_997 = vector.shape_cast %slice3A_996 : vector<12x1x12x384xf32> to vector<12x12x384xf32>
    %reshape3A_998 = vector.shape_cast %squeeze3A_997 : vector<12x12x384xf32> to vector<144x384xf32>
    %convert_element_type3A_999 = arith.truncf %reshape3A_998 : vector<144x384xf32> to vector<144x384xbf16>
    %slice3A_1000 = vector.extract_strided_slice %convert_element_type3A_999 {offsets = [0, 0], sizes = [144, 32], strides = [1, 1]} : vector<144x384xbf16> to vector<144x32xbf16>
    %slice3A_1001 = vector.extract_strided_slice %convert_element_type3A_999 {offsets = [0, 96], sizes = [144, 32], strides = [1, 1]} : vector<144x384xbf16> to vector<144x32xbf16>
    %slice3A_1002 = vector.extract_strided_slice %convert_element_type3A_999 {offsets = [0, 192], sizes = [144, 32], strides = [1, 1]} : vector<144x384xbf16> to vector<144x32xbf16>
    %slice3A_1003 = vector.extract_strided_slice %convert_element_type3A_999 {offsets = [0, 288], sizes = [144, 32], strides = [1, 1]} : vector<144x384xbf16> to vector<144x32xbf16>
    %dot_general3A_1004 = arith.constant dense<0.000000e+00> : vector<144x144xf32>
    %dot_general3A_1005 = tpu.matmul %slice3A_1001, %slice3A_1000, %dot_general3A_1004 {dimension_numbers = #tpu.dot_dimension_numbers<[1], [1], [0], [0], [0, 0, 1, 0], [], []>, transpose_lhs_hint = false} : vector<144x32xbf16>, vector<144x32xbf16>, vector<144x144xf32> -> vector<144x144xf32>
    %mul3A_1006 = arith.constant 0.176776692 : f32
    %mul3A_1007 = vector.broadcast %mul3A_1006 : f32 to vector<144x144xf32>
    %mul3A_1008 = arith.mulf %dot_general3A_1005, %mul3A_1007 : vector<144x144xf32>
    %get3A_1009 = arith.constant 0 : index
    %get3A_1010 = arith.constant 0 : index
    %get3A_1011 = arith.constant 0 : index
    %get3A_1012 = vector.load %arg3[%get3A_1009, %get3A_1010, %get3A_1011] : memref<3x144x144xf32, #tpu.memory_space<vmem>>, vector<1x144x144xf32>
    %get3A_1013 = vector.shape_cast %get3A_1012 : vector<1x144x144xf32> to vector<144x144xf32>
    %add3A_1014 = arith.addf %mul3A_1008, %get3A_1013 : vector<144x144xf32>
    %reduce_max3A_1015 = arith.constant dense<0xFF800000> : vector<144xf32>
    %reduce_max3A_1016 = vector.multi_reduction <maximumf>, %add3A_1014, %reduce_max3A_1015 [0] : vector<144x144xf32> to vector<144xf32>
    %broadcast_in_dim3A_1017 = vector.shape_cast %reduce_max3A_1016 : vector<144xf32> to vector<1x144xf32>
    %sub3A_1018 = vector.broadcast %broadcast_in_dim3A_1017 : vector<1x144xf32> to vector<144x144xf32>
    %sub3A_1019 = arith.subf %add3A_1014, %sub3A_1018 : vector<144x144xf32>
    %exp3A_1020 = math.exp %sub3A_1019 : vector<144x144xf32>
    %bitcast_convert_type3A_1021 = tpu.bitcast %exp3A_1020 : vector<144x144xf32> -> vector<144x144xi32>
    %reduce_sum3A_1022 = arith.constant dense<0.000000e+00> : vector<144xf32>
    %reduce_sum3A_1023 = vector.multi_reduction <add>, %exp3A_1020, %reduce_sum3A_1022 [0] : vector<144x144xf32> to vector<144xf32>
    %broadcast_in_dim3A_1024 = vector.shape_cast %reduce_sum3A_1023 : vector<144xf32> to vector<1x144xf32>
    %slice3A_1025 = vector.extract_strided_slice %convert_element_type3A_999 {offsets = [0, 32], sizes = [144, 32], strides = [1, 1]} : vector<144x384xbf16> to vector<144x32xbf16>
    %slice3A_1026 = vector.extract_strided_slice %convert_element_type3A_999 {offsets = [0, 128], sizes = [144, 32], strides = [1, 1]} : vector<144x384xbf16> to vector<144x32xbf16>
    %slice3A_1027 = vector.extract_strided_slice %convert_element_type3A_999 {offsets = [0, 224], sizes = [144, 32], strides = [1, 1]} : vector<144x384xbf16> to vector<144x32xbf16>
    %slice3A_1028 = vector.extract_strided_slice %convert_element_type3A_999 {offsets = [0, 320], sizes = [144, 32], strides = [1, 1]} : vector<144x384xbf16> to vector<144x32xbf16>
    %dot_general3A_1029 = arith.constant dense<0.000000e+00> : vector<144x144xf32>
    %dot_general3A_1030 = tpu.matmul %slice3A_1026, %slice3A_1025, %dot_general3A_1029 {dimension_numbers = #tpu.dot_dimension_numbers<[1], [1], [0], [0], [0, 0, 1, 0], [], []>, transpose_lhs_hint = false} : vector<144x32xbf16>, vector<144x32xbf16>, vector<144x144xf32> -> vector<144x144xf32>
    %mul3A_1031 = arith.constant 0.176776692 : f32
    %mul3A_1032 = vector.broadcast %mul3A_1031 : f32 to vector<144x144xf32>
    %mul3A_1033 = arith.mulf %dot_general3A_1030, %mul3A_1032 : vector<144x144xf32>
    %get3A_1034 = arith.constant 1 : index
    %get3A_1035 = arith.constant 0 : index
    %get3A_1036 = arith.constant 0 : index
    %get3A_1037 = vector.load %arg3[%get3A_1034, %get3A_1035, %get3A_1036] : memref<3x144x144xf32, #tpu.memory_space<vmem>>, vector<1x144x144xf32>
    %get3A_1038 = vector.shape_cast %get3A_1037 : vector<1x144x144xf32> to vector<144x144xf32>
    %add3A_1039 = arith.addf %mul3A_1033, %get3A_1038 : vector<144x144xf32>
    %reduce_max3A_1040 = arith.constant dense<0xFF800000> : vector<144xf32>
    %reduce_max3A_1041 = vector.multi_reduction <maximumf>, %add3A_1039, %reduce_max3A_1040 [0] : vector<144x144xf32> to vector<144xf32>
    %broadcast_in_dim3A_1042 = vector.shape_cast %reduce_max3A_1041 : vector<144xf32> to vector<1x144xf32>
    %sub3A_1043 = vector.broadcast %broadcast_in_dim3A_1042 : vector<1x144xf32> to vector<144x144xf32>
    %sub3A_1044 = arith.subf %add3A_1039, %sub3A_1043 : vector<144x144xf32>
    %exp3A_1045 = math.exp %sub3A_1044 : vector<144x144xf32>
    %bitcast_convert_type3A_1046 = tpu.bitcast %exp3A_1045 : vector<144x144xf32> -> vector<144x144xi32>
    %reduce_sum3A_1047 = arith.constant dense<0.000000e+00> : vector<144xf32>
    %reduce_sum3A_1048 = vector.multi_reduction <add>, %exp3A_1045, %reduce_sum3A_1047 [0] : vector<144x144xf32> to vector<144xf32>
    %broadcast_in_dim3A_1049 = vector.shape_cast %reduce_sum3A_1048 : vector<144xf32> to vector<1x144xf32>
    %slice3A_1050 = vector.extract_strided_slice %convert_element_type3A_999 {offsets = [0, 64], sizes = [144, 32], strides = [1, 1]} : vector<144x384xbf16> to vector<144x32xbf16>
    %slice3A_1051 = vector.extract_strided_slice %convert_element_type3A_999 {offsets = [0, 160], sizes = [144, 32], strides = [1, 1]} : vector<144x384xbf16> to vector<144x32xbf16>
    %slice3A_1052 = vector.extract_strided_slice %convert_element_type3A_999 {offsets = [0, 256], sizes = [144, 32], strides = [1, 1]} : vector<144x384xbf16> to vector<144x32xbf16>
    %slice3A_1053 = vector.extract_strided_slice %convert_element_type3A_999 {offsets = [0, 352], sizes = [144, 32], strides = [1, 1]} : vector<144x384xbf16> to vector<144x32xbf16>
    %dot_general3A_1054 = arith.constant dense<0.000000e+00> : vector<144x144xf32>
    %dot_general3A_1055 = tpu.matmul %slice3A_1051, %slice3A_1050, %dot_general3A_1054 {dimension_numbers = #tpu.dot_dimension_numbers<[1], [1], [0], [0], [0, 0, 1, 0], [], []>, transpose_lhs_hint = false} : vector<144x32xbf16>, vector<144x32xbf16>, vector<144x144xf32> -> vector<144x144xf32>
    %mul3A_1056 = arith.constant 0.176776692 : f32
    %mul3A_1057 = vector.broadcast %mul3A_1056 : f32 to vector<144x144xf32>
    %mul3A_1058 = arith.mulf %dot_general3A_1055, %mul3A_1057 : vector<144x144xf32>
    %get3A_1059 = arith.constant 2 : index
    %get3A_1060 = arith.constant 0 : index
    %get3A_1061 = arith.constant 0 : index
    %get3A_1062 = vector.load %arg3[%get3A_1059, %get3A_1060, %get3A_1061] : memref<3x144x144xf32, #tpu.memory_space<vmem>>, vector<1x144x144xf32>
    %get3A_1063 = vector.shape_cast %get3A_1062 : vector<1x144x144xf32> to vector<144x144xf32>
    %add3A_1064 = arith.addf %mul3A_1058, %get3A_1063 : vector<144x144xf32>
    %reduce_max3A_1065 = arith.constant dense<0xFF800000> : vector<144xf32>
    %reduce_max3A_1066 = vector.multi_reduction <maximumf>, %add3A_1064, %reduce_max3A_1065 [0] : vector<144x144xf32> to vector<144xf32>
    %broadcast_in_dim3A_1067 = vector.shape_cast %reduce_max3A_1066 : vector<144xf32> to vector<1x144xf32>
    %sub3A_1068 = vector.broadcast %broadcast_in_dim3A_1067 : vector<1x144xf32> to vector<144x144xf32>
    %sub3A_1069 = arith.subf %add3A_1064, %sub3A_1068 : vector<144x144xf32>
    %exp3A_1070 = math.exp %sub3A_1069 : vector<144x144xf32>
    %bitcast_convert_type3A_1071 = tpu.bitcast %exp3A_1070 : vector<144x144xf32> -> vector<144x144xi32>
    %reduce_sum3A_1072 = arith.constant dense<0.000000e+00> : vector<144xf32>
    %reduce_sum3A_1073 = vector.multi_reduction <add>, %exp3A_1070, %reduce_sum3A_1072 [0] : vector<144x144xf32> to vector<144xf32>
    %broadcast_in_dim3A_1074 = vector.shape_cast %reduce_sum3A_1073 : vector<144xf32> to vector<1x144xf32>
    %broadcast_in_dim3A_1075 = arith.constant 0 : i32
    %broadcast_in_dim3A_1076 = vector.broadcast %broadcast_in_dim3A_1075 : i32 to vector<1x144xi32>
    %broadcast_in_dim3A_1077 = arith.constant 0 : i32
    %broadcast_in_dim3A_1078 = vector.broadcast %broadcast_in_dim3A_1077 : i32 to vector<1x144xi32>
    %broadcast_in_dim3A_1079 = arith.constant 0 : i32
    %broadcast_in_dim3A_1080 = vector.broadcast %broadcast_in_dim3A_1079 : i32 to vector<1x144xi32>
    %scan3A_1081 = arith.constant 0 : i32
    %scan3A_1082 = arith.constant 14 : i32
    %scan3A_1083 = arith.addi %scan3A_1081, %scan3A_1082 : i32
    %scan3A_1084 = arith.constant 1 : i32
    %scan3A_1085:3 = scf.for %scan3A_1156 = %scan3A_1081 to %scan3A_1083 step %scan3A_1084 iter_args(%scan3A_1157 = %broadcast_in_dim3A_1076, %scan3A_1158 = %broadcast_in_dim3A_1078, %scan3A_1159 = %broadcast_in_dim3A_1080) -> (vector<1x144xi32>, vector<1x144xi32>, vector<1x144xi32>)  : i32 {
      %sub3A_1160 = arith.constant 29 : i32
      %sub3A_1161 = arith.subi %sub3A_1160, %scan3A_1156 : i32
      %shift_left3A = arith.constant 1 : i32
      %shift_left3A_1162 = arith.shli %shift_left3A, %sub3A_1161 : i32
      %or3A = vector.broadcast %shift_left3A_1162 : i32 to vector<1x144xi32>
      %or3A_1163 = arith.ori %scan3A_1157, %or3A : vector<1x144xi32>
      %ge3A_1164 = vector.broadcast %or3A_1163 : vector<1x144xi32> to vector<144x144xi32>
      %ge3A_1165 = arith.cmpi sge, %bitcast_convert_type3A_1021, %ge3A_1164 : vector<144x144xi32>
      %convert_element_type3A_1166 = arith.extui %ge3A_1165 : vector<144x144xi1> to vector<144x144xi32>
      %convert_element_type3A_1167 = arith.sitofp %convert_element_type3A_1166 : vector<144x144xi32> to vector<144x144xf32>
      %reduce_sum3A_1168 = arith.constant dense<0.000000e+00> : vector<144xf32>
      %reduce_sum3A_1169 = vector.multi_reduction <add>, %convert_element_type3A_1167, %reduce_sum3A_1168 [0] : vector<144x144xf32> to vector<144xf32>
      %broadcast_in_dim3A_1170 = vector.shape_cast %reduce_sum3A_1169 : vector<144xf32> to vector<1x144xf32>
      %ge3A_1171 = arith.constant 6.400000e+01 : f32
      %ge3A_1172 = vector.broadcast %ge3A_1171 : f32 to vector<1x144xf32>
      %ge3A_1173 = arith.cmpf oge, %broadcast_in_dim3A_1170, %ge3A_1172 : vector<1x144xf32>
      %select_n3A_1174 = arith.select %ge3A_1173, %or3A_1163, %scan3A_1157 : vector<1x144xi1>, vector<1x144xi32>
      %or3A_1175 = vector.broadcast %shift_left3A_1162 : i32 to vector<1x144xi32>
      %or3A_1176 = arith.ori %scan3A_1158, %or3A_1175 : vector<1x144xi32>
      %ge3A_1177 = vector.broadcast %or3A_1176 : vector<1x144xi32> to vector<144x144xi32>
      %ge3A_1178 = arith.cmpi sge, %bitcast_convert_type3A_1046, %ge3A_1177 : vector<144x144xi32>
      %convert_element_type3A_1179 = arith.extui %ge3A_1178 : vector<144x144xi1> to vector<144x144xi32>
      %convert_element_type3A_1180 = arith.sitofp %convert_element_type3A_1179 : vector<144x144xi32> to vector<144x144xf32>
      %reduce_sum3A_1181 = arith.constant dense<0.000000e+00> : vector<144xf32>
      %reduce_sum3A_1182 = vector.multi_reduction <add>, %convert_element_type3A_1180, %reduce_sum3A_1181 [0] : vector<144x144xf32> to vector<144xf32>
      %broadcast_in_dim3A_1183 = vector.shape_cast %reduce_sum3A_1182 : vector<144xf32> to vector<1x144xf32>
      %ge3A_1184 = arith.constant 6.400000e+01 : f32
      %ge3A_1185 = vector.broadcast %ge3A_1184 : f32 to vector<1x144xf32>
      %ge3A_1186 = arith.cmpf oge, %broadcast_in_dim3A_1183, %ge3A_1185 : vector<1x144xf32>
      %select_n3A_1187 = arith.select %ge3A_1186, %or3A_1176, %scan3A_1158 : vector<1x144xi1>, vector<1x144xi32>
      %or3A_1188 = vector.broadcast %shift_left3A_1162 : i32 to vector<1x144xi32>
      %or3A_1189 = arith.ori %scan3A_1159, %or3A_1188 : vector<1x144xi32>
      %ge3A_1190 = vector.broadcast %or3A_1189 : vector<1x144xi32> to vector<144x144xi32>
      %ge3A_1191 = arith.cmpi sge, %bitcast_convert_type3A_1071, %ge3A_1190 : vector<144x144xi32>
      %convert_element_type3A_1192 = arith.extui %ge3A_1191 : vector<144x144xi1> to vector<144x144xi32>
      %convert_element_type3A_1193 = arith.sitofp %convert_element_type3A_1192 : vector<144x144xi32> to vector<144x144xf32>
      %reduce_sum3A_1194 = arith.constant dense<0.000000e+00> : vector<144xf32>
      %reduce_sum3A_1195 = vector.multi_reduction <add>, %convert_element_type3A_1193, %reduce_sum3A_1194 [0] : vector<144x144xf32> to vector<144xf32>
      %broadcast_in_dim3A_1196 = vector.shape_cast %reduce_sum3A_1195 : vector<144xf32> to vector<1x144xf32>
      %ge3A_1197 = arith.constant 6.400000e+01 : f32
      %ge3A_1198 = vector.broadcast %ge3A_1197 : f32 to vector<1x144xf32>
      %ge3A_1199 = arith.cmpf oge, %broadcast_in_dim3A_1196, %ge3A_1198 : vector<1x144xf32>
      %select_n3A_1200 = arith.select %ge3A_1199, %or3A_1189, %scan3A_1159 : vector<1x144xi1>, vector<1x144xi32>
      scf.yield %select_n3A_1174, %select_n3A_1187, %select_n3A_1200 : vector<1x144xi32>, vector<1x144xi32>, vector<1x144xi32>
    }
    %scan3A_1086 = arith.constant 14 : i32
    %div3A_1087 = arith.constant 1.000000e+00 : f32
    %div3A_1088 = vector.broadcast %div3A_1087 : f32 to vector<1x144xf32>
    %div3A_1089 = arith.divf %div3A_1088, %broadcast_in_dim3A_1024 : vector<1x144xf32>
    %ge3A_1090 = vector.broadcast %scan3A_1085#0 : vector<1x144xi32> to vector<144x144xi32>
    %ge3A_1091 = arith.cmpi sge, %bitcast_convert_type3A_1021, %ge3A_1090 : vector<144x144xi32>
    %mul3A_1092 = vector.broadcast %div3A_1089 : vector<1x144xf32> to vector<144x144xf32>
    %mul3A_1093 = arith.mulf %exp3A_1020, %mul3A_1092 : vector<144x144xf32>
    %jit3A_1094 = arith.constant 0.000000e+00 : f32
    %broadcast_in_dim3A_1095 = vector.broadcast %jit3A_1094 : f32 to vector<144x144xf32>
    %select_n3A_1096 = arith.select %ge3A_1091, %mul3A_1093, %broadcast_in_dim3A_1095 : vector<144x144xi1>, vector<144x144xf32>
    %convert_element_type3A_1097 = arith.truncf %select_n3A_1096 : vector<144x144xf32> to vector<144x144xbf16>
    %dot_general3A_1098 = arith.constant dense<0.000000e+00> : vector<144x32xf32>
    %dot_general3A_1099 = tpu.matmul %convert_element_type3A_1097, %slice3A_1002, %dot_general3A_1098 {dimension_numbers = #tpu.dot_dimension_numbers<[0], [0], [1], [1], [0, 1, 1, 1], [], []>, transpose_lhs_hint = false} : vector<144x144xbf16>, vector<144x32xbf16>, vector<144x32xf32> -> vector<144x32xf32>
    %convert_element_type3A_1100 = arith.extf %slice3A_1003 : vector<144x32xbf16> to vector<144x32xf32>
    %add3A_1101 = arith.addf %dot_general3A_1099, %convert_element_type3A_1100 : vector<144x32xf32>
    %div3A_1102 = arith.constant 1.000000e+00 : f32
    %div3A_1103 = vector.broadcast %div3A_1102 : f32 to vector<1x144xf32>
    %div3A_1104 = arith.divf %div3A_1103, %broadcast_in_dim3A_1049 : vector<1x144xf32>
    %ge3A_1105 = vector.broadcast %scan3A_1085#1 : vector<1x144xi32> to vector<144x144xi32>
    %ge3A_1106 = arith.cmpi sge, %bitcast_convert_type3A_1046, %ge3A_1105 : vector<144x144xi32>
    %mul3A_1107 = vector.broadcast %div3A_1104 : vector<1x144xf32> to vector<144x144xf32>
    %mul3A_1108 = arith.mulf %exp3A_1045, %mul3A_1107 : vector<144x144xf32>
    %jit3A_1109 = arith.constant 0.000000e+00 : f32
    %broadcast_in_dim3A_1110 = vector.broadcast %jit3A_1109 : f32 to vector<144x144xf32>
    %select_n3A_1111 = arith.select %ge3A_1106, %mul3A_1108, %broadcast_in_dim3A_1110 : vector<144x144xi1>, vector<144x144xf32>
    %convert_element_type3A_1112 = arith.truncf %select_n3A_1111 : vector<144x144xf32> to vector<144x144xbf16>
    %dot_general3A_1113 = arith.constant dense<0.000000e+00> : vector<144x32xf32>
    %dot_general3A_1114 = tpu.matmul %convert_element_type3A_1112, %slice3A_1027, %dot_general3A_1113 {dimension_numbers = #tpu.dot_dimension_numbers<[0], [0], [1], [1], [0, 1, 1, 1], [], []>, transpose_lhs_hint = false} : vector<144x144xbf16>, vector<144x32xbf16>, vector<144x32xf32> -> vector<144x32xf32>
    %convert_element_type3A_1115 = arith.extf %slice3A_1028 : vector<144x32xbf16> to vector<144x32xf32>
    %add3A_1116 = arith.addf %dot_general3A_1114, %convert_element_type3A_1115 : vector<144x32xf32>
    %div3A_1117 = arith.constant 1.000000e+00 : f32
    %div3A_1118 = vector.broadcast %div3A_1117 : f32 to vector<1x144xf32>
    %div3A_1119 = arith.divf %div3A_1118, %broadcast_in_dim3A_1074 : vector<1x144xf32>
    %ge3A_1120 = vector.broadcast %scan3A_1085#2 : vector<1x144xi32> to vector<144x144xi32>
    %ge3A_1121 = arith.cmpi sge, %bitcast_convert_type3A_1071, %ge3A_1120 : vector<144x144xi32>
    %mul3A_1122 = vector.broadcast %div3A_1119 : vector<1x144xf32> to vector<144x144xf32>
    %mul3A_1123 = arith.mulf %exp3A_1070, %mul3A_1122 : vector<144x144xf32>
    %jit3A_1124 = arith.constant 0.000000e+00 : f32
    %broadcast_in_dim3A_1125 = vector.broadcast %jit3A_1124 : f32 to vector<144x144xf32>
    %select_n3A_1126 = arith.select %ge3A_1121, %mul3A_1123, %broadcast_in_dim3A_1125 : vector<144x144xi1>, vector<144x144xf32>
    %convert_element_type3A_1127 = arith.truncf %select_n3A_1126 : vector<144x144xf32> to vector<144x144xbf16>
    %dot_general3A_1128 = arith.constant dense<0.000000e+00> : vector<144x32xf32>
    %dot_general3A_1129 = tpu.matmul %convert_element_type3A_1127, %slice3A_1052, %dot_general3A_1128 {dimension_numbers = #tpu.dot_dimension_numbers<[0], [0], [1], [1], [0, 1, 1, 1], [], []>, transpose_lhs_hint = false} : vector<144x144xbf16>, vector<144x32xbf16>, vector<144x32xf32> -> vector<144x32xf32>
    %convert_element_type3A_1130 = arith.extf %slice3A_1053 : vector<144x32xbf16> to vector<144x32xf32>
    %add3A_1131 = arith.addf %dot_general3A_1129, %convert_element_type3A_1130 : vector<144x32xf32>
    %concatenate3A_1132 = tpu.concatenate %add3A_1101, %add3A_1116, %add3A_1131 in 1 : vector<144x32xf32>, vector<144x32xf32>, vector<144x32xf32> -> vector<144x96xf32>
    %reshape3A_1133 = vector.shape_cast %concatenate3A_1132 : vector<144x96xf32> to vector<12x1x12x96xf32>
    %concatenate3A_1134 = tpu.concatenate %reshape3A_167, %reshape3A_305, %reshape3A_443, %reshape3A_581, %reshape3A_719, %reshape3A_857, %reshape3A_995, %reshape3A_1133 in 1 : vector<12x1x12x96xf32>, vector<12x1x12x96xf32>, vector<12x1x12x96xf32>, vector<12x1x12x96xf32>, vector<12x1x12x96xf32>, vector<12x1x12x96xf32>, vector<12x1x12x96xf32>, vector<12x1x12x96xf32> -> vector<12x8x12x96xf32>
    %reshape3A_1135 = vector.shape_cast %concatenate3A_1134 : vector<12x8x12x96xf32> to vector<1152x96xf32>
    %convert_element_type3A_1136 = arith.truncf %reshape3A_1135 : vector<1152x96xf32> to vector<1152x96xbf16>
    %get3A_1137 = arith.constant 0 : index
    %get3A_1138 = arith.constant 0 : index
    %get3A_1139 = vector.load %arg8[%get3A_1137, %get3A_1138] : memref<96x96xbf16, #tpu.memory_space<vmem>>, vector<96x96xbf16>
    %dot_general3A_1140 = arith.constant dense<0.000000e+00> : vector<1152x96xf32>
    %dot_general3A_1141 = tpu.matmul %convert_element_type3A_1136, %get3A_1139, %dot_general3A_1140 {dimension_numbers = #tpu.dot_dimension_numbers<[1], [0], [0], [1], [0, 0, 1, 1], [], []>, transpose_lhs_hint = false} : vector<1152x96xbf16>, vector<96x96xbf16>, vector<1152x96xf32> -> vector<1152x96xf32>
    %get3A_1142 = arith.constant 0 : index
    %get3A_1143 = arith.constant 0 : index
    %get3A_1144 = vector.load %arg9[%get3A_1142, %get3A_1143] : memref<1x96xf32, #tpu.memory_space<vmem>>, vector<1x96xf32>
    %add3A_1145 = vector.broadcast %get3A_1144 : vector<1x96xf32> to vector<1152x96xf32>
    %add3A_1146 = arith.addf %dot_general3A_1141, %add3A_1145 : vector<1152x96xf32>
    %reshape3A_1147 = vector.shape_cast %add3A_1146 : vector<1152x96xf32> to vector<12x8x12x96xf32>
    %add3A_1148 = arith.addf %reshape3A_1147, %get3A_5 : vector<12x8x12x96xf32>
    %swap3A = arith.constant 0 : index
    %swap3A_1149 = arith.constant 0 : index
    %swap3A_1150 = arith.constant 0 : index
    %swap3A_1151 = arith.constant 0 : index
    %swap3A_1152 = arith.constant 0 : index
    %swap3A_1153 = vector.load %arg10[%swap3A, %swap3A_1149, %swap3A_1150, %swap3A_1151, %swap3A_1152] : memref<1x12x8x12x96xf32, #tpu.memory_space<vmem>>, vector<1x12x8x12x96xf32>
    %swap3A_1154 = vector.shape_cast %swap3A_1153 : vector<1x12x8x12x96xf32> to vector<12x8x12x96xf32>
    %swap3A_1155 = vector.shape_cast %add3A_1148 : vector<12x8x12x96xf32> to vector<1x12x8x12x96xf32>
    tpu.vector_store %arg10[%swap3A, %swap3A_1149, %swap3A_1150, %swap3A_1151, %swap3A_1152], %swap3A_1155 {strides = array<i32>} : memref<1x12x8x12x96xf32, #tpu.memory_space<vmem>>, vector<1x12x8x12x96xf32>,
    return
  }
  func.func @transform_0(%arg0: i32, %arg1: i32) -> (i32, i32, i32, i32, i32) {
    %c0_i32 = arith.constant 0 : i32
    %c0_i32_0 = arith.constant 0 : i32
    %c0_i32_1 = arith.constant 0 : i32
    %c0_i32_2 = arith.constant 0 : i32
    return %arg0, %c0_i32, %arg1, %c0_i32_0, %c0_i32_1 : i32, i32, i32, i32, i32
  }
  func.func @transform_1(%arg0: i32, %arg1: i32) -> (i32, i32, i32) {
    %c0_i32 = arith.constant 0 : i32
    %c0_i32_0 = arith.constant 0 : i32
    %c0_i32_1 = arith.constant 0 : i32
    %c0_i32_2 = arith.constant 0 : i32
    return %c0_i32, %c0_i32_0, %c0_i32_1 : i32, i32, i32
  }
  func.func @transform_2(%arg0: i32, %arg1: i32) -> (i32, i32) {
    %c0_i32 = arith.constant 0 : i32
    %c0_i32_0 = arith.constant 0 : i32
    %c0_i32_1 = arith.constant 0 : i32
    return %c0_i32, %c0_i32_0 : i32, i32
  }
  func.func @transform_3(%arg0: i32, %arg1: i32) -> (i32, i32) {
    %c0_i32 = arith.constant 0 : i32
    %c0_i32_0 = arith.constant 0 : i32
    %c0_i32_1 = arith.constant 0 : i32
    return %c0_i32, %c0_i32_0 : i32, i32
  }
  func.func @transform_4(%arg0: i32, %arg1: i32) -> (i32, i32) {
    %c0_i32 = arith.constant 0 : i32
    %c0_i32_0 = arith.constant 0 : i32
    %c0_i32_1 = arith.constant 0 : i32
    return %c0_i32, %c0_i32_0 : i32, i32
  }
  func.func @transform_5(%arg0: i32, %arg1: i32) -> (i32, i32) {
    %c0_i32 = arith.constant 0 : i32
    %c0_i32_0 = arith.constant 0 : i32
    %c0_i32_1 = arith.constant 0 : i32
    return %c0_i32, %c0_i32_0 : i32, i32
  }
  func.func @transform_6(%arg0: i32, %arg1: i32) -> (i32, i32) {
    %c0_i32 = arith.constant 0 : i32
    %c0_i32_0 = arith.constant 0 : i32
    %c0_i32_1 = arith.constant 0 : i32
    return %c0_i32, %c0_i32_0 : i32, i32
  }
  func.func @transform_7(%arg0: i32, %arg1: i32) -> (i32, i32) {
    %c0_i32 = arith.constant 0 : i32
    %c0_i32_0 = arith.constant 0 : i32
    %c0_i32_1 = arith.constant 0 : i32
    return %c0_i32, %c0_i32_0 : i32, i32
  }
  func.func @transform_8(%arg0: i32, %arg1: i32) -> (i32, i32, i32, i32, i32) {
    %c0_i32 = arith.constant 0 : i32
    %c0_i32_0 = arith.constant 0 : i32
    %c0_i32_1 = arith.constant 0 : i32
    %c0_i32_2 = arith.constant 0 : i32
    return %arg0, %c0_i32, %arg1, %c0_i32_0, %c0_i32_1 : i32, i32, i32, i32, i32
  }
}

module attributes {stable_mosaic.version = 14 : i64} {
  func.func @_lambda_(%arg0: i32, %arg1: memref<1x12x384x96xf32, #tpu.memory_space<vmem>>, %arg2: memref<1x12x384x96xf32, #tpu.memory_space<vmem>>, %arg3: memref<1x12x384x96xf32, #tpu.memory_space<vmem>>, %arg4: memref<1x96xf32, #tpu.memory_space<vmem>>, %arg5: memref<1x96xf32, #tpu.memory_space<vmem>>, %arg6: memref<96x192xbf16, #tpu.memory_space<vmem>>, %arg7: memref<1x192xf32, #tpu.memory_space<vmem>>, %arg8: memref<5x5x192xf32, #tpu.memory_space<vmem>>, %arg9: memref<1x192xf32, #tpu.memory_space<vmem>>, %arg10: memref<192x96xbf16, #tpu.memory_space<vmem>>, %arg11: memref<1x96xf32, #tpu.memory_space<vmem>>, %arg12: memref<1x12x384x96xf32, #tpu.memory_space<vmem>>) attributes {dimension_semantics = [#tpu.dimension_semantics<parallel>], iteration_bounds = array<i64: 32>, scalar_prefetch = 0 : i64, scratch_operands = 0 : i64, tpu.core_type = #tpu.core_type<tc>, window_params = [{transform_indices = @transform_0, window_bounds = array<i64: 1, 12, 384, 96>}, {transform_indices = @transform_1, window_bounds = array<i64: 1, 12, 384, 96>}, {transform_indices = @transform_2, window_bounds = array<i64: 1, 12, 384, 96>}, {pipeline_mode = #tpu.pipeline_mode<synchronous>, transform_indices = @transform_3, window_bounds = array<i64: 1, 96>}, {pipeline_mode = #tpu.pipeline_mode<synchronous>, transform_indices = @transform_4, window_bounds = array<i64: 1, 96>}, {pipeline_mode = #tpu.pipeline_mode<synchronous>, transform_indices = @transform_5, window_bounds = array<i64: 96, 192>}, {pipeline_mode = #tpu.pipeline_mode<synchronous>, transform_indices = @transform_6, window_bounds = array<i64: 1, 192>}, {pipeline_mode = #tpu.pipeline_mode<synchronous>, transform_indices = @transform_7, window_bounds = array<i64: 5, 5, 192>}, {pipeline_mode = #tpu.pipeline_mode<synchronous>, transform_indices = @transform_8, window_bounds = array<i64: 1, 192>}, {pipeline_mode = #tpu.pipeline_mode<synchronous>, transform_indices = @transform_9, window_bounds = array<i64: 192, 96>}, {pipeline_mode = #tpu.pipeline_mode<synchronous>, transform_indices = @transform_10, window_bounds = array<i64: 1, 96>}, {transform_indices = @transform_11, window_bounds = array<i64: 1, 12, 384, 96>}]} {
    %get3A = arith.constant 0 : index
    %get3A_0 = arith.constant 10 : index
    %get3A_1 = arith.constant 0 : index
    %get3A_2 = arith.constant 0 : index
    %get3A_3 = vector.load %arg1[%get3A, %get3A_0, %get3A_1, %get3A_2] : memref<1x12x384x96xf32, #tpu.memory_space<vmem>>, vector<1x2x384x96xf32>
    %get3A_4 = vector.shape_cast %get3A_3 : vector<1x2x384x96xf32> to vector<2x384x96xf32>
    %get3A_5 = arith.constant 0 : index
    %get3A_6 = arith.constant 0 : index
    %get3A_7 = arith.constant 0 : index
    %get3A_8 = arith.constant 0 : index
    %get3A_9 = vector.load %arg2[%get3A_5, %get3A_6, %get3A_7, %get3A_8] : memref<1x12x384x96xf32, #tpu.memory_space<vmem>>, vector<1x12x384x96xf32>
    %get3A_10 = vector.shape_cast %get3A_9 : vector<1x12x384x96xf32> to vector<12x384x96xf32>
    %get3A_11 = arith.constant 0 : index
    %get3A_12 = arith.constant 0 : index
    %get3A_13 = arith.constant 0 : index
    %get3A_14 = arith.constant 0 : index
    %get3A_15 = vector.load %arg3[%get3A_11, %get3A_12, %get3A_13, %get3A_14] : memref<1x12x384x96xf32, #tpu.memory_space<vmem>>, vector<1x2x384x96xf32>
    %get3A_16 = vector.shape_cast %get3A_15 : vector<1x2x384x96xf32> to vector<2x384x96xf32>
    %concatenate3A = tpu.concatenate %get3A_4, %get3A_10, %get3A_16 in 0 : vector<2x384x96xf32>, vector<12x384x96xf32>, vector<2x384x96xf32> -> vector<16x384x96xf32>
    %reshape3A = vector.shape_cast %concatenate3A : vector<16x384x96xf32> to vector<6144x96xf32>
    %get3A_17 = arith.constant 0 : index
    %get3A_18 = arith.constant 0 : index
    %get3A_19 = vector.load %arg4[%get3A_17, %get3A_18] : memref<1x96xf32, #tpu.memory_space<vmem>>, vector<1x96xf32>
    %get3A_20 = arith.constant 0 : index
    %get3A_21 = arith.constant 0 : index
    %get3A_22 = vector.load %arg5[%get3A_20, %get3A_21] : memref<1x96xf32, #tpu.memory_space<vmem>>, vector<1x96xf32>
    %reduce_sum3A = arith.constant dense<0.000000e+00> : vector<6144xf32>
    %reduce_sum3A_23 = vector.multi_reduction <add>, %reshape3A, %reduce_sum3A [1] : vector<6144x96xf32> to vector<6144xf32>
    %broadcast_in_dim3A = vector.shape_cast %reduce_sum3A_23 : vector<6144xf32> to vector<6144x1xf32>
    %div3A = arith.constant 9.600000e+01 : f32
    %div3A_24 = vector.broadcast %div3A : f32 to vector<6144x1xf32>
    %div3A_25 = arith.divf %broadcast_in_dim3A, %div3A_24 : vector<6144x1xf32>
    %sub3A = vector.broadcast %div3A_25 : vector<6144x1xf32> to vector<6144x96xf32>
    %sub3A_26 = arith.subf %reshape3A, %sub3A : vector<6144x96xf32>
    %mul3A = arith.mulf %sub3A_26, %sub3A_26 : vector<6144x96xf32>
    %reduce_sum3A_27 = arith.constant dense<0.000000e+00> : vector<6144xf32>
    %reduce_sum3A_28 = vector.multi_reduction <add>, %mul3A, %reduce_sum3A_27 [1] : vector<6144x96xf32> to vector<6144xf32>
    %broadcast_in_dim3A_29 = vector.shape_cast %reduce_sum3A_28 : vector<6144xf32> to vector<6144x1xf32>
    %div3A_30 = arith.constant 9.600000e+01 : f32
    %div3A_31 = vector.broadcast %div3A_30 : f32 to vector<6144x1xf32>
    %div3A_32 = arith.divf %broadcast_in_dim3A_29, %div3A_31 : vector<6144x1xf32>
    %add3A = arith.constant 9.99999974E-6 : f32
    %add3A_33 = vector.broadcast %add3A : f32 to vector<6144x1xf32>
    %add3A_34 = arith.addf %div3A_32, %add3A_33 : vector<6144x1xf32>
    %rsqrt3A = math.rsqrt %add3A_34 : vector<6144x1xf32>
    %mul3A_35 = vector.broadcast %rsqrt3A : vector<6144x1xf32> to vector<6144x96xf32>
    %mul3A_36 = arith.mulf %sub3A_26, %mul3A_35 : vector<6144x96xf32>
    %mul3A_37 = vector.broadcast %get3A_19 : vector<1x96xf32> to vector<6144x96xf32>
    %mul3A_38 = arith.mulf %mul3A_36, %mul3A_37 : vector<6144x96xf32>
    %add3A_39 = vector.broadcast %get3A_22 : vector<1x96xf32> to vector<6144x96xf32>
    %add3A_40 = arith.addf %mul3A_38, %add3A_39 : vector<6144x96xf32>
    %convert_element_type3A = arith.truncf %add3A_40 : vector<6144x96xf32> to vector<6144x96xbf16>
    %get3A_41 = arith.constant 0 : index
    %get3A_42 = arith.constant 0 : index
    %get3A_43 = vector.load %arg6[%get3A_41, %get3A_42] : memref<96x192xbf16, #tpu.memory_space<vmem>>, vector<96x192xbf16>
    %dot_general3A = arith.constant dense<0.000000e+00> : vector<6144x192xf32>
    %dot_general3A_44 = tpu.matmul %convert_element_type3A, %get3A_43, %dot_general3A {dimension_numbers = #tpu.dot_dimension_numbers<[1], [0], [0], [1], [0, 0, 1, 1], [], []>, transpose_lhs_hint = false} : vector<6144x96xbf16>, vector<96x192xbf16>, vector<6144x192xf32> -> vector<6144x192xf32>
    %get3A_45 = arith.constant 0 : index
    %get3A_46 = arith.constant 0 : index
    %get3A_47 = vector.load %arg7[%get3A_45, %get3A_46] : memref<1x192xf32, #tpu.memory_space<vmem>>, vector<1x192xf32>
    %add3A_48 = vector.broadcast %get3A_47 : vector<1x192xf32> to vector<6144x192xf32>
    %add3A_49 = arith.addf %dot_general3A_44, %add3A_48 : vector<6144x192xf32>
    %mul3A_50 = arith.constant 5.000000e-01 : f32
    %mul3A_51 = vector.broadcast %mul3A_50 : f32 to vector<6144x192xf32>
    %mul3A_52 = arith.mulf %mul3A_51, %add3A_49 : vector<6144x192xf32>
    %mul3A_53 = arith.constant 0.707106769 : f32
    %mul3A_54 = vector.broadcast %mul3A_53 : f32 to vector<6144x192xf32>
    %mul3A_55 = arith.mulf %add3A_49, %mul3A_54 : vector<6144x192xf32>
    %erf3A = math.erf %mul3A_55 : vector<6144x192xf32>
    %add3A_56 = arith.constant 1.000000e+00 : f32
    %add3A_57 = vector.broadcast %add3A_56 : f32 to vector<6144x192xf32>
    %add3A_58 = arith.addf %add3A_57, %erf3A : vector<6144x192xf32>
    %mul3A_59 = arith.mulf %mul3A_52, %add3A_58 : vector<6144x192xf32>
    %reshape3A_60 = vector.shape_cast %mul3A_59 : vector<6144x192xf32> to vector<16x384x192xf32>
    %iota3A = tpu.iota {dimensions = array<i32: 0>} : vector<16x1x1xi32>
    %mul3A_61 = arith.constant 12 : i32
    %mul3A_62 = arith.muli %arg0, %mul3A_61 : i32
    %sub3A_63 = arith.constant 2 : i32
    %sub3A_64 = arith.subi %mul3A_62, %sub3A_63 : i32
    %add3A_65 = vector.broadcast %sub3A_64 : i32 to vector<16x1x1xi32>
    %add3A_66 = arith.addi %add3A_65, %iota3A : vector<16x1x1xi32>
    %ge3A = arith.constant 0 : i32
    %ge3A_67 = vector.broadcast %ge3A : i32 to vector<16x1x1xi32>
    %ge3A_68 = arith.cmpi sge, %add3A_66, %ge3A_67 : vector<16x1x1xi32>
    %lt3A = arith.constant 384 : i32
    %lt3A_69 = vector.broadcast %lt3A : i32 to vector<16x1x1xi32>
    %lt3A_70 = arith.cmpi slt, %add3A_66, %lt3A_69 : vector<16x1x1xi32>
    %and3A = arith.andi %ge3A_68, %lt3A_70 : vector<16x1x1xi1>
    %convert_element_type3A_71 = arith.extui %and3A : vector<16x1x1xi1> to vector<16x1x1xi32>
    %convert_element_type3A_72 = arith.sitofp %convert_element_type3A_71 : vector<16x1x1xi32> to vector<16x1x1xf32>
    %mul3A_73 = vector.broadcast %convert_element_type3A_72 : vector<16x1x1xf32> to vector<16x384x192xf32>
    %mul3A_74 = arith.mulf %reshape3A_60, %mul3A_73 : vector<16x384x192xf32>
    %broadcast_in_dim3A_75 = arith.constant 0.000000e+00 : bf16
    %broadcast_in_dim3A_76 = vector.broadcast %broadcast_in_dim3A_75 : bf16 to vector<16x2x192xbf16>
    %convert_element_type3A_77 = arith.truncf %mul3A_74 : vector<16x384x192xf32> to vector<16x384x192xbf16>
    %concatenate3A_78 = tpu.concatenate %broadcast_in_dim3A_76, %convert_element_type3A_77, %broadcast_in_dim3A_76 in 1 : vector<16x2x192xbf16>, vector<16x384x192xbf16>, vector<16x2x192xbf16> -> vector<16x388x192xbf16>
    %get3A_79 = arith.constant 0 : index
    %get3A_80 = arith.constant 0 : index
    %get3A_81 = arith.constant 0 : index
    %get3A_82 = vector.load %arg8[%get3A_79, %get3A_80, %get3A_81] : memref<5x5x192xf32, #tpu.memory_space<vmem>>, vector<5x5x192xf32>
    %convert_element_type3A_83 = arith.truncf %get3A_82 : vector<5x5x192xf32> to vector<5x5x192xbf16>
    %slice3A = vector.extract_strided_slice %concatenate3A_78 {offsets = [0, 0, 0], sizes = [16, 384, 192], strides = [1, 1, 1]} : vector<16x388x192xbf16> to vector<16x384x192xbf16>
    %slice3A_84 = vector.extract_strided_slice %concatenate3A_78 {offsets = [0, 1, 0], sizes = [16, 384, 192], strides = [1, 1, 1]} : vector<16x388x192xbf16> to vector<16x384x192xbf16>
    %slice3A_85 = vector.extract_strided_slice %concatenate3A_78 {offsets = [0, 2, 0], sizes = [16, 384, 192], strides = [1, 1, 1]} : vector<16x388x192xbf16> to vector<16x384x192xbf16>
    %slice3A_86 = vector.extract_strided_slice %concatenate3A_78 {offsets = [0, 3, 0], sizes = [16, 384, 192], strides = [1, 1, 1]} : vector<16x388x192xbf16> to vector<16x384x192xbf16>
    %slice3A_87 = vector.extract_strided_slice %concatenate3A_78 {offsets = [0, 4, 0], sizes = [16, 384, 192], strides = [1, 1, 1]} : vector<16x388x192xbf16> to vector<16x384x192xbf16>
    %broadcast_in_dim3A_88 = arith.constant 0.000000e+00 : bf16
    %broadcast_in_dim3A_89 = vector.broadcast %broadcast_in_dim3A_88 : bf16 to vector<12x384x192xbf16>
    %slice3A_90 = vector.extract_strided_slice %slice3A {offsets = [0, 0, 0], sizes = [12, 384, 192], strides = [1, 1, 1]} : vector<16x384x192xbf16> to vector<12x384x192xbf16>
    %slice3A_91 = vector.extract_strided_slice %convert_element_type3A_83 {offsets = [0, 0, 0], sizes = [1, 1, 192], strides = [1, 1, 1]} : vector<5x5x192xbf16> to vector<1x1x192xbf16>
    %squeeze3A = vector.shape_cast %slice3A_91 : vector<1x1x192xbf16> to vector<192xbf16>
    %broadcast_in_dim3A_92 = vector.shape_cast %squeeze3A : vector<192xbf16> to vector<1x1x192xbf16>
    %mul3A_93 = vector.broadcast %broadcast_in_dim3A_92 : vector<1x1x192xbf16> to vector<12x384x192xbf16>
    %mul3A_94 = arith.mulf %slice3A_90, %mul3A_93 : vector<12x384x192xbf16>
    %add3A_95 = arith.addf %broadcast_in_dim3A_89, %mul3A_94 : vector<12x384x192xbf16>
    %slice3A_96 = vector.extract_strided_slice %slice3A_84 {offsets = [0, 0, 0], sizes = [12, 384, 192], strides = [1, 1, 1]} : vector<16x384x192xbf16> to vector<12x384x192xbf16>
    %slice3A_97 = vector.extract_strided_slice %convert_element_type3A_83 {offsets = [0, 1, 0], sizes = [1, 1, 192], strides = [1, 1, 1]} : vector<5x5x192xbf16> to vector<1x1x192xbf16>
    %squeeze3A_98 = vector.shape_cast %slice3A_97 : vector<1x1x192xbf16> to vector<192xbf16>
    %broadcast_in_dim3A_99 = vector.shape_cast %squeeze3A_98 : vector<192xbf16> to vector<1x1x192xbf16>
    %mul3A_100 = vector.broadcast %broadcast_in_dim3A_99 : vector<1x1x192xbf16> to vector<12x384x192xbf16>
    %mul3A_101 = arith.mulf %slice3A_96, %mul3A_100 : vector<12x384x192xbf16>
    %add3A_102 = arith.addf %add3A_95, %mul3A_101 : vector<12x384x192xbf16>
    %slice3A_103 = vector.extract_strided_slice %slice3A_85 {offsets = [0, 0, 0], sizes = [12, 384, 192], strides = [1, 1, 1]} : vector<16x384x192xbf16> to vector<12x384x192xbf16>
    %slice3A_104 = vector.extract_strided_slice %convert_element_type3A_83 {offsets = [0, 2, 0], sizes = [1, 1, 192], strides = [1, 1, 1]} : vector<5x5x192xbf16> to vector<1x1x192xbf16>
    %squeeze3A_105 = vector.shape_cast %slice3A_104 : vector<1x1x192xbf16> to vector<192xbf16>
    %broadcast_in_dim3A_106 = vector.shape_cast %squeeze3A_105 : vector<192xbf16> to vector<1x1x192xbf16>
    %mul3A_107 = vector.broadcast %broadcast_in_dim3A_106 : vector<1x1x192xbf16> to vector<12x384x192xbf16>
    %mul3A_108 = arith.mulf %slice3A_103, %mul3A_107 : vector<12x384x192xbf16>
    %add3A_109 = arith.addf %add3A_102, %mul3A_108 : vector<12x384x192xbf16>
    %slice3A_110 = vector.extract_strided_slice %slice3A_86 {offsets = [0, 0, 0], sizes = [12, 384, 192], strides = [1, 1, 1]} : vector<16x384x192xbf16> to vector<12x384x192xbf16>
    %slice3A_111 = vector.extract_strided_slice %convert_element_type3A_83 {offsets = [0, 3, 0], sizes = [1, 1, 192], strides = [1, 1, 1]} : vector<5x5x192xbf16> to vector<1x1x192xbf16>
    %squeeze3A_112 = vector.shape_cast %slice3A_111 : vector<1x1x192xbf16> to vector<192xbf16>
    %broadcast_in_dim3A_113 = vector.shape_cast %squeeze3A_112 : vector<192xbf16> to vector<1x1x192xbf16>
    %mul3A_114 = vector.broadcast %broadcast_in_dim3A_113 : vector<1x1x192xbf16> to vector<12x384x192xbf16>
    %mul3A_115 = arith.mulf %slice3A_110, %mul3A_114 : vector<12x384x192xbf16>
    %add3A_116 = arith.addf %add3A_109, %mul3A_115 : vector<12x384x192xbf16>
    %slice3A_117 = vector.extract_strided_slice %slice3A_87 {offsets = [0, 0, 0], sizes = [12, 384, 192], strides = [1, 1, 1]} : vector<16x384x192xbf16> to vector<12x384x192xbf16>
    %slice3A_118 = vector.extract_strided_slice %convert_element_type3A_83 {offsets = [0, 4, 0], sizes = [1, 1, 192], strides = [1, 1, 1]} : vector<5x5x192xbf16> to vector<1x1x192xbf16>
    %squeeze3A_119 = vector.shape_cast %slice3A_118 : vector<1x1x192xbf16> to vector<192xbf16>
    %broadcast_in_dim3A_120 = vector.shape_cast %squeeze3A_119 : vector<192xbf16> to vector<1x1x192xbf16>
    %mul3A_121 = vector.broadcast %broadcast_in_dim3A_120 : vector<1x1x192xbf16> to vector<12x384x192xbf16>
    %mul3A_122 = arith.mulf %slice3A_117, %mul3A_121 : vector<12x384x192xbf16>
    %add3A_123 = arith.addf %add3A_116, %mul3A_122 : vector<12x384x192xbf16>
    %slice3A_124 = vector.extract_strided_slice %slice3A {offsets = [1, 0, 0], sizes = [12, 384, 192], strides = [1, 1, 1]} : vector<16x384x192xbf16> to vector<12x384x192xbf16>
    %slice3A_125 = vector.extract_strided_slice %convert_element_type3A_83 {offsets = [1, 0, 0], sizes = [1, 1, 192], strides = [1, 1, 1]} : vector<5x5x192xbf16> to vector<1x1x192xbf16>
    %squeeze3A_126 = vector.shape_cast %slice3A_125 : vector<1x1x192xbf16> to vector<192xbf16>
    %broadcast_in_dim3A_127 = vector.shape_cast %squeeze3A_126 : vector<192xbf16> to vector<1x1x192xbf16>
    %mul3A_128 = vector.broadcast %broadcast_in_dim3A_127 : vector<1x1x192xbf16> to vector<12x384x192xbf16>
    %mul3A_129 = arith.mulf %slice3A_124, %mul3A_128 : vector<12x384x192xbf16>
    %add3A_130 = arith.addf %add3A_123, %mul3A_129 : vector<12x384x192xbf16>
    %slice3A_131 = vector.extract_strided_slice %slice3A_84 {offsets = [1, 0, 0], sizes = [12, 384, 192], strides = [1, 1, 1]} : vector<16x384x192xbf16> to vector<12x384x192xbf16>
    %slice3A_132 = vector.extract_strided_slice %convert_element_type3A_83 {offsets = [1, 1, 0], sizes = [1, 1, 192], strides = [1, 1, 1]} : vector<5x5x192xbf16> to vector<1x1x192xbf16>
    %squeeze3A_133 = vector.shape_cast %slice3A_132 : vector<1x1x192xbf16> to vector<192xbf16>
    %broadcast_in_dim3A_134 = vector.shape_cast %squeeze3A_133 : vector<192xbf16> to vector<1x1x192xbf16>
    %mul3A_135 = vector.broadcast %broadcast_in_dim3A_134 : vector<1x1x192xbf16> to vector<12x384x192xbf16>
    %mul3A_136 = arith.mulf %slice3A_131, %mul3A_135 : vector<12x384x192xbf16>
    %add3A_137 = arith.addf %add3A_130, %mul3A_136 : vector<12x384x192xbf16>
    %slice3A_138 = vector.extract_strided_slice %slice3A_85 {offsets = [1, 0, 0], sizes = [12, 384, 192], strides = [1, 1, 1]} : vector<16x384x192xbf16> to vector<12x384x192xbf16>
    %slice3A_139 = vector.extract_strided_slice %convert_element_type3A_83 {offsets = [1, 2, 0], sizes = [1, 1, 192], strides = [1, 1, 1]} : vector<5x5x192xbf16> to vector<1x1x192xbf16>
    %squeeze3A_140 = vector.shape_cast %slice3A_139 : vector<1x1x192xbf16> to vector<192xbf16>
    %broadcast_in_dim3A_141 = vector.shape_cast %squeeze3A_140 : vector<192xbf16> to vector<1x1x192xbf16>
    %mul3A_142 = vector.broadcast %broadcast_in_dim3A_141 : vector<1x1x192xbf16> to vector<12x384x192xbf16>
    %mul3A_143 = arith.mulf %slice3A_138, %mul3A_142 : vector<12x384x192xbf16>
    %add3A_144 = arith.addf %add3A_137, %mul3A_143 : vector<12x384x192xbf16>
    %slice3A_145 = vector.extract_strided_slice %slice3A_86 {offsets = [1, 0, 0], sizes = [12, 384, 192], strides = [1, 1, 1]} : vector<16x384x192xbf16> to vector<12x384x192xbf16>
    %slice3A_146 = vector.extract_strided_slice %convert_element_type3A_83 {offsets = [1, 3, 0], sizes = [1, 1, 192], strides = [1, 1, 1]} : vector<5x5x192xbf16> to vector<1x1x192xbf16>
    %squeeze3A_147 = vector.shape_cast %slice3A_146 : vector<1x1x192xbf16> to vector<192xbf16>
    %broadcast_in_dim3A_148 = vector.shape_cast %squeeze3A_147 : vector<192xbf16> to vector<1x1x192xbf16>
    %mul3A_149 = vector.broadcast %broadcast_in_dim3A_148 : vector<1x1x192xbf16> to vector<12x384x192xbf16>
    %mul3A_150 = arith.mulf %slice3A_145, %mul3A_149 : vector<12x384x192xbf16>
    %add3A_151 = arith.addf %add3A_144, %mul3A_150 : vector<12x384x192xbf16>
    %slice3A_152 = vector.extract_strided_slice %slice3A_87 {offsets = [1, 0, 0], sizes = [12, 384, 192], strides = [1, 1, 1]} : vector<16x384x192xbf16> to vector<12x384x192xbf16>
    %slice3A_153 = vector.extract_strided_slice %convert_element_type3A_83 {offsets = [1, 4, 0], sizes = [1, 1, 192], strides = [1, 1, 1]} : vector<5x5x192xbf16> to vector<1x1x192xbf16>
    %squeeze3A_154 = vector.shape_cast %slice3A_153 : vector<1x1x192xbf16> to vector<192xbf16>
    %broadcast_in_dim3A_155 = vector.shape_cast %squeeze3A_154 : vector<192xbf16> to vector<1x1x192xbf16>
    %mul3A_156 = vector.broadcast %broadcast_in_dim3A_155 : vector<1x1x192xbf16> to vector<12x384x192xbf16>
    %mul3A_157 = arith.mulf %slice3A_152, %mul3A_156 : vector<12x384x192xbf16>
    %add3A_158 = arith.addf %add3A_151, %mul3A_157 : vector<12x384x192xbf16>
    %slice3A_159 = vector.extract_strided_slice %slice3A {offsets = [2, 0, 0], sizes = [12, 384, 192], strides = [1, 1, 1]} : vector<16x384x192xbf16> to vector<12x384x192xbf16>
    %slice3A_160 = vector.extract_strided_slice %convert_element_type3A_83 {offsets = [2, 0, 0], sizes = [1, 1, 192], strides = [1, 1, 1]} : vector<5x5x192xbf16> to vector<1x1x192xbf16>
    %squeeze3A_161 = vector.shape_cast %slice3A_160 : vector<1x1x192xbf16> to vector<192xbf16>
    %broadcast_in_dim3A_162 = vector.shape_cast %squeeze3A_161 : vector<192xbf16> to vector<1x1x192xbf16>
    %mul3A_163 = vector.broadcast %broadcast_in_dim3A_162 : vector<1x1x192xbf16> to vector<12x384x192xbf16>
    %mul3A_164 = arith.mulf %slice3A_159, %mul3A_163 : vector<12x384x192xbf16>
    %add3A_165 = arith.addf %add3A_158, %mul3A_164 : vector<12x384x192xbf16>
    %slice3A_166 = vector.extract_strided_slice %slice3A_84 {offsets = [2, 0, 0], sizes = [12, 384, 192], strides = [1, 1, 1]} : vector<16x384x192xbf16> to vector<12x384x192xbf16>
    %slice3A_167 = vector.extract_strided_slice %convert_element_type3A_83 {offsets = [2, 1, 0], sizes = [1, 1, 192], strides = [1, 1, 1]} : vector<5x5x192xbf16> to vector<1x1x192xbf16>
    %squeeze3A_168 = vector.shape_cast %slice3A_167 : vector<1x1x192xbf16> to vector<192xbf16>
    %broadcast_in_dim3A_169 = vector.shape_cast %squeeze3A_168 : vector<192xbf16> to vector<1x1x192xbf16>
    %mul3A_170 = vector.broadcast %broadcast_in_dim3A_169 : vector<1x1x192xbf16> to vector<12x384x192xbf16>
    %mul3A_171 = arith.mulf %slice3A_166, %mul3A_170 : vector<12x384x192xbf16>
    %add3A_172 = arith.addf %add3A_165, %mul3A_171 : vector<12x384x192xbf16>
    %slice3A_173 = vector.extract_strided_slice %slice3A_85 {offsets = [2, 0, 0], sizes = [12, 384, 192], strides = [1, 1, 1]} : vector<16x384x192xbf16> to vector<12x384x192xbf16>
    %slice3A_174 = vector.extract_strided_slice %convert_element_type3A_83 {offsets = [2, 2, 0], sizes = [1, 1, 192], strides = [1, 1, 1]} : vector<5x5x192xbf16> to vector<1x1x192xbf16>
    %squeeze3A_175 = vector.shape_cast %slice3A_174 : vector<1x1x192xbf16> to vector<192xbf16>
    %broadcast_in_dim3A_176 = vector.shape_cast %squeeze3A_175 : vector<192xbf16> to vector<1x1x192xbf16>
    %mul3A_177 = vector.broadcast %broadcast_in_dim3A_176 : vector<1x1x192xbf16> to vector<12x384x192xbf16>
    %mul3A_178 = arith.mulf %slice3A_173, %mul3A_177 : vector<12x384x192xbf16>
    %add3A_179 = arith.addf %add3A_172, %mul3A_178 : vector<12x384x192xbf16>
    %slice3A_180 = vector.extract_strided_slice %slice3A_86 {offsets = [2, 0, 0], sizes = [12, 384, 192], strides = [1, 1, 1]} : vector<16x384x192xbf16> to vector<12x384x192xbf16>
    %slice3A_181 = vector.extract_strided_slice %convert_element_type3A_83 {offsets = [2, 3, 0], sizes = [1, 1, 192], strides = [1, 1, 1]} : vector<5x5x192xbf16> to vector<1x1x192xbf16>
    %squeeze3A_182 = vector.shape_cast %slice3A_181 : vector<1x1x192xbf16> to vector<192xbf16>
    %broadcast_in_dim3A_183 = vector.shape_cast %squeeze3A_182 : vector<192xbf16> to vector<1x1x192xbf16>
    %mul3A_184 = vector.broadcast %broadcast_in_dim3A_183 : vector<1x1x192xbf16> to vector<12x384x192xbf16>
    %mul3A_185 = arith.mulf %slice3A_180, %mul3A_184 : vector<12x384x192xbf16>
    %add3A_186 = arith.addf %add3A_179, %mul3A_185 : vector<12x384x192xbf16>
    %slice3A_187 = vector.extract_strided_slice %slice3A_87 {offsets = [2, 0, 0], sizes = [12, 384, 192], strides = [1, 1, 1]} : vector<16x384x192xbf16> to vector<12x384x192xbf16>
    %slice3A_188 = vector.extract_strided_slice %convert_element_type3A_83 {offsets = [2, 4, 0], sizes = [1, 1, 192], strides = [1, 1, 1]} : vector<5x5x192xbf16> to vector<1x1x192xbf16>
    %squeeze3A_189 = vector.shape_cast %slice3A_188 : vector<1x1x192xbf16> to vector<192xbf16>
    %broadcast_in_dim3A_190 = vector.shape_cast %squeeze3A_189 : vector<192xbf16> to vector<1x1x192xbf16>
    %mul3A_191 = vector.broadcast %broadcast_in_dim3A_190 : vector<1x1x192xbf16> to vector<12x384x192xbf16>
    %mul3A_192 = arith.mulf %slice3A_187, %mul3A_191 : vector<12x384x192xbf16>
    %add3A_193 = arith.addf %add3A_186, %mul3A_192 : vector<12x384x192xbf16>
    %slice3A_194 = vector.extract_strided_slice %slice3A {offsets = [3, 0, 0], sizes = [12, 384, 192], strides = [1, 1, 1]} : vector<16x384x192xbf16> to vector<12x384x192xbf16>
    %slice3A_195 = vector.extract_strided_slice %convert_element_type3A_83 {offsets = [3, 0, 0], sizes = [1, 1, 192], strides = [1, 1, 1]} : vector<5x5x192xbf16> to vector<1x1x192xbf16>
    %squeeze3A_196 = vector.shape_cast %slice3A_195 : vector<1x1x192xbf16> to vector<192xbf16>
    %broadcast_in_dim3A_197 = vector.shape_cast %squeeze3A_196 : vector<192xbf16> to vector<1x1x192xbf16>
    %mul3A_198 = vector.broadcast %broadcast_in_dim3A_197 : vector<1x1x192xbf16> to vector<12x384x192xbf16>
    %mul3A_199 = arith.mulf %slice3A_194, %mul3A_198 : vector<12x384x192xbf16>
    %add3A_200 = arith.addf %add3A_193, %mul3A_199 : vector<12x384x192xbf16>
    %slice3A_201 = vector.extract_strided_slice %slice3A_84 {offsets = [3, 0, 0], sizes = [12, 384, 192], strides = [1, 1, 1]} : vector<16x384x192xbf16> to vector<12x384x192xbf16>
    %slice3A_202 = vector.extract_strided_slice %convert_element_type3A_83 {offsets = [3, 1, 0], sizes = [1, 1, 192], strides = [1, 1, 1]} : vector<5x5x192xbf16> to vector<1x1x192xbf16>
    %squeeze3A_203 = vector.shape_cast %slice3A_202 : vector<1x1x192xbf16> to vector<192xbf16>
    %broadcast_in_dim3A_204 = vector.shape_cast %squeeze3A_203 : vector<192xbf16> to vector<1x1x192xbf16>
    %mul3A_205 = vector.broadcast %broadcast_in_dim3A_204 : vector<1x1x192xbf16> to vector<12x384x192xbf16>
    %mul3A_206 = arith.mulf %slice3A_201, %mul3A_205 : vector<12x384x192xbf16>
    %add3A_207 = arith.addf %add3A_200, %mul3A_206 : vector<12x384x192xbf16>
    %slice3A_208 = vector.extract_strided_slice %slice3A_85 {offsets = [3, 0, 0], sizes = [12, 384, 192], strides = [1, 1, 1]} : vector<16x384x192xbf16> to vector<12x384x192xbf16>
    %slice3A_209 = vector.extract_strided_slice %convert_element_type3A_83 {offsets = [3, 2, 0], sizes = [1, 1, 192], strides = [1, 1, 1]} : vector<5x5x192xbf16> to vector<1x1x192xbf16>
    %squeeze3A_210 = vector.shape_cast %slice3A_209 : vector<1x1x192xbf16> to vector<192xbf16>
    %broadcast_in_dim3A_211 = vector.shape_cast %squeeze3A_210 : vector<192xbf16> to vector<1x1x192xbf16>
    %mul3A_212 = vector.broadcast %broadcast_in_dim3A_211 : vector<1x1x192xbf16> to vector<12x384x192xbf16>
    %mul3A_213 = arith.mulf %slice3A_208, %mul3A_212 : vector<12x384x192xbf16>
    %add3A_214 = arith.addf %add3A_207, %mul3A_213 : vector<12x384x192xbf16>
    %slice3A_215 = vector.extract_strided_slice %slice3A_86 {offsets = [3, 0, 0], sizes = [12, 384, 192], strides = [1, 1, 1]} : vector<16x384x192xbf16> to vector<12x384x192xbf16>
    %slice3A_216 = vector.extract_strided_slice %convert_element_type3A_83 {offsets = [3, 3, 0], sizes = [1, 1, 192], strides = [1, 1, 1]} : vector<5x5x192xbf16> to vector<1x1x192xbf16>
    %squeeze3A_217 = vector.shape_cast %slice3A_216 : vector<1x1x192xbf16> to vector<192xbf16>
    %broadcast_in_dim3A_218 = vector.shape_cast %squeeze3A_217 : vector<192xbf16> to vector<1x1x192xbf16>
    %mul3A_219 = vector.broadcast %broadcast_in_dim3A_218 : vector<1x1x192xbf16> to vector<12x384x192xbf16>
    %mul3A_220 = arith.mulf %slice3A_215, %mul3A_219 : vector<12x384x192xbf16>
    %add3A_221 = arith.addf %add3A_214, %mul3A_220 : vector<12x384x192xbf16>
    %slice3A_222 = vector.extract_strided_slice %slice3A_87 {offsets = [3, 0, 0], sizes = [12, 384, 192], strides = [1, 1, 1]} : vector<16x384x192xbf16> to vector<12x384x192xbf16>
    %slice3A_223 = vector.extract_strided_slice %convert_element_type3A_83 {offsets = [3, 4, 0], sizes = [1, 1, 192], strides = [1, 1, 1]} : vector<5x5x192xbf16> to vector<1x1x192xbf16>
    %squeeze3A_224 = vector.shape_cast %slice3A_223 : vector<1x1x192xbf16> to vector<192xbf16>
    %broadcast_in_dim3A_225 = vector.shape_cast %squeeze3A_224 : vector<192xbf16> to vector<1x1x192xbf16>
    %mul3A_226 = vector.broadcast %broadcast_in_dim3A_225 : vector<1x1x192xbf16> to vector<12x384x192xbf16>
    %mul3A_227 = arith.mulf %slice3A_222, %mul3A_226 : vector<12x384x192xbf16>
    %add3A_228 = arith.addf %add3A_221, %mul3A_227 : vector<12x384x192xbf16>
    %slice3A_229 = vector.extract_strided_slice %slice3A {offsets = [4, 0, 0], sizes = [12, 384, 192], strides = [1, 1, 1]} : vector<16x384x192xbf16> to vector<12x384x192xbf16>
    %slice3A_230 = vector.extract_strided_slice %convert_element_type3A_83 {offsets = [4, 0, 0], sizes = [1, 1, 192], strides = [1, 1, 1]} : vector<5x5x192xbf16> to vector<1x1x192xbf16>
    %squeeze3A_231 = vector.shape_cast %slice3A_230 : vector<1x1x192xbf16> to vector<192xbf16>
    %broadcast_in_dim3A_232 = vector.shape_cast %squeeze3A_231 : vector<192xbf16> to vector<1x1x192xbf16>
    %mul3A_233 = vector.broadcast %broadcast_in_dim3A_232 : vector<1x1x192xbf16> to vector<12x384x192xbf16>
    %mul3A_234 = arith.mulf %slice3A_229, %mul3A_233 : vector<12x384x192xbf16>
    %add3A_235 = arith.addf %add3A_228, %mul3A_234 : vector<12x384x192xbf16>
    %slice3A_236 = vector.extract_strided_slice %slice3A_84 {offsets = [4, 0, 0], sizes = [12, 384, 192], strides = [1, 1, 1]} : vector<16x384x192xbf16> to vector<12x384x192xbf16>
    %slice3A_237 = vector.extract_strided_slice %convert_element_type3A_83 {offsets = [4, 1, 0], sizes = [1, 1, 192], strides = [1, 1, 1]} : vector<5x5x192xbf16> to vector<1x1x192xbf16>
    %squeeze3A_238 = vector.shape_cast %slice3A_237 : vector<1x1x192xbf16> to vector<192xbf16>
    %broadcast_in_dim3A_239 = vector.shape_cast %squeeze3A_238 : vector<192xbf16> to vector<1x1x192xbf16>
    %mul3A_240 = vector.broadcast %broadcast_in_dim3A_239 : vector<1x1x192xbf16> to vector<12x384x192xbf16>
    %mul3A_241 = arith.mulf %slice3A_236, %mul3A_240 : vector<12x384x192xbf16>
    %add3A_242 = arith.addf %add3A_235, %mul3A_241 : vector<12x384x192xbf16>
    %slice3A_243 = vector.extract_strided_slice %slice3A_85 {offsets = [4, 0, 0], sizes = [12, 384, 192], strides = [1, 1, 1]} : vector<16x384x192xbf16> to vector<12x384x192xbf16>
    %slice3A_244 = vector.extract_strided_slice %convert_element_type3A_83 {offsets = [4, 2, 0], sizes = [1, 1, 192], strides = [1, 1, 1]} : vector<5x5x192xbf16> to vector<1x1x192xbf16>
    %squeeze3A_245 = vector.shape_cast %slice3A_244 : vector<1x1x192xbf16> to vector<192xbf16>
    %broadcast_in_dim3A_246 = vector.shape_cast %squeeze3A_245 : vector<192xbf16> to vector<1x1x192xbf16>
    %mul3A_247 = vector.broadcast %broadcast_in_dim3A_246 : vector<1x1x192xbf16> to vector<12x384x192xbf16>
    %mul3A_248 = arith.mulf %slice3A_243, %mul3A_247 : vector<12x384x192xbf16>
    %add3A_249 = arith.addf %add3A_242, %mul3A_248 : vector<12x384x192xbf16>
    %slice3A_250 = vector.extract_strided_slice %slice3A_86 {offsets = [4, 0, 0], sizes = [12, 384, 192], strides = [1, 1, 1]} : vector<16x384x192xbf16> to vector<12x384x192xbf16>
    %slice3A_251 = vector.extract_strided_slice %convert_element_type3A_83 {offsets = [4, 3, 0], sizes = [1, 1, 192], strides = [1, 1, 1]} : vector<5x5x192xbf16> to vector<1x1x192xbf16>
    %squeeze3A_252 = vector.shape_cast %slice3A_251 : vector<1x1x192xbf16> to vector<192xbf16>
    %broadcast_in_dim3A_253 = vector.shape_cast %squeeze3A_252 : vector<192xbf16> to vector<1x1x192xbf16>
    %mul3A_254 = vector.broadcast %broadcast_in_dim3A_253 : vector<1x1x192xbf16> to vector<12x384x192xbf16>
    %mul3A_255 = arith.mulf %slice3A_250, %mul3A_254 : vector<12x384x192xbf16>
    %add3A_256 = arith.addf %add3A_249, %mul3A_255 : vector<12x384x192xbf16>
    %slice3A_257 = vector.extract_strided_slice %slice3A_87 {offsets = [4, 0, 0], sizes = [12, 384, 192], strides = [1, 1, 1]} : vector<16x384x192xbf16> to vector<12x384x192xbf16>
    %slice3A_258 = vector.extract_strided_slice %convert_element_type3A_83 {offsets = [4, 4, 0], sizes = [1, 1, 192], strides = [1, 1, 1]} : vector<5x5x192xbf16> to vector<1x1x192xbf16>
    %squeeze3A_259 = vector.shape_cast %slice3A_258 : vector<1x1x192xbf16> to vector<192xbf16>
    %broadcast_in_dim3A_260 = vector.shape_cast %squeeze3A_259 : vector<192xbf16> to vector<1x1x192xbf16>
    %mul3A_261 = vector.broadcast %broadcast_in_dim3A_260 : vector<1x1x192xbf16> to vector<12x384x192xbf16>
    %mul3A_262 = arith.mulf %slice3A_257, %mul3A_261 : vector<12x384x192xbf16>
    %add3A_263 = arith.addf %add3A_256, %mul3A_262 : vector<12x384x192xbf16>
    %convert_element_type3A_264 = arith.extf %add3A_263 : vector<12x384x192xbf16> to vector<12x384x192xf32>
    %get3A_265 = arith.constant 0 : index
    %get3A_266 = arith.constant 0 : index
    %get3A_267 = vector.load %arg9[%get3A_265, %get3A_266] : memref<1x192xf32, #tpu.memory_space<vmem>>, vector<1x192xf32>
    %broadcast_in_dim3A_268 = vector.shape_cast %get3A_267 : vector<1x192xf32> to vector<1x1x192xf32>
    %add3A_269 = vector.broadcast %broadcast_in_dim3A_268 : vector<1x1x192xf32> to vector<12x384x192xf32>
    %add3A_270 = arith.addf %convert_element_type3A_264, %add3A_269 : vector<12x384x192xf32>
    %mul3A_271 = arith.constant 5.000000e-01 : f32
    %mul3A_272 = vector.broadcast %mul3A_271 : f32 to vector<12x384x192xf32>
    %mul3A_273 = arith.mulf %mul3A_272, %add3A_270 : vector<12x384x192xf32>
    %mul3A_274 = arith.constant 0.707106769 : f32
    %mul3A_275 = vector.broadcast %mul3A_274 : f32 to vector<12x384x192xf32>
    %mul3A_276 = arith.mulf %add3A_270, %mul3A_275 : vector<12x384x192xf32>
    %erf3A_277 = math.erf %mul3A_276 : vector<12x384x192xf32>
    %add3A_278 = arith.constant 1.000000e+00 : f32
    %add3A_279 = vector.broadcast %add3A_278 : f32 to vector<12x384x192xf32>
    %add3A_280 = arith.addf %add3A_279, %erf3A_277 : vector<12x384x192xf32>
    %mul3A_281 = arith.mulf %mul3A_273, %add3A_280 : vector<12x384x192xf32>
    %slice3A_282 = vector.extract_strided_slice %mul3A_74 {offsets = [2, 0, 0], sizes = [12, 384, 192], strides = [1, 1, 1]} : vector<16x384x192xf32> to vector<12x384x192xf32>
    %add3A_283 = arith.addf %slice3A_282, %mul3A_281 : vector<12x384x192xf32>
    %reshape3A_284 = vector.shape_cast %add3A_283 : vector<12x384x192xf32> to vector<4608x192xf32>
    %convert_element_type3A_285 = arith.truncf %reshape3A_284 : vector<4608x192xf32> to vector<4608x192xbf16>
    %get3A_286 = arith.constant 0 : index
    %get3A_287 = arith.constant 0 : index
    %get3A_288 = vector.load %arg10[%get3A_286, %get3A_287] : memref<192x96xbf16, #tpu.memory_space<vmem>>, vector<192x96xbf16>
    %dot_general3A_289 = arith.constant dense<0.000000e+00> : vector<4608x96xf32>
    %dot_general3A_290 = tpu.matmul %convert_element_type3A_285, %get3A_288, %dot_general3A_289 {dimension_numbers = #tpu.dot_dimension_numbers<[1], [0], [0], [1], [0, 0, 1, 1], [], []>, transpose_lhs_hint = false} : vector<4608x192xbf16>, vector<192x96xbf16>, vector<4608x96xf32> -> vector<4608x96xf32>
    %get3A_291 = arith.constant 0 : index
    %get3A_292 = arith.constant 0 : index
    %get3A_293 = vector.load %arg11[%get3A_291, %get3A_292] : memref<1x96xf32, #tpu.memory_space<vmem>>, vector<1x96xf32>
    %add3A_294 = vector.broadcast %get3A_293 : vector<1x96xf32> to vector<4608x96xf32>
    %add3A_295 = arith.addf %dot_general3A_290, %add3A_294 : vector<4608x96xf32>
    %reshape3A_296 = vector.shape_cast %add3A_295 : vector<4608x96xf32> to vector<12x384x96xf32>
    %add3A_297 = arith.addf %reshape3A_296, %get3A_10 : vector<12x384x96xf32>
    %swap3A = arith.constant 0 : index
    %swap3A_298 = arith.constant 0 : index
    %swap3A_299 = arith.constant 0 : index
    %swap3A_300 = arith.constant 0 : index
    %swap3A_301 = vector.load %arg12[%swap3A, %swap3A_298, %swap3A_299, %swap3A_300] : memref<1x12x384x96xf32, #tpu.memory_space<vmem>>, vector<1x12x384x96xf32>
    %swap3A_302 = vector.shape_cast %swap3A_301 : vector<1x12x384x96xf32> to vector<12x384x96xf32>
    %swap3A_303 = vector.shape_cast %add3A_297 : vector<12x384x96xf32> to vector<1x12x384x96xf32>
    tpu.vector_store %arg12[%swap3A, %swap3A_298, %swap3A_299, %swap3A_300], %swap3A_303 {strides = array<i32>} : memref<1x12x384x96xf32, #tpu.memory_space<vmem>>, vector<1x12x384x96xf32>,
    return
  }
  func.func @transform_0(%arg0: i32) -> (i32, i32, i32, i32) {
    %sub3A = arith.constant 1 : i32
    %sub3A_0 = arith.subi %arg0, %sub3A : i32
    %max3A = arith.constant 0 : i32
    %max3A_1 = arith.maxsi %sub3A_0, %max3A : i32
    %c0_i32 = arith.constant 0 : i32
    %c0_i32_2 = arith.constant 0 : i32
    %c0_i32_3 = arith.constant 0 : i32
    %c0_i32_4 = arith.constant 0 : i32
    return %max3A_1, %c0_i32, %c0_i32_2, %c0_i32_3 : i32, i32, i32, i32
  }
  func.func @transform_1(%arg0: i32) -> (i32, i32, i32, i32) {
    %c0_i32 = arith.constant 0 : i32
    %c0_i32_0 = arith.constant 0 : i32
    %c0_i32_1 = arith.constant 0 : i32
    %c0_i32_2 = arith.constant 0 : i32
    return %arg0, %c0_i32, %c0_i32_0, %c0_i32_1 : i32, i32, i32, i32
  }
  func.func @transform_2(%arg0: i32) -> (i32, i32, i32, i32) {
    %add3A = arith.constant 1 : i32
    %add3A_0 = arith.addi %arg0, %add3A : i32
    %min3A = arith.constant 31 : i32
    %min3A_1 = arith.minsi %add3A_0, %min3A : i32
    %c0_i32 = arith.constant 0 : i32
    %c0_i32_2 = arith.constant 0 : i32
    %c0_i32_3 = arith.constant 0 : i32
    %c0_i32_4 = arith.constant 0 : i32
    return %min3A_1, %c0_i32, %c0_i32_2, %c0_i32_3 : i32, i32, i32, i32
  }
  func.func @transform_3(%arg0: i32) -> (i32, i32) {
    %c0_i32 = arith.constant 0 : i32
    %c0_i32_0 = arith.constant 0 : i32
    %c0_i32_1 = arith.constant 0 : i32
    return %c0_i32, %c0_i32_0 : i32, i32
  }
  func.func @transform_4(%arg0: i32) -> (i32, i32) {
    %c0_i32 = arith.constant 0 : i32
    %c0_i32_0 = arith.constant 0 : i32
    %c0_i32_1 = arith.constant 0 : i32
    return %c0_i32, %c0_i32_0 : i32, i32
  }
  func.func @transform_5(%arg0: i32) -> (i32, i32) {
    %c0_i32 = arith.constant 0 : i32
    %c0_i32_0 = arith.constant 0 : i32
    %c0_i32_1 = arith.constant 0 : i32
    return %c0_i32, %c0_i32_0 : i32, i32
  }
  func.func @transform_6(%arg0: i32) -> (i32, i32) {
    %c0_i32 = arith.constant 0 : i32
    %c0_i32_0 = arith.constant 0 : i32
    %c0_i32_1 = arith.constant 0 : i32
    return %c0_i32, %c0_i32_0 : i32, i32
  }
  func.func @transform_7(%arg0: i32) -> (i32, i32, i32) {
    %c0_i32 = arith.constant 0 : i32
    %c0_i32_0 = arith.constant 0 : i32
    %c0_i32_1 = arith.constant 0 : i32
    %c0_i32_2 = arith.constant 0 : i32
    return %c0_i32, %c0_i32_0, %c0_i32_1 : i32, i32, i32
  }
  func.func @transform_8(%arg0: i32) -> (i32, i32) {
    %c0_i32 = arith.constant 0 : i32
    %c0_i32_0 = arith.constant 0 : i32
    %c0_i32_1 = arith.constant 0 : i32
    return %c0_i32, %c0_i32_0 : i32, i32
  }
  func.func @transform_9(%arg0: i32) -> (i32, i32) {
    %c0_i32 = arith.constant 0 : i32
    %c0_i32_0 = arith.constant 0 : i32
    %c0_i32_1 = arith.constant 0 : i32
    return %c0_i32, %c0_i32_0 : i32, i32
  }
  func.func @transform_10(%arg0: i32) -> (i32, i32) {
    %c0_i32 = arith.constant 0 : i32
    %c0_i32_0 = arith.constant 0 : i32
    %c0_i32_1 = arith.constant 0 : i32
    return %c0_i32, %c0_i32_0 : i32, i32
  }
  func.func @transform_11(%arg0: i32) -> (i32, i32, i32, i32) {
    %c0_i32 = arith.constant 0 : i32
    %c0_i32_0 = arith.constant 0 : i32
    %c0_i32_1 = arith.constant 0 : i32
    %c0_i32_2 = arith.constant 0 : i32
    return %arg0, %c0_i32, %c0_i32_0, %c0_i32_1 : i32, i32, i32, i32
  }
}

</mosaic_0001>

<sc_bundles>
// kernel: kernel.5.cloned.1.call-start
scs
__scs_entry_jumppad:
0x0: {  	(pc) =	sbr.rel $0x88, $3  }
0x1: {  	(tag) =	ssettag $0x0;
	lr =	simm.s32 $0x1  }
0x2: {  	[smem:$0x3F90] =	sst lr;
	_ =	strace $0xD0000000  }
0x3: {  	_ = 	snop  }
0x4: {  	_ = 	snop  }
0x5: {  	_ = 	snop  }
0x6: {  	_ = 	snop  }
0x7: {  	_ = 	snop  }
__scs_overlays_trampoline_lowered:
0x8: {  	[smem:$0x3F9F] =	sst s0  }
0x9: {  	[smem:$0x3FA0] =	sst s1  }
0xa: {  	[smem:$0x3FA1] =	sst s2  }
0xb: {  	[smem:$0x3FA2] =	sst s3  }
0xc: {  	[smem:$0x3FA3] =	sst s4  }
0xd: {  	[smem:$0x3FA4] =	sst s5  }
0xe: {  	[smem:$0x3FA5] =	sst s6  }
0xf: {  	[smem:$0x3FA6] =	sst s7  }
0x10: {  	[smem:$0x3FA7] =	sst s8  }
0x11: {  	[smem:$0x3FA8] =	sst s9;
	s0 =	simm.s32 @!p0 $0x0  }
0x12: {  	s1 =	sld [smem:$0x3F8E];
	s0 =	simm.s32 @p0 $0x1  }
0x13: {  	[smem:$0x3FA9] =	sst s0;
	s0 =	simm.s32 @!p1 $0x0  }
0x14: {  	s2 =	sld [smem:$0x3F8D];
	s0 =	simm.s32 @p1 $0x1  }
0x15: {  	[smem:$0x3FAA] =	sst s0;
	s0 =	simm.s32 @!p2 $0x0  }
0x16: {  	s3 =	sld [smem:$0x3FDB];
	s0 =	simm.s32 @p2 $0x1  }
0x17: {  	s4 =	simm.s32 $0x1BF5;
	[smem:$0x3FAC] =	sst s0  }
0x18: {  	s0 =	sld [smem:$0x3F8F];
	_ =	swait.ge [sflag:s4], $0x0  }
0x19: {  	s7 =	sld [smem:$0x3F90]  }
0x1a: {  	s8 =	sadd.s32 $0xFFFFE003, lr  }
0x1b: {  	s9 =	sadd.s32 $0xFFFFFEF7, lr;
	s5 =	simm.s32 $0xFFFFFFFF;
	p2 =	slt.u32 s8, $0xFFFFF086  }
0x1c: {  	p1 =	slt.u32 s9, $0xF7A;
	s5 =	simm.s32 @!p2 $0x0  }
0x1d: {  	s5 =	simm.s32 @p1 $0x1;
	p0 =	seq.s32 s7, s2  }
0x1e: {  	s7 =	smul.u32 @!p0 $0xF7A, s2;
	p2 =	seq.s32 @!p0 s5, $0x0  }
0x1f: {  	s9 =	smul.u32 $0xF7A, s1;
	s8 =	simm.s32 @!p0 $0x1BF5;
	p2 =	por !p2, p0  }
0x20: {  	[sflag:s8] =	ssyncset.s32 @!p0 $0xFFFFF086;
	s6 =	sadd.s32 @!p0 s3, s7;
	s7 =	simm.s32 @!p0 $0x108  }
0x21: {  	s3 =	sadd.s32 s3, s9;
	s6 =	sadd.s32 @!p0 $0x88, s6;
	s7 =	simm.s32 @p2 $0x1082  }
0x22: {  	[simem:s7], [sflag:s8] =	dma.local @!p0 [hbm:s6], $0xF7A  }
0x23: {  	s9 =	sor.u32 $0xD0000000, s2;
	s6 =	simm.s32 $0x108;
	_ =	swait.ge @!p0 [sflag:s8], $0x0  }
0x24: {  	s3 =	sadd.s32 $0x88, s3;
	s6 =	simm.s32 @!p1 $0x1082;
	[sflag:s4] =	ssyncset.s32 $0xFFFFF086  }
0x25: {  	[simem:s6], [sflag:s4] =	dma.local [hbm:s3], $0xF7A  }
0x26: {  	[smem:$0x3F90] =	sst s1;
	(tag) =	ssettag s2;
	_ =	strace s9  }
0x27: {  	s1 =	sld [smem:$0x3FA0]  }
0x28: {  	s2 =	sld [smem:$0x3FA1]  }
0x29: {  	s4 =	sld [smem:$0x3FA3]  }
0x2a: {  	p0 =	seq.s32 s5, $0x0;
	s5 =	sld [smem:$0x3FA4]  }
0x2b: {  	s6 =	sld [smem:$0x3FA5]  }
0x2c: {  	s7 =	sld [smem:$0x3FA6]  }
0x2d: {  	s3 =	simm.s32 $0x108;
	s8 =	sld [smem:$0x3FA7]  }
0x2e: {  	s3 =	simm.s32 @!p0 $0x1082;
	s9 =	sld [smem:$0x3FA8]  }
0x2f: {  	lr =	sadd.s32 s0, s3;
	s0 =	sld [smem:$0x3F9F]  }
0x30: {  	s3 =	sld [smem:$0x3FA2]  }
0x31: {  	[smem:$0x3FAB] =	sst s10  }
0x32: {  	s10 =	sld [smem:$0x3FA9];
	_ =	sdelay $0x3  }
0x33: {  	p0 =	seq.s32 s10, $0x1;
	s10 =	sld [smem:$0x3FAB];
	_ =	sdelay $0x3  }
0x34: {  	[smem:$0x3FAB] =	sst s10  }
0x35: {  	s10 =	sld [smem:$0x3FAA];
	_ =	sdelay $0x3  }
0x36: {  	p1 =	seq.s32 s10, $0x1;
	s10 =	sld [smem:$0x3FAB];
	_ =	sdelay $0x3  }
0x37: {  	[smem:$0x3FAB] =	sst s10  }
0x38: {  	s10 =	sld [smem:$0x3FAC]  }
0x39: {  	_ = 	snop;
	(pc) =	sbr.ind lr, $3  }
0x3a: {  	_ = 	snop  }
0x3b: {  	_ = 	snop  }
0x3c: {  	p2 =	seq.s32 s10, $0x1;
	s10 =	sld [smem:$0x3FAB]  }
0x3d: {  	_ =	shalt  }
0x3e: {  	_ =	shalt  }
0x3f: {  	_ =	shalt  }
0x40: {  	_ =	shalt  }
0x41: {  	_ =	shalt  }
0x42: {  	_ =	shalt  }
0x43: {  	_ =	shalt  }
0x44: {  	_ =	shalt  }
0x45: {  	_ =	shalt  }
0x46: {  	_ =	shalt  }
0x47: {  	_ =	shalt  }
0x48: {  	_ =	shalt  }
0x49: {  	_ =	shalt  }
0x4a: {  	_ =	shalt  }
0x4b: {  	_ =	shalt  }
0x4c: {  	_ =	shalt  }
0x4d: {  	_ =	shalt  }
0x4e: {  	_ =	shalt  }
0x4f: {  	_ =	shalt  }
0x50: {  	_ =	shalt  }
0x51: {  	_ =	shalt  }
0x52: {  	_ =	shalt  }
0x53: {  	_ =	shalt  }
0x54: {  	_ =	shalt  }
0x55: {  	_ =	shalt  }
0x56: {  	_ =	shalt  }
0x57: {  	_ =	shalt  }
0x58: {  	_ =	shalt  }
0x59: {  	_ =	shalt  }
0x5a: {  	_ =	shalt  }
0x5b: {  	_ =	shalt  }
0x5c: {  	_ =	shalt  }
0x5d: {  	_ =	shalt  }
0x5e: {  	_ =	shalt  }
0x5f: {  	_ =	shalt  }
0x60: {  	_ =	shalt  }
0x61: {  	_ =	shalt  }
0x62: {  	_ =	shalt  }
0x63: {  	_ =	shalt  }
0x64: {  	_ =	shalt  }
0x65: {  	_ =	shalt  }
0x66: {  	_ =	shalt  }
0x67: {  	_ =	shalt  }
0x68: {  	_ =	shalt  }
0x69: {  	_ =	shalt  }
0x6a: {  	_ =	shalt  }
0x6b: {  	_ =	shalt  }
0x6c: {  	_ =	shalt  }
0x6d: {  	_ =	shalt  }
0x6e: {  	_ =	shalt  }
0x6f: {  	_ =	shalt  }
0x70: {  	_ =	shalt  }
0x71: {  	_ =	shalt  }
0x72: {  	_ =	shalt  }
0x73: {  	_ =	shalt  }
0x74: {  	_ =	shalt  }
0x75: {  	_ =	shalt  }
0x76: {  	_ =	shalt  }
0x77: {  	_ =	shalt  }
0x78: {  	_ =	shalt  }
0x79: {  	_ =	shalt  }
0x7a: {  	_ =	shalt  }
0x7b: {  	_ =	shalt  }
0x7c: {  	_ =	shalt  }
0x7d: {  	_ =	shalt  }
0x7e: {  	_ =	shalt  }
0x7f: {  	_ =	shalt  }
0x80: {  	_ =	shalt  }
0x81: {  	_ =	shalt  }
0x82: {  	_ =	shalt  }
0x83: {  	_ =	shalt  }
0x84: {  	_ =	shalt  }
0x85: {  	_ =	shalt  }
0x86: {  	_ =	shalt  }
0x87: {  	_ =	shalt  }
.Lfunc_end0:
.L_simem_size_0:
called_computation.1_lowered:
.L_overlay_start_0:
0x88: {  	s2 =	sld [smem:$0x3FD9]  }
0x89: {  	s3 =	sld [smem:$0x3FFE];
	_ =	sdelay $0x1  }
0x8a: {  	s1 =	srdreg.scid  }
0x8b: {  	s0 =	sand.u32 $0x1, s1  }
0x8c: {  	s17 =	sshll.u32 s0, $0xA;
	s2 =	sadd.s32 s3, s2  }
0x8d: {  	s2 =	sadd.s32 s2, s17  }
0x8e: {  	[smem:$0x3FB7] =	sst s2  }
0x8f: {  	_ = 	snop  }
0x90: {  	s2 =	sld [smem:$0x3FD0];
	(tm) =	ssettm $0x1  }
0x91: {  	s18 =	sld [smem:$0x3FFB];
	_ =	sdelay $0x3  }
0x92: {  	_ =	strace s18  }
0x93: {  	s3 =	sld [smem:$0x3FFC];
	_ =	sdelay $0x3  }
0x94: {  	_ =	strace s3  }
0x95: {  	s3 =	sld [smem:$0x3FFD];
	_ =	sdelay $0x3  }
0x96: {  	_ =	strace s3  }
0x97: {  	_ =	strace $0x8FFFFFFF  }
0x98: {  	s19 =	sld [smem:$0x3FDB];
	_ =	sdelay $0x1  }
0x99: {  	s4 =	simm.s32 $_scs_section_size  }
0x9a: {  	s5 =	simm.s32 $_size__tile_overlayer_lowered;
	s6 =	simm.s32 $_tile_overlayer_lowered  }
0x9b: {  	s22 =	simm.s32 $0x1BFF;
	s21 =	sshll.u32 s6, $0x1;
	s3 =	sadd.s32 s4, s19  }
0x9c: {  	s7 =	simm.s32 $0x0;
	s20 =	sshll.u32 s5, $0x1;
	s5 =	sadd.s32 s21, s3  }
0x9d: {  	[timem:s7], [sflag:s22] =	dma.local [hbm:s5], s20  }
0x9e: {  	_ =	swait.ge [sflag:s22], s20  }
0x9f: {  	s4 =	ssub.s32 $0x0, s20;
	[sflag:s22] =	ssyncset.done $0x0  }
0xa0: {  	[sflag:s22] =	ssyncadd.s32 s4;
	_ =	sdelay $0x1  }
0xa1: {  	s23 =	simm.s32 $0x1B8B  }
0xa2: {  	_ =	swait.ge [sflag:s23], $0x1  }
0xa3: {  	[sflag:s23] =	ssyncset.done $0x0  }
0xa4: {  	s25 =	simm.s32 $0x1B8E;
	s24 =	sld [smem:$0x3FFE];
	[sflag:s23] =	ssyncadd.s32 $0xFFFFFFFF  }
0xa5: {  	s26 =	simm.s32 $execute0_lowered;
	[smem:$0x3FD2] =	sst s25  }
0xa6: {  	s5 =	sshll.u32 s26, $0x1;
	_ =	strace $0x80000046;
	[dreg:$0x1] =	wrdreg $0xFFFFFFFF  }
0xa7: {  	s28 =	simm.s32 $_size_execute0_lowered;
	s3 =	sadd.s32 s3, s5;
	[dreg:$0x0] =	wrdreg $0x0  }
0xa8: {  	s5 =	sshll.u32 s28, $0x1;
	[dreg:$0x2] =	wrdreg s3  }
0xa9: {  	[dreg:$0x3] =	wrdreg s5  }
0xaa: {  	[dreg:$0x4] =	wrdreg $0xC0  }
0xab: {  	_ =	task [dreg:s7], $0x5FFFF  }
0xac: {  	[dreg:$0x1] =	wrdreg $0xFFFFFFFF  }
0xad: {  	[dreg:$0x0] =	wrdreg $0x60  }
0xae: {  	[dreg:$0x2] =	wrdreg s24  }
0xaf: {  	[dreg:$0x3] =	wrdreg s2  }
0xb0: {  	[dreg:$0x4] =	wrdreg $0x9  }
0xb1: {  	_ =	task.clear_ibuf [dreg:s7], $0x5FFFF;
	_ =	strace $0x90000046  }
0xb2: {  	s29 =	simm.s32 $0x9;
	_ =	strace $0x80000048  }
0xb3: {  	_ =	swait.ge [sflag:s29], $0x1  }
0xb4: {  	[sflag:s29] =	ssyncadd.s32 $0xFFFFFFFF  }
0xb5: {  	_ =	strace $0x90000048  }
0xb6: {  	_ =	sfence  }
0xb7: {  	s30 =	sld [smem:$0x0];
	_ =	sdelay $0x2  }
0xb8: {  	s31 =	sshll.u32 s1, $0xD;
	s1 =	sshrl.u32 s1, $0x2  }
0xb9: {  	s3 =	sand.u32 $0x4000, s31;
	s1 =	sadd.s32 s1, s30  }
0xba: {  	s0 =	sor.u32 s3, s0;
	s1 =	sshll.u32 s1, $0x11  }
0xbb: {  	s0 =	sor.u32 s1, s0  }
0xbc: {  	s0 =	sadd.s32 $0x8F2B, s0  }
0xbd: {  	[sflag:s0] =	ssyncadd.remote.s32 $0x1  }
0xbe: {  	_ =	sfence.sel $0xFFFF  }
0xbf: {  	[dreg:$0x0] =	wrdreg $0xFFFFFFFF;
	(pc) =	sbr.abs _section_cstart, $3  }
0xc0: {  	[dreg:$0x1] =	wrdreg $0xFFFFFFFF  }
0xc1: {  	_ =	task.clear_ibuf [dreg:s7], $0x2FFFF;
	_ =	strace $0x9FFFFFFF  }
0xc2: {  	(tm) =	ssettm $0x7FFFFFFF  }
0xc3: {  	_ =	shalt  }
tec
execute0_lowered:
.L_overlay_start_1:
0x0: {  	(tag) =	ssettag $0x1  }
0x1: {  	s1 =	srdreg.scid;
	s0 =	stileid.u32  }
0x2: {  	s6 =	sand.u32 $0x1, s1;
	s30 =	sshll.u32 s0, $0x1  }
0x3: {  	s5 =	rddreg [dreg:$0x0];
	s9 =	sor.u32 s6, s30  }
0x4: {  	s10 =	rddreg [dreg:$0x1];
	s2 =	simm.s32 $0x0;
	s3 =	smul.u32 $0x51, s9  }
0x5: {  	s7 =	simm.s32 $0x300;
	[smem:$0x7FF] =	sst s2  }
0x6: {  	s1 =	rddreg [dreg:$0x2];
	_ =	strace $0x80000047;
	s3 =	sadd.s32 s3, s5  }
0x7: {  	s11 =	ssub.s32 $0x2, s6;
	s4 =	sadd.s32 $0x2A00, s3;
	s3 =	simm.s32 $0x2  }
0x8: {  	[tilespmem:s2], [sflag:$0x2] =	stream.linear.gather [hbm4b:s4+s2], $0x288, $0x38;
	[tilespmem:$0x14700] =	vst v63  }
0x9: {  	s8 =	simm.s32 $0x1;
	s12 =	sshrl.u32 s11, $0x1;
	_ =	swait.ge [sflag:s3], $0x288  }
0xa: {  	s6 =	simm.s32 $0x288;
	s11 =	ssub.s32 s11, s12;
	[sflag:s3] =	ssyncset.done $0x0  }
0xb: {  	s5 =	sadd.s32 $0x3600, s5;
	s31 =	smax.u32 s11, $0x1;
	[sflag:s3] =	ssyncadd.s32 $0xFFFFFD78  }
0xc: {  	[tilespmem:s7], [sflag:$0x1] =	stream.indirect.gather [hbm4b:s5+s6], $0x80, s2, s6, $0xb8;
	[tilespmem:$0x14700] =	vst v63  }
0xd: {  	s9 =	smul.u32 $0x2880, s9;
	p0 =	sne.s32 s31, $0x1;
	_ =	swait.ge [sflag:s8], $0x14400  }
.Ltmp0:
0xe: {  	[sflag:s8] =	ssyncset.done $0x0;
	(pc) =	sbr.rel @!p0 .LBB2_2-.Ltmp0, $4  }
0xf: {  	s9 =	sadd.s32 s10, s9;
	[sflag:s8] =	ssyncadd.s32 $0xFFFEBC00  }
0x10: {  	[hbm4b:s9+s2] =	stream.linear.scatter [tilespmem:s7], [sflag:$0x2], $0x14400, $0x38;
	[tilespmem:$0x14700] =	vst v63  }
0x11: {  	_ =	swait.ge [sflag:s3], $0x14400  }
0x12: {  	s10 =	sadd.s32 $0xFFFFFFFF, s31;
	[sflag:s3] =	ssyncset.done $0x0  }
.LBB2_1:
0x13: {  	p0 =	sne.s32 s10, $0x1;
	s10 =	sadd.s32 $0xFFFFFFFF, s10;
	[sflag:s3] =	ssyncadd.s32 $0xFFFEBC00  }
0x14: {  	[tilespmem:s2], [sflag:$0x2] =	stream.linear.gather [hbm4b:s4+s2], $0x288, $0x38;
	[tilespmem:$0x14700] =	vst v63  }
0x15: {  	_ =	swait.ge [sflag:s3], $0x288  }
0x16: {  	[sflag:s3] =	ssyncset.done $0x0  }
0x17: {  	[sflag:s3] =	ssyncadd.s32 $0xFFFFFD78  }
0x18: {  	[tilespmem:s7], [sflag:$0x1] =	stream.indirect.gather [hbm4b:s5+s6], $0x80, s2, s6, $0xb8;
	[tilespmem:$0x14700] =	vst v63  }
0x19: {  	_ =	swait.ge [sflag:s8], $0x14400  }
.Ltmp1:
0x1a: {  	[sflag:s8] =	ssyncset.done $0x0;
	(pc) =	sbr.rel @p0 .LBB2_1-.Ltmp1, $4  }
0x1b: {  	[sflag:s8] =	ssyncadd.s32 $0xFFFEBC00  }
0x1c: {  	[hbm4b:s9+s2] =	stream.linear.scatter [tilespmem:s7], [sflag:$0x2], $0x14400, $0x38;
	[tilespmem:$0x14700] =	vst v63  }
0x1d: {  	_ =	swait.ge [sflag:s3], $0x14400  }
0x1e: {  	[sflag:s3] =	ssyncset.done $0x0  }
.LBB2_2:
0x1f: {  	[sflag:s3] =	ssyncadd.s32 $0xFFFEBC00  }
0x20: {  	_ =	sfence.sel $0x180000  }
0x21: {  	[bflag:$0x0] =	sbarrier.arrive $0xFFFF  }
0x22: {  	p0 =	sne.s32 s0, $0x0;
	_ =	strace $0x90000047  }
0x23: {  	s0 =	sadd.s32 @!p0 $0x100000, s1;
	[bflag:$0x2] =	sbarrier.arrive $0xFFFF  }
0x24: {  	[sflag:s0] =	ssyncadd.tile.s32 @!p0 $0x1;
	_ =	shalt  }
.Lfunc_end2:
_tile_overlayer_lowered:
.L_overlay_start_2:
0x25: {  	(tag) =	ssettag $0x2  }
0x26: {  	s0 =	rddreg [dreg:$0x0];
	s2 =	stileid.u32  }
0x27: {  	s1 =	rddreg [dreg:$0x1];
	p0 =	sne.s32 s2, $0x0  }
0x28: {  	s3 =	rddreg [dreg:$0x2];
	[bflag:$0x3] =	sbarrier.arrive $0xFFFF;
	s2 =	simm.s32 @!p0 $0x1C02  }
0x29: {  	[timem:s3], [sflag:s2] =	dma.local @!p0 [hbm:s0], s1  }
0x2a: {  	s0 =	simm.s32 @!p0 $0x2  }
0x2b: {  	_ =	swait.ge @!p0 [sflag:s0], s1  }
0x2c: {  	s1 =	ssub.s32 @!p0 $0x0, s1;
	[sflag:s0] =	ssyncset.done @!p0 $0x0  }
0x2d: {  	[sflag:s0] =	ssyncadd.s32 @!p0 s1  }
0x2e: {  	[bflag:$0x3] =	sbarrier.arrive $0xFFFF  }
0x2f: {  	_ =	shalt  }

// kernel: sparse-core-data-format-call.cloned.1.call-start
scs
called_computation_lowered:
.L_overlay_start_0:
0x0: {  	s2 =	sld [smem:$0x3FD9]  }
0x1: {  	s3 =	sld [smem:$0x3FFE];
	_ =	sdelay $0x1  }
0x2: {  	s1 =	srdreg.scid  }
0x3: {  	s0 =	sand.u32 $0x1, s1  }
0x4: {  	s18 =	sshll.u32 s0, $0xA;
	s2 =	sadd.s32 s3, s2  }
0x5: {  	s2 =	sadd.s32 s2, s18  }
0x6: {  	[smem:$0x3FB7] =	sst s2  }
0x7: {  	_ = 	snop  }
0x8: {  	s2 =	sld [smem:$0x3FD0];
	(tm) =	ssettm $0x1  }
0x9: {  	s19 =	sld [smem:$0x3FFB];
	_ =	sdelay $0x3  }
0xa: {  	_ =	strace s19  }
0xb: {  	s3 =	sld [smem:$0x3FFC];
	_ =	sdelay $0x3  }
0xc: {  	_ =	strace s3  }
0xd: {  	s3 =	sld [smem:$0x3FFD];
	_ =	sdelay $0x3  }
0xe: {  	_ =	strace s3  }
0xf: {  	_ =	strace $0x8FFFFFFF  }
0x10: {  	s20 =	sld [smem:$0x3FDB];
	_ =	sdelay $0x1  }
0x11: {  	s4 =	simm.s32 $_scs_section_size  }
0x12: {  	s5 =	simm.s32 $_size__tile_overlayer_lowered;
	s6 =	simm.s32 $_tile_overlayer_lowered  }
0x13: {  	s23 =	simm.s32 $0x1BFF;
	s22 =	sshll.u32 s6, $0x1;
	s3 =	sadd.s32 s4, s20  }
0x14: {  	s7 =	simm.s32 $0x0;
	s21 =	sshll.u32 s5, $0x1;
	s5 =	sadd.s32 s22, s3  }
0x15: {  	[timem:s7], [sflag:s23] =	dma.local [hbm:s5], s21  }
0x16: {  	_ =	swait.ge [sflag:s23], s21  }
0x17: {  	s4 =	ssub.s32 $0x0, s21;
	[sflag:s23] =	ssyncset.done $0x0  }
0x18: {  	[sflag:s23] =	ssyncadd.s32 s4;
	_ =	sdelay $0x1  }
0x19: {  	s24 =	simm.s32 $0x1B8B  }
0x1a: {  	_ =	swait.ge [sflag:s24], $0x1  }
0x1b: {  	[sflag:s24] =	ssyncset.done $0x0  }
0x1c: {  	s26 =	simm.s32 $0x1B8E;
	s25 =	sld [smem:$0x3FFE];
	[sflag:s24] =	ssyncadd.s32 $0xFFFFFFFF  }
0x1d: {  	s27 =	simm.s32 $execute0_lowered;
	[smem:$0x3FD2] =	sst s26  }
0x1e: {  	s5 =	sshll.u32 s27, $0x1;
	_ =	strace $0x80000049;
	[dreg:$0x1] =	wrdreg $0xFFFFFFFF  }
0x1f: {  	s28 =	simm.s32 $_size_execute0_lowered;
	s3 =	sadd.s32 s3, s5;
	[dreg:$0x0] =	wrdreg $0x0  }
0x20: {  	s5 =	sshll.u32 s28, $0x1;
	[dreg:$0x2] =	wrdreg s3  }
0x21: {  	[dreg:$0x3] =	wrdreg s5  }
0x22: {  	[dreg:$0x4] =	wrdreg $0xC0  }
0x23: {  	_ =	task [dreg:s7], $0x5FFFF  }
0x24: {  	[dreg:$0x1] =	wrdreg $0xFFFFFFFF  }
0x25: {  	[dreg:$0x0] =	wrdreg $0x60  }
0x26: {  	[dreg:$0x2] =	wrdreg s25  }
0x27: {  	[dreg:$0x3] =	wrdreg s2  }
0x28: {  	[dreg:$0x4] =	wrdreg $0x9  }
0x29: {  	_ =	task.clear_ibuf [dreg:s7], $0x5FFFF;
	_ =	strace $0x90000049  }
0x2a: {  	s29 =	simm.s32 $0x9;
	_ =	strace $0x8000004B  }
0x2b: {  	_ =	swait.ge [sflag:s29], $0x1  }
0x2c: {  	[sflag:s29] =	ssyncadd.s32 $0xFFFFFFFF  }
0x2d: {  	_ =	strace $0x9000004B  }
0x2e: {  	_ =	sfence  }
0x2f: {  	s30 =	sld [smem:$0x0];
	_ =	sdelay $0x2  }
0x30: {  	s31 =	sshll.u32 s1, $0xD;
	s1 =	sshrl.u32 s1, $0x2  }
0x31: {  	s3 =	sand.u32 $0x4000, s31;
	s1 =	sadd.s32 s1, s30  }
0x32: {  	s0 =	sor.u32 s3, s0;
	s1 =	sshll.u32 s1, $0x11  }
0x33: {  	s0 =	sor.u32 s1, s0  }
0x34: {  	s0 =	sadd.s32 $0x8F2B, s0  }
0x35: {  	[sflag:s0] =	ssyncadd.remote.s32 $0x1  }
0x36: {  	_ =	sfence.sel $0xFFFF  }
0x37: {  	[dreg:$0x0] =	wrdreg $0xFFFFFFFF;
	(pc) =	sbr.abs _section_cstart, $3  }
0x38: {  	[dreg:$0x1] =	wrdreg $0xFFFFFFFF  }
0x39: {  	_ =	task.clear_ibuf [dreg:s7], $0x2FFFF;
	_ =	strace $0x9FFFFFFF  }
0x3a: {  	(tm) =	ssettm $0x7FFFFFFF  }
0x3b: {  	_ =	shalt  }
tec
execute0_lowered:
.L_overlay_start_1:
0x0: {  	(tag) =	ssettag $0x1  }
0x1: {  	s0 =	srdreg.scid  }
0x2: {  	s5 =	rddreg [dreg:$0x0];
	s1 =	sshll.u32 s0, $0x4  }
0x3: {  	s2 =	rddreg [dreg:$0x1];
	s0 =	stileid.u32;
	s1 =	sand.u32 $0x10, s1  }
0x4: {  	s4 =	simm.s32 $0x1;
	s8 =	simm.s32 $0x2;
	s1 =	sor.u32 s0, s1  }
0x5: {  	s12 =	simm.s32 $0x0;
	s9 =	simm.s32 $0x0;
	s3 =	sshll.u32 s1, $0x7  }
0x6: {  	s11 =	simm.s32 $0x0;
	s5 =	sadd.s32 $0x2A00, s5;
	s6 =	ssub.s32 $0x24000, s3  }
.Ltmp0:
0x7: {  	s1 =	rddreg [dreg:$0x2];
	s7 =	sand.u32 $0xF80, s6;
	(pc) =	sbr.rel .LBB1_1-.Ltmp0, $4  }
0x8: {  	_ =	strace $0x8000004A;
	p0 =	sne.s32 s7, $0x0;
	s7 =	simm.s32 $0x1  }
0x9: {  	[sflag:s4] =	ssyncpa.u1 $0x0;
	s6 =	sshrl.u32 s6, $0xC;
	s7 =	simm.s32 @!p0 $0x0  }
0xa: {  	s10 =	smov.u32 s3;
	[sflag:s8] =	ssyncpa.u1 $0x0;
	s6 =	sadd.s32 s7, s6  }
0xb: {  	s8 =	simm.s32 $0x120000;
	p0 =	por $0x0, $0x0;
	s7 =	sadd.s32 $0x1, s6  }
.LBB1_4:
0xc: {  	s18 =	sshll.u32 s9, $0x3  }
0xd: {  	s19 =	sand.u32 $0x7F, s9;
	s20 =	sand.u32 $0xFFFFFC00, s18;
	s18 =	smulhi.u32 $0x38E38E39, s18  }
0xe: {  	v5 =	vld [tilespmem:s14+$0xFFFFFFD0];
	[tilespmem:s16+$0x2040 ss:$0x81] =	vst.msk $0xffff, v3;
	s19 =	sor.u32 s19, s20  }
0xf: {  	v58 =	vld [tilespmem:s14+$0xFFFFFFE0];
	[tilespmem:s16+$0x2850 ss:$0x81] =	vst.msk $0xffff, v4;
	s20 =	smulhi.u32 $0x38E38E39, s19;
	s18 =	sshrl.u32 s18, $0xF  }
0x10: {  	s17 =	sshra.s32 s17, $0x2;
	v59 =	vld [tilespmem:s14+$0xFFFFFFF0];
	[tilespmem:s16+$0x3060 ss:$0x81] =	vst.msk $0xffff, v2;
	p1 =	sgt.s32 s9, $0x23F80;
	s21 =	smul.u32 $0x2AAB, s18  }
0x11: {  	v60 =	vld [tilespmem:s14+$0x0];
	[tilespmem:s16+$0x0 ss:$0x81] =	vst.msk $0xffff, v0;
	s26 =	sshra.s32 s9, $0x1F;
	s15 =	sadd.s32 s17, s15;
	s20 =	sshrl.u32 s20, $0xF  }
0x12: {  	v61 =	vld [tilespmem:s14+$0x10];
	[tilespmem:s15+$0x3870 ss:$0x81] =	vst.msk $0xffff, v1;
	s24 =	smul.u32 $0x24000, s20;
	s25 =	sshrl.u32 s21, $0x14;
	s20 =	smov.u32 s9  }
0x13: {  	v62 =	vld [tilespmem:s14+$0x20];
	[tilespmem:s15+$0x810 ss:$0x81] =	vst.msk $0xffff, v5;
	s21 =	sand.u32 s26, s9;
	s17 =	smul.u32 $0x60, s25;
	s20 =	simm.s32 @!p1 $0x23F80  }
0x14: {  	v63 =	vld [tilespmem:s14+$0xFFFFFFC0];
	[tilespmem:s15+$0x1020 ss:$0x81] =	vst.msk $0xffff, v58;
	s27 =	ssub.s32 s19, s24;
	s28 =	ssub.s32 s20, s21  }
0x15: {  	[tilespmem:s15+$0x1830 ss:$0x81] =	vst.msk $0xffff, v59;
	s17 =	ssub.s32 s18, s17;
	s29 =	sadd.s32 $0xFFFDC080, s28;
	s16 =	ssub.s32 $0x24000, s28  }
0x16: {  	[tilespmem:s15+$0x2040 ss:$0x81] =	vst.msk $0xffff, v60;
	s30 =	sshrl.u32 s27, $0x3;
	s17 =	sand.u32 $0xFFFF, s17;
	s16 =	smul.u32 $0x60, s16  }
0x17: {  	[tilespmem:s15+$0x2850 ss:$0x81] =	vst.msk $0xffff, v61;
	s14 =	sand.u32 $0x7, s27;
	p1 =	sgt.s32 s29, $0x7F;
	s17 =	smul.u32 $0x4800, s17  }
0x18: {  	[tilespmem:s15+$0x3060 ss:$0x81] =	vst.msk $0xffff, v62;
	s18 =	sadd.s32 s2, s30;
	s14 =	sshll.u32 s14, $0x12;
	s16 =	sand.u32 $0x3FFFFFE0, s16  }
0x19: {  	[tilespmem:s15+$0x0 ss:$0x81] =	vst.msk $0xffff, v63;
	s14 =	sor.u32 $0x400, s14;
	s16 =	simm.s32 @p1 $0x0;
	s31 =	sadd.s32 s17, s18  }
0x1a: {  	[hbm4b:s31+s14] =	stream.strided.scatter [tilespmem:s13], [sflag:$0x2], s16, s8, s14, $0x20;
	[tilespmem:$0x10100] =	vst v63  }
.LBB1_5:
0x1b: {  	p1 =	slt.u32 s11, $0x2  }
0x1c: {  	p2 =	sgt.s32 @!p1 s12, $0x23F80  }
0x1d: {  	s13 =	smov.u32 s12;
	s14 =	sshra.s32 @!p1 s12, $0x1F;
	p2 =	por !p2, p1  }
0x1e: {  	s12 =	sand.u32 @!p1 s14, s12;
	s13 =	simm.s32 @p2 $0x23F80  }
0x1f: {  	s12 =	ssub.s32 @!p1 s13, s12  }
0x20: {  	s13 =	ssub.s32 @!p1 $0x24000, s12  }
0x21: {  	s12 =	sadd.s32 @!p1 $0xFFFDC080, s12;
	s13 =	smul.u32 @!p1 $0x60, s13  }
0x22: {  	p2 =	sgt.s32 @!p1 s12, $0x7F  }
0x23: {  	s14 =	sadd.s32 $0x1000, s10;
	p2 =	por !p2, p1;
	s12 =	sand.u32 @!p1 $0x3FFFFFE0, s13  }
0x24: {  	s12 =	simm.s32 @!p2 $0x0;
	p2 =	sgt.s32 s14, $0x23FFF  }
0x25: {  	s14 =	smov.u32 @p2 s3;
	p2 =	sne.s32 s11, s7  }
.Ltmp1:
0x26: {  	_ = 	snop;
	(pc) =	sbr.rel @!p2 .LBB1_6-.Ltmp1, $4  }
0x27: {  	s13 =	simm.s32 @!p1 $0x2  }
0x28: {  	p0 =	por !p0, !p0;
	_ =	swait.ge @!p1 [sflag:s13], s12;
	s15 =	ssub.s32 @!p1 $0x0, s12  }
0x29: {  	s12 =	smov.u32 s9;
	s11 =	sadd.s32 $0x1, s11;
	[sflag:s13] =	ssyncset.done @!p1 $0x0  }
0x2a: {  	s9 =	smov.u32 s10;
	s10 =	smov.u32 s14;
	[sflag:s13] =	ssyncadd.s32 @!p1 s15  }
.LBB1_1:
0x2b: {  	p1 =	sge.u32 s11, s6  }
0x2c: {  	s13 =	sand.u32 @!p1 $0x1FFFFFF, s10  }
0x2d: {  	s14 =	smulhi.u32 @!p1 $0xE38E39, s13;
	_ =	sdelay $0x1  }
0x2e: {  	s14 =	sshrl.u32 @!p1 s14, $0x9  }
0x2f: {  	s14 =	smul.u32 @!p1 $0x24000, s14;
	_ =	sdelay $0x1  }
0x30: {  	s15 =	sxor.u32 @!p1 $0xFFFFFFFF, s11;
	s13 =	ssub.s32 @!p1 s13, s14  }
0x31: {  	s31 =	sadd.s32 $0xFFFFFFFF, s11;
	s14 =	sshll.u32 @!p1 s15, $0xE;
	s13 =	sshll.u32 @!p1 s13, $0x4  }
0x32: {  	s15 =	simm.s32 @!p1 $0x0;
	s14 =	sand.u32 @!p1 $0x4000, s14;
	s13 =	sadd.s32 @!p1 s5, s13  }
0x33: {  	[tilespmem:s14], [sflag:$0x1] =	stream.linear.gather @!p1 [hbm4b:s13+s15], $0x4000, $0x38;
	[tilespmem:$0x10100] =	vst v63  }
0x34: {  	p1 =	sge.u32 s31, s6  }
.Ltmp2:
0x35: {  	_ = 	snop;
	(pc) =	sbr.rel @p1 .LBB1_5-.Ltmp2, $1  }
0x36: {  	_ =	sdelay $0x3  }
0x37: {  	s13 =	simm.s32 $0x1  }
0x38: {  	_ =	swait.ge [sflag:s4], $0x4000;
	s13 =	simm.s32 @!p0 $0x0  }
0x39: {  	[sflag:s4] =	ssyncset.done $0x0;
	s14 =	sshll.u32 s13, $0xE  }
0x3a: {  	[sflag:s4] =	ssyncadd.s32 $0xFFFFC000;
	s14 =	sor.u32 $0x40, s14  }
0x3b: {  	s13 =	smul.u32 $0x10200, s13;
	v0 =	vld [tilespmem:s14+$0x30]  }
0x3c: {  	v1 =	vld [tilespmem:s14+$0xFFFFFFD0]  }
0x3d: {  	s13 =	sshrl.u32 s13, $0x2;
	v5 =	vld [tilespmem:s14+$0xFFFFFFE0]  }
0x3e: {  	v6 =	vld [tilespmem:s14+$0xFFFFFFF0];
	s15 =	sor.u32 $0x8000, s13  }
0x3f: {  	s31 =	sand.u32 $0x1, s11;
	v3 =	vld [tilespmem:s14+$0x0];
	s16 =	sadd.s32 $0x0, s15  }
0x40: {  	v4 =	vld [tilespmem:s14+$0x10];
	s13 =	smul.u32 $0x10200, s31;
	[tilespmem:s16+$0x3870 ss:$0x81] =	vst.msk $0xffff, v0  }
0x41: {  	v2 =	vld [tilespmem:s14+$0x20];
	[tilespmem:s16+$0x810 ss:$0x81] =	vst.msk $0xffff, v1  }
0x42: {  	s13 =	sshrl.u32 s13, $0x2;
	v0 =	vld [tilespmem:s14+$0xFFFFFFC0];
	[tilespmem:s16+$0x1020 ss:$0x81] =	vst.msk $0xffff, v5;
	s14 =	sadd.s32 $0x80, s14  }
0x43: {  	s17 =	simm.s32 $0x4;
	s18 =	simm.s32 $0x8;
	s13 =	sor.u32 $0x8000, s13;
	[tilespmem:s16+$0x1830 ss:$0x81] =	vst.msk $0xffff, v6;
	v1 =	vld [tilespmem:s14+$0x30]  }
.LBB1_3:
0x44: {  	p1 =	sne.s32 s18, $0x1FC;
	v5 =	vld [tilespmem:s14+$0xFFFFFFD0];
	[tilespmem:s16+$0x2040 ss:$0x81] =	vst.msk $0xffff, v3  }
0x45: {  	v6 =	vld [tilespmem:s14+$0xFFFFFFE0];
	[tilespmem:s16+$0x2850 ss:$0x81] =	vst.msk $0xffff, v4  }
0x46: {  	s19 =	sshra.s32 s17, $0x2;
	s17 =	smov.u32 s18;
	v7 =	vld [tilespmem:s14+$0xFFFFFFF0];
	[tilespmem:s16+$0x3060 ss:$0x81] =	vst.msk $0xffff, v2  }
.Ltmp3:
0x47: {  	v3 =	vld [tilespmem:s14+$0x0];
	[tilespmem:s16+$0x0 ss:$0x81] =	vst.msk $0xffff, v0;
	s16 =	sadd.s32 s19, s15;
	(pc) =	sbr.rel @p1 .LBB1_3-.Ltmp3, $4  }
0x48: {  	v4 =	vld [tilespmem:s14+$0x10];
	[tilespmem:s16+$0x3870 ss:$0x81] =	vst.msk $0xffff, v1  }
0x49: {  	[tilespmem:s16+$0x810 ss:$0x81] =	vst.msk $0xffff, v5;
	v2 =	vld [tilespmem:s14+$0x20]  }
0x4a: {  	v0 =	vld [tilespmem:s14+$0xFFFFFFC0];
	[tilespmem:s16+$0x1020 ss:$0x81] =	vst.msk $0xffff, v6;
	s14 =	sadd.s32 $0x80, s14  }
0x4b: {  	s18 =	sadd.s32 $0x4, s18;
	v1 =	vld [tilespmem:s14+$0x30];
	[tilespmem:s16+$0x1830 ss:$0x81] =	vst.msk $0xffff, v7  }
.Ltmp4:
0x4c: {  	_ = 	snop;
	(pc) =	sbr.rel .LBB1_4-.Ltmp4, $1  }
0x4d: {  	_ =	sdelay $0x3  }
.LBB1_6:
0x4e: {  	_ =	sfence.sel $0x180000  }
0x4f: {  	s2 =	simm.s32 $0x1;
	[bflag:$0x0] =	sbarrier.arrive $0xFFFF  }
0x50: {  	s31 =	simm.s32 $0x2;
	[sflag:s2] =	ssyncpa.u1 $0x1  }
0x51: {  	[sflag:s31] =	ssyncpa.u1 $0x1  }
0x52: {  	p0 =	sne.s32 s0, $0x0;
	_ =	strace $0x9000004A  }
0x53: {  	s0 =	sadd.s32 @!p0 $0x100000, s1;
	[bflag:$0x2] =	sbarrier.arrive $0xFFFF  }
0x54: {  	[sflag:s0] =	ssyncadd.tile.s32 @!p0 $0x1;
	_ =	shalt  }
.Lfunc_end1:
_tile_overlayer_lowered:
.L_overlay_start_2:
0x55: {  	(tag) =	ssettag $0x2  }
0x56: {  	s0 =	rddreg [dreg:$0x0];
	s2 =	stileid.u32  }
0x57: {  	s1 =	rddreg [dreg:$0x1];
	p0 =	sne.s32 s2, $0x0  }
0x58: {  	s3 =	rddreg [dreg:$0x2];
	[bflag:$0x3] =	sbarrier.arrive $0xFFFF;
	s2 =	simm.s32 @!p0 $0x1C01  }
0x59: {  	[timem:s3], [sflag:s2] =	dma.local @!p0 [hbm:s0], s1  }
0x5a: {  	s0 =	simm.s32 @!p0 $0x1  }
0x5b: {  	_ =	swait.ge @!p0 [sflag:s0], s1  }
0x5c: {  	s1 =	ssub.s32 @!p0 $0x0, s1;
	[sflag:s0] =	ssyncset.done @!p0 $0x0  }
0x5d: {  	[sflag:s0] =	ssyncadd.s32 @!p0 s1  }
0x5e: {  	[bflag:$0x3] =	sbarrier.arrive $0xFFFF  }
0x5f: {  	_ =	shalt  }

</sc_bundles>
